<compile_context>
chip_gen: v7x
topology: tpu7x:2x2x1
jax: 0.10.2.dev20260603
libtpu: 0.0.44.dev20260713+nightly
codegen_flags: <defaults>
</compile_context>

<pallas_src>
import functools

import jax
import jax.numpy as jnp
from jax import lax
from jax.experimental import pallas as pl
from jax.experimental.pallas import tpu as pltpu
from jax.experimental.pallas import tpu_sc as plsc

CH = 128


def _degree_factors(d0, d1):
    cnt = d0 + d1 + 1.0
    inv_deg = 1.0 / (cnt + 1e-8)
    deg2 = cnt * inv_deg
    g = lax.rsqrt(deg2 + 1e-8)
    return inv_deg, g


def _make_sc_kernels(n, d, e, nc, ns):
    nw = nc * ns
    rpt = n // ns
    assert e % CH == 0 and n % (ns * 8) == 0
    nrows = e // CH
    base = nrows // nw
    assert nrows % nw == 0 and base % 2 == 0 and base % 8 == 0

    mesh = plsc.VectorSubcoreMesh(core_axis_name="c", subcore_axis_name="s")

    @functools.partial(
        pl.kernel,
        out_type=jax.ShapeDtypeStruct((2 * n,), jnp.float32),
        mesh=mesh,
        scratch_types=[
            pltpu.VMEM_SHARED((n,), jnp.float32),
            pltpu.VMEM((CH,), jnp.float32),
            pltpu.VMEM((base, CH), jnp.int32),
            pltpu.VMEM((rpt,), jnp.float32),
            pltpu.SemaphoreType.DMA,
        ],
    )
    def deg_kernel(row2_hbm, z1_hbm, ones1_hbm, deg_hbm,
                   deg_sh, onesv, rowv_all, zbuf, sem):
        c = lax.axis_index("c")
        s = lax.axis_index("s")
        wid = c * ns + s
        row0 = s * rpt
        pltpu.sync_copy(z1_hbm, zbuf)
        pltpu.sync_copy(zbuf, deg_sh.at[pl.ds(row0, rpt)])
        pltpu.sync_copy(ones1_hbm, onesv)
        rbase = wid * base
        pltpu.sync_copy(row2_hbm.at[pl.ds(rbase, base)], rowv_all)
        plsc.subcore_barrier()

        def fire(i, carry):
            pltpu.async_copy(onesv, deg_sh.at[rowv_all.at[i]], sem, add=True)
            return carry

        def drain(i, carry):
            pltpu.make_async_copy(onesv, deg_sh.at[rowv_all.at[i]],
                                  sem).wait()
            return carry

        gdepth = 10 if base % 10 == 0 else 2
        assert base % gdepth == 0

        def group(gi, carry):
            lax.fori_loop(gi * gdepth, (gi + 1) * gdepth, fire, 0)
            lax.fori_loop(gi * gdepth, (gi + 1) * gdepth, drain, 0)
            return carry

        lax.fori_loop(0, base // gdepth, group, 0)
        plsc.subcore_barrier()
        pltpu.sync_copy(deg_sh.at[pl.ds(row0, rpt)], zbuf)
        pltpu.sync_copy(zbuf, deg_hbm.at[pl.ds(c * n + row0, rpt)])

    @functools.partial(
        pl.kernel,
        out_type=jax.ShapeDtypeStruct((2, n, d), jnp.float32),
        mesh=mesh,
        scratch_types=[
            pltpu.VMEM_SHARED((n, d), jnp.float32),
            pltpu.VMEM((base, CH), jnp.int32),
            pltpu.VMEM((CH, d), jnp.float32),
            pltpu.VMEM((CH, d), jnp.float32),
            pltpu.VMEM((CH,), jnp.int32),
            pltpu.VMEM((CH,), jnp.int32),
            pltpu.VMEM((CH,), jnp.int32),
            pltpu.VMEM((CH,), jnp.int32),
            pltpu.SemaphoreType.DMA,
            pltpu.SemaphoreType.DMA,
        ],
    )
    def spmv_kernel(y_hbm, pk2_hbm, zrows_hbm, s_hbm,
                    acc_sh, pk_all, gbuf0, gbuf1,
                    rowv0, colv0, rowv1, colv1, sem0, sem1):
        c = lax.axis_index("c")
        s = lax.axis_index("s")
        wid = c * ns + s
        row0 = s * rpt
        pltpu.sync_copy(zrows_hbm, acc_sh.at[pl.ds(row0, rpt)])
        rbase = wid * base
        pltpu.sync_copy(pk2_hbm.at[pl.ds(rbase, base)], pk_all)
        plsc.subcore_barrier()

        def unpack(i, rowv, colv):
            def lane(j, carry):
                v = pk_all[i, pl.ds(j * 16, 16)]
                rowv[pl.ds(j * 16, 16)] = jnp.bitwise_and(v, 0xFFFF)
                colv[pl.ds(j * 16, 16)] = jnp.right_shift(v, 16)
                return carry

            lax.fori_loop(0, CH // 16, lane, 0)

        def start_g(buf, colv, sem):
            pltpu.async_copy(y_hbm.at[colv], buf, sem)

        def wait_g(buf, colv, sem):
            pltpu.make_async_copy(y_hbm.at[colv], buf, sem).wait()

        def scat(buf, rowv):
            pltpu.sync_copy(buf, acc_sh.at[rowv], add=True)

        nh = base // 2
        unpack(0, rowv0, colv0)
        start_g(gbuf0, colv0, sem0)

        def body(g, carry):
            i0 = 2 * g
            unpack(i0 + 1, rowv1, colv1)
            start_g(gbuf1, colv1, sem1)
            wait_g(gbuf0, colv0, sem0)
            scat(gbuf0, rowv0)

            @pl.when(g + 1 < nh)
            def _():
                unpack(i0 + 2, rowv0, colv0)
                start_g(gbuf0, colv0, sem0)

            wait_g(gbuf1, colv1, sem1)
            scat(gbuf1, rowv1)
            return carry

        lax.fori_loop(0, nh, body, 0)
        plsc.subcore_barrier()
        pltpu.sync_copy(acc_sh.at[pl.ds(row0, rpt)],
                        s_hbm.at[c, pl.ds(row0, rpt)])

    return deg_kernel, spmv_kernel


def _make_tc_kernels(n, d, br):
    grid = (n // br,)
    row_spec = pl.BlockSpec((br, d), lambda i: (i, 0))
    deg_spec = pl.BlockSpec((br, 1), lambda i: (i, 0))
    s_spec = pl.BlockSpec((2, br, d), lambda i: (0, i, 0))
    fdt = jax.ShapeDtypeStruct((n, d), jnp.float32)

    def scale0_body(x_ref, d0_ref, d1_ref, y_ref):
        _, g = _degree_factors(d0_ref[...], d1_ref[...])
        y_ref[...] = g * x_ref[...]

    scale0 = pl.pallas_call(
        scale0_body, grid=grid,
        in_specs=[row_spec, deg_spec, deg_spec],
        out_specs=row_spec, out_shape=fdt)

    def update_body(s_ref, y_ref, d0_ref, d1_ref, y2_ref):
        inv_deg, g = _degree_factors(d0_ref[...], d1_ref[...])
        p = inv_deg * g * g
        y2_ref[...] = p * (s_ref[0] + s_ref[1] + y_ref[...])

    update = pl.pallas_call(
        update_body, grid=grid,
        in_specs=[s_spec, row_spec, deg_spec, deg_spec],
        out_specs=row_spec, out_shape=fdt)

    def final_body(s_ref, y0_ref, y1_ref, y2_ref, d0_ref, d1_ref, o_ref):
        inv_deg, g = _degree_factors(d0_ref[...], d1_ref[...])
        p = inv_deg * g * g
        y3 = p * (s_ref[0] + s_ref[1] + y2_ref[...])
        o_ref[...] = (y0_ref[...] + y1_ref[...] + y2_ref[...] + y3) \
            * (0.25 / g)

    final = pl.pallas_call(
        final_body, grid=grid,
        in_specs=[s_spec, row_spec, row_spec, row_spec, deg_spec, deg_spec],
        out_specs=row_spec, out_shape=fdt)

    return scale0, update, final


def kernel(x, edge_index):
    n, d = x.shape
    e = edge_index.shape[1]
    try:
        info = plsc.get_sparse_core_info()
        nc, ns = info.num_cores, info.num_subcores
    except Exception:
        nc, ns = 2, 16
    nw = nc * ns
    n_pad = -(-n // (ns * 8)) * (ns * 8)
    e_pad = -(-e // (nw * 8 * CH)) * (nw * 8 * CH)
    if e_pad != e and n_pad == n:
        n_pad += ns * 8
    rpt = n_pad // ns

    deg_k, spmv_k = _make_sc_kernels(n_pad, d, e_pad, nc, ns)
    scale0, update, final = _make_tc_kernels(n_pad, d, br=n_pad // 8)

    assert n_pad < 2 ** 15
    row = edge_index[0]
    col = edge_index[1]
    if e_pad != e:
        dummy = n + (jnp.arange(e_pad - e, dtype=jnp.int32) % (n_pad - n))
        row = jnp.concatenate([row, dummy])
        col = jnp.concatenate([col, dummy])
    row2 = row.reshape(e_pad // CH, CH)
    pk2 = (row | (col << 16)).reshape(e_pad // CH, CH)
    xp = jnp.pad(x, ((0, n_pad - n), (0, 0))) if n_pad != n else x
    zrows = jnp.zeros((rpt, d), jnp.float32)
    z1 = jnp.zeros((rpt,), jnp.float32)
    ones1 = jnp.ones((CH,), jnp.float32)

    deg = deg_k(row2, z1, ones1)
    d0 = deg[:n_pad, None]
    d1 = deg[n_pad:, None]
    ys = [scale0(xp, d0, d1)]
    for k in range(2):
        s = spmv_k(ys[-1], pk2, zrows)
        ys.append(update(s, ys[-1], d0, d1))
    s = spmv_k(ys[-1], pk2, zrows)
    out = final(s, ys[0], ys[1], ys[2], d0, d1)
    return out[:n] if n_pad != n else out

# --- scband reference (transcript-rebuilt; emitter-appended) ---
"""Pipeline reference for scband-light-gcn-70669391888644 (READ-ONLY COPY).

The authoritative reference and input builder live on the scoring server;
editing this copy changes nothing except your own understanding.
"""

import jax, jax.numpy as jnp
import numpy as np

K = 3
N_NODES = 10000
N_EDGES = 320000
D_FEAT = 128


def setup_inputs(seed: int = 0) -> dict:
    key = jax.random.key(seed)
    k1, k2 = jax.random.split(key)
    x = jax.random.normal(k1, (N_NODES, D_FEAT), dtype=jnp.float32)
    edge_index = jax.random.randint(k2, (2, N_EDGES), 0, N_NODES, dtype=jnp.int32)
    return {"x": x, "edge_index": edge_index}


def _norm_adj(edge_index, num_nodes):
    row = edge_index[0]
    col = edge_index[1]
    # add self loops (adj.add_self_loop())
    loop = jnp.arange(num_nodes, dtype=row.dtype)
    row = jnp.concatenate([row, loop], axis=0)
    col = jnp.concatenate([col, loop], axis=0)
    w = jnp.ones(row.shape[0], dtype=jnp.float32)
    # deg = unsorted_segment_sum(edge_weight, edge_index[0], num_nodes)
    deg = jax.ops.segment_sum(w, row, num_segments=num_nodes)
    inv_deg = jnp.power(deg + 1e-8, -1.0)
    # transition = rmatmul_diag(inv_deg): scale row i of A by inv_deg[i]
    w = w * inv_deg[row]
    # gcn_norm_adj(transition): symmetric normalization D^-1/2 A D^-1/2
    deg2 = jax.ops.segment_sum(w, row, num_segments=num_nodes)
    d_inv_sqrt = jnp.power(deg2 + 1e-8, -0.5)
    w = d_inv_sqrt[row] * w * d_inv_sqrt[col]
    return row, col, w


def reference(x, edge_index):
    num_nodes = x.shape[0]
    row, col, w = _norm_adj(edge_index, num_nodes)
    h = x
    h_list = [h]
    for _ in range(K):
        # sparse matmul: out[row] += w * h[col]
        msgs = w[:, None] * jnp.take(h, col, axis=0)
        h = jax.ops.segment_sum(msgs, row, num_segments=num_nodes)
        h_list.append(h)
    h_matrix = jnp.stack(h_list, axis=0)
    return jnp.mean(h_matrix, axis=0)

if __name__ == "__main__":
    import jax
    _d = setup_inputs()
    print(jax.jit(kernel)(*tuple(_d.values())))

</pallas_src>

<mosaic_0001>
#map = affine_map<(d0, d1) -> (0, 0)>
#map1 = affine_map<(d0, d1) -> (0)>
module attributes {stable_mosaic.version = 14 : i64} {
  func.func @deg_kernel(%arg0: i32, %arg1: i32, %arg2: memref<2560x128xi32, #tpu.memory_space<hbm>>, %arg3: memref<632xf32, #tpu.memory_space<hbm>>, %arg4: memref<128xf32, #tpu.memory_space<hbm>>, %arg5: memref<20224xf32, #tpu.memory_space<hbm>>, %arg6: memref<10112xf32, #tpu.memory_space<vmem_shared>>, %arg7: memref<128xf32, #tpu.memory_space<vmem>>, %arg8: memref<80x128xi32, #tpu.memory_space<vmem>>, %arg9: memref<632xf32, #tpu.memory_space<vmem>>, %arg10: memref<!tpu.dma_semaphore, #tpu.memory_space<semaphore_mem>>) attributes {dimension_semantics = [#tpu.dimension_semantics<core_parallel>, #tpu.dimension_semantics<subcore_parallel>], iteration_bounds = array<i64: 2, 16>, scalar_prefetch = 0 : i64, scratch_operands = 5 : i64, tpu.core_type = #tpu.core_type<sc_vector_subcore>, window_params = [{transform_indices = #map}, {transform_indices = #map1}, {transform_indices = #map1}, {transform_indices = #map1}]} {
    %mul3A = arith.constant 16 : i32
    %mul3A_0 = arith.muli %arg0, %mul3A : i32
    %add3A = arith.addi %mul3A_0, %arg1 : i32
    %mul3A_1 = arith.constant 632 : i32
    %mul3A_2 = arith.muli %arg1, %mul3A_1 : i32
    "tpu.region"() ({
      %run_scoped3A = tpu.sem_alloc : memref<!tpu.dma_semaphore, #tpu.memory_space<semaphore_mem>>
      tpu.enqueue_dma source(%arg3 : memref<632xf32, #tpu.memory_space<hbm>>) target(%arg9 : memref<632xf32, #tpu.memory_space<vmem>>) target_semaphore(%run_scoped3A : memref<!tpu.dma_semaphore, #tpu.memory_space<semaphore_mem>>)
      tpu.wait_dma2 semaphore(%run_scoped3A : memref<!tpu.dma_semaphore, #tpu.memory_space<semaphore_mem>>) src(%arg3 : memref<632xf32, #tpu.memory_space<hbm>>) dst(%arg9 : memref<632xf32, #tpu.memory_space<vmem>>)
      tpu.yield
    }) : () -> ()
    "tpu.region"() ({
      %run_scoped3A = tpu.sem_alloc : memref<!tpu.dma_semaphore, #tpu.memory_space<semaphore_mem>>
      %dma_start3A = tpu.memref_slice %arg6[%mul3A_2] : memref<10112xf32, #tpu.memory_space<vmem_shared>> -> memref<632xf32, #tpu.memory_space<vmem_shared>>
      %dma_start3A_14 = tpu.memref_slice %arg6[%mul3A_2] : memref<10112xf32, #tpu.memory_space<vmem_shared>> -> memref<632xf32, #tpu.memory_space<vmem_shared>>
      tpu.enqueue_dma source(%arg9 : memref<632xf32, #tpu.memory_space<vmem>>) target(%dma_start3A_14 : memref<632xf32, #tpu.memory_space<vmem_shared>>) target_semaphore(%run_scoped3A : memref<!tpu.dma_semaphore, #tpu.memory_space<semaphore_mem>>)
      %dma_wait3A = tpu.memref_slice %arg6[%mul3A_2] : memref<10112xf32, #tpu.memory_space<vmem_shared>> -> memref<632xf32, #tpu.memory_space<vmem_shared>>
      %dma_wait3A_15 = tpu.memref_slice %arg6[%mul3A_2] : memref<10112xf32, #tpu.memory_space<vmem_shared>> -> memref<632xf32, #tpu.memory_space<vmem_shared>>
      tpu.wait_dma2 semaphore(%run_scoped3A : memref<!tpu.dma_semaphore, #tpu.memory_space<semaphore_mem>>) src(%arg9 : memref<632xf32, #tpu.memory_space<vmem>>) dst(%dma_wait3A_15 : memref<632xf32, #tpu.memory_space<vmem_shared>>)
      tpu.yield
    }) : () -> ()
    "tpu.region"() ({
      %run_scoped3A = tpu.sem_alloc : memref<!tpu.dma_semaphore, #tpu.memory_space<semaphore_mem>>
      tpu.enqueue_dma source(%arg4 : memref<128xf32, #tpu.memory_space<hbm>>) target(%arg7 : memref<128xf32, #tpu.memory_space<vmem>>) target_semaphore(%run_scoped3A : memref<!tpu.dma_semaphore, #tpu.memory_space<semaphore_mem>>)
      tpu.wait_dma2 semaphore(%run_scoped3A : memref<!tpu.dma_semaphore, #tpu.memory_space<semaphore_mem>>) src(%arg4 : memref<128xf32, #tpu.memory_space<hbm>>) dst(%arg7 : memref<128xf32, #tpu.memory_space<vmem>>)
      tpu.yield
    }) : () -> ()
    %mul3A_3 = arith.constant 80 : i32
    %mul3A_4 = arith.muli %add3A, %mul3A_3 : i32
    "tpu.region"() ({
      %run_scoped3A = tpu.sem_alloc : memref<!tpu.dma_semaphore, #tpu.memory_space<semaphore_mem>>
      %dma_start3A = arith.constant 0 : i32
      %dma_start3A_14 = tpu.memref_slice %arg2[%mul3A_4, %dma_start3A] : memref<2560x128xi32, #tpu.memory_space<hbm>> -> memref<80x128xi32, #tpu.memory_space<hbm>>
      %dma_start3A_15 = arith.constant 0 : i32
      %dma_start3A_16 = tpu.memref_slice %arg2[%mul3A_4, %dma_start3A_15] : memref<2560x128xi32, #tpu.memory_space<hbm>> -> memref<80x128xi32, #tpu.memory_space<hbm>>
      tpu.enqueue_dma source(%dma_start3A_16 : memref<80x128xi32, #tpu.memory_space<hbm>>) target(%arg8 : memref<80x128xi32, #tpu.memory_space<vmem>>) target_semaphore(%run_scoped3A : memref<!tpu.dma_semaphore, #tpu.memory_space<semaphore_mem>>)
      %dma_wait3A = arith.constant 0 : i32
      %dma_wait3A_17 = tpu.memref_slice %arg2[%mul3A_4, %dma_wait3A] : memref<2560x128xi32, #tpu.memory_space<hbm>> -> memref<80x128xi32, #tpu.memory_space<hbm>>
      %dma_wait3A_18 = arith.constant 0 : i32
      %dma_wait3A_19 = tpu.memref_slice %arg2[%mul3A_4, %dma_wait3A_18] : memref<2560x128xi32, #tpu.memory_space<hbm>> -> memref<80x128xi32, #tpu.memory_space<hbm>>
      tpu.wait_dma2 semaphore(%run_scoped3A : memref<!tpu.dma_semaphore, #tpu.memory_space<semaphore_mem>>) src(%dma_wait3A_19 : memref<80x128xi32, #tpu.memory_space<hbm>>) dst(%arg8 : memref<80x128xi32, #tpu.memory_space<vmem>>)
      tpu.yield
    }) : () -> ()
    %barrier3A = arith.constant 0 : index
    tpu.barrier barrier_id(%barrier3A)
    %scan3A = arith.constant 0 : i32
    %scan3A_5 = arith.constant 0 : i32
    %scan3A_6 = arith.constant 8 : i32
    %scan3A_7 = arith.addi %scan3A_5, %scan3A_6 : i32
    %scan3A_8 = arith.constant 1 : i32
    scf.for %scan3A_14 = %scan3A_5 to %scan3A_7 step %scan3A_8  : i32 {
      %mul3A_15 = arith.constant 10 : i32
      %mul3A_16 = arith.muli %scan3A_14, %mul3A_15 : i32
      %add3A_17 = arith.constant 1 : i32
      %add3A_18 = arith.addi %scan3A_14, %add3A_17 : i32
      %mul3A_19 = arith.constant 10 : i32
      %mul3A_20 = arith.muli %add3A_18, %mul3A_19 : i32
      %while3A = arith.constant 0 : i32
      %while3A_21 = arith.subi %mul3A_20, %mul3A_16 : i32
      %while3A_22 = arith.addi %mul3A_16, %while3A_21 : i32
      %while3A_23 = arith.constant 1 : i32
      %while3A_24 = arith.divsi %while3A_21, %while3A_23 : i32
      %while3A_25 = arith.muli %while3A_24, %while3A_23 : i32
      %while3A_26 = arith.addi %mul3A_16, %while3A_25 : i32
      %while3A_27 = arith.constant 1 : i32
      scf.for %while3A_44 = %mul3A_16 to %while3A_26 step %while3A_27  : i32 {
        %dma_start3A = arith.constant 0 : i32
        %dma_start3A_45 = tpu.memref_slice %arg8[%while3A_44, %dma_start3A] : memref<80x128xi32, #tpu.memory_space<vmem>> -> memref<1x128xi32, #tpu.memory_space<vmem>>
        %dma_start3A_46 = tpu.memref_squeeze %dma_start3A_45 : memref<1x128xi32, #tpu.memory_space<vmem>> -> memref<128xi32, #tpu.memory_space<vmem>>
        %dma_start3A_47 = arith.constant 0 : i32
        %dma_start3A_48 = tpu.memref_slice %arg6[%dma_start3A_47] : memref<10112xf32, #tpu.memory_space<vmem_shared>> -> memref<10112xf32, #tpu.memory_space<vmem_shared>>
        tpu.enqueue_indirect_dma source(%arg7 : memref<128xf32, #tpu.memory_space<vmem>>) target(%dma_start3A_48 : memref<10112xf32, #tpu.memory_space<vmem_shared>>) offsets(%dma_start3A_46 : memref<128xi32, #tpu.memory_space<vmem>>) semaphore(%arg10 : memref<!tpu.dma_semaphore, #tpu.memory_space<semaphore_mem>>) {add = true}
      }
      %while3A_28 = arith.constant 1 : i32
      scf.for %while3A_44 = %while3A_26 to %while3A_22 step %while3A_28  : i32 {
        %dma_start3A = arith.constant 0 : i32
        %dma_start3A_45 = tpu.memref_slice %arg8[%while3A_44, %dma_start3A] : memref<80x128xi32, #tpu.memory_space<vmem>> -> memref<1x128xi32, #tpu.memory_space<vmem>>
        %dma_start3A_46 = tpu.memref_squeeze %dma_start3A_45 : memref<1x128xi32, #tpu.memory_space<vmem>> -> memref<128xi32, #tpu.memory_space<vmem>>
        %dma_start3A_47 = arith.constant 0 : i32
        %dma_start3A_48 = tpu.memref_slice %arg6[%dma_start3A_47] : memref<10112xf32, #tpu.memory_space<vmem_shared>> -> memref<10112xf32, #tpu.memory_space<vmem_shared>>
        tpu.enqueue_indirect_dma source(%arg7 : memref<128xf32, #tpu.memory_space<vmem>>) target(%dma_start3A_48 : memref<10112xf32, #tpu.memory_space<vmem_shared>>) offsets(%dma_start3A_46 : memref<128xi32, #tpu.memory_space<vmem>>) semaphore(%arg10 : memref<!tpu.dma_semaphore, #tpu.memory_space<semaphore_mem>>) {add = true}
      }
      %mul3A_29 = arith.constant 10 : i32
      %mul3A_30 = arith.muli %scan3A_14, %mul3A_29 : i32
      %add3A_31 = arith.constant 1 : i32
      %add3A_32 = arith.addi %scan3A_14, %add3A_31 : i32
      %mul3A_33 = arith.constant 10 : i32
      %mul3A_34 = arith.muli %add3A_32, %mul3A_33 : i32
      %while3A_35 = arith.constant 0 : i32
      %while3A_36 = arith.subi %mul3A_34, %mul3A_30 : i32
      %while3A_37 = arith.addi %mul3A_30, %while3A_36 : i32
      %while3A_38 = arith.constant 1 : i32
      %while3A_39 = arith.divsi %while3A_36, %while3A_38 : i32
      %while3A_40 = arith.muli %while3A_39, %while3A_38 : i32
      %while3A_41 = arith.addi %mul3A_30, %while3A_40 : i32
      %while3A_42 = arith.constant 1 : i32
      scf.for %while3A_44 = %mul3A_30 to %while3A_41 step %while3A_42  : i32 {
        %dma_wait3A = arith.constant 0 : i32
        %dma_wait3A_45 = tpu.memref_slice %arg8[%while3A_44, %dma_wait3A] : memref<80x128xi32, #tpu.memory_space<vmem>> -> memref<1x128xi32, #tpu.memory_space<vmem>>
        %dma_wait3A_46 = tpu.memref_squeeze %dma_wait3A_45 : memref<1x128xi32, #tpu.memory_space<vmem>> -> memref<128xi32, #tpu.memory_space<vmem>>
        %dma_wait3A_47 = arith.constant 0 : i32
        %dma_wait3A_48 = tpu.memref_slice %arg6[%dma_wait3A_47] : memref<10112xf32, #tpu.memory_space<vmem_shared>> -> memref<10112xf32, #tpu.memory_space<vmem_shared>>
        tpu.wait_indirect_dma semaphore(%arg10 : memref<!tpu.dma_semaphore, #tpu.memory_space<semaphore_mem>>) src(%arg7 : memref<128xf32, #tpu.memory_space<vmem>>) dst(%dma_wait3A_48 : memref<10112xf32, #tpu.memory_space<vmem_shared>>)
      }
      %while3A_43 = arith.constant 1 : i32
      scf.for %while3A_44 = %while3A_41 to %while3A_37 step %while3A_43  : i32 {
        %dma_wait3A = arith.constant 0 : i32
        %dma_wait3A_45 = tpu.memref_slice %arg8[%while3A_44, %dma_wait3A] : memref<80x128xi32, #tpu.memory_space<vmem>> -> memref<1x128xi32, #tpu.memory_space<vmem>>
        %dma_wait3A_46 = tpu.memref_squeeze %dma_wait3A_45 : memref<1x128xi32, #tpu.memory_space<vmem>> -> memref<128xi32, #tpu.memory_space<vmem>>
        %dma_wait3A_47 = arith.constant 0 : i32
        %dma_wait3A_48 = tpu.memref_slice %arg6[%dma_wait3A_47] : memref<10112xf32, #tpu.memory_space<vmem_shared>> -> memref<10112xf32, #tpu.memory_space<vmem_shared>>
        tpu.wait_indirect_dma semaphore(%arg10 : memref<!tpu.dma_semaphore, #tpu.memory_space<semaphore_mem>>) src(%arg7 : memref<128xf32, #tpu.memory_space<vmem>>) dst(%dma_wait3A_48 : memref<10112xf32, #tpu.memory_space<vmem_shared>>)
      }
    }
    %scan3A_9 = arith.constant 8 : i32
    %barrier3A_10 = arith.constant 0 : index
    tpu.barrier barrier_id(%barrier3A_10)
    "tpu.region"() ({
      %run_scoped3A = tpu.sem_alloc : memref<!tpu.dma_semaphore, #tpu.memory_space<semaphore_mem>>
      %dma_start3A = tpu.memref_slice %arg6[%mul3A_2] : memref<10112xf32, #tpu.memory_space<vmem_shared>> -> memref<632xf32, #tpu.memory_space<vmem_shared>>
      %dma_start3A_14 = tpu.memref_slice %arg6[%mul3A_2] : memref<10112xf32, #tpu.memory_space<vmem_shared>> -> memref<632xf32, #tpu.memory_space<vmem_shared>>
      tpu.enqueue_dma source(%dma_start3A_14 : memref<632xf32, #tpu.memory_space<vmem_shared>>) target(%arg9 : memref<632xf32, #tpu.memory_space<vmem>>) target_semaphore(%run_scoped3A : memref<!tpu.dma_semaphore, #tpu.memory_space<semaphore_mem>>)
      %dma_wait3A = tpu.memref_slice %arg6[%mul3A_2] : memref<10112xf32, #tpu.memory_space<vmem_shared>> -> memref<632xf32, #tpu.memory_space<vmem_shared>>
      %dma_wait3A_15 = tpu.memref_slice %arg6[%mul3A_2] : memref<10112xf32, #tpu.memory_space<vmem_shared>> -> memref<632xf32, #tpu.memory_space<vmem_shared>>
      tpu.wait_dma2 semaphore(%run_scoped3A : memref<!tpu.dma_semaphore, #tpu.memory_space<semaphore_mem>>) src(%dma_wait3A_15 : memref<632xf32, #tpu.memory_space<vmem_shared>>) dst(%arg9 : memref<632xf32, #tpu.memory_space<vmem>>)
      tpu.yield
    }) : () -> ()
    %mul3A_11 = arith.constant 10112 : i32
    %mul3A_12 = arith.muli %arg0, %mul3A_11 : i32
    %add3A_13 = arith.addi %mul3A_12, %mul3A_2 : i32
    "tpu.region"() ({
      %run_scoped3A = tpu.sem_alloc : memref<!tpu.dma_semaphore, #tpu.memory_space<semaphore_mem>>
      %dma_start3A = tpu.memref_slice %arg5[%add3A_13] : memref<20224xf32, #tpu.memory_space<hbm>> -> memref<632xf32, #tpu.memory_space<hbm>>
      %dma_start3A_14 = tpu.memref_slice %arg5[%add3A_13] : memref<20224xf32, #tpu.memory_space<hbm>> -> memref<632xf32, #tpu.memory_space<hbm>>
      tpu.enqueue_dma source(%arg9 : memref<632xf32, #tpu.memory_space<vmem>>) target(%dma_start3A_14 : memref<632xf32, #tpu.memory_space<hbm>>) target_semaphore(%run_scoped3A : memref<!tpu.dma_semaphore, #tpu.memory_space<semaphore_mem>>)
      %dma_wait3A = tpu.memref_slice %arg5[%add3A_13] : memref<20224xf32, #tpu.memory_space<hbm>> -> memref<632xf32, #tpu.memory_space<hbm>>
      %dma_wait3A_15 = tpu.memref_slice %arg5[%add3A_13] : memref<20224xf32, #tpu.memory_space<hbm>> -> memref<632xf32, #tpu.memory_space<hbm>>
      tpu.wait_dma2 semaphore(%run_scoped3A : memref<!tpu.dma_semaphore, #tpu.memory_space<semaphore_mem>>) src(%arg9 : memref<632xf32, #tpu.memory_space<vmem>>) dst(%dma_wait3A_15 : memref<632xf32, #tpu.memory_space<hbm>>)
      tpu.yield
    }) : () -> ()
    return
  }
}

#map = affine_map<(d0, d1) -> (0, 0)>
#map1 = affine_map<(d0, d1) -> (0, 0, 0)>
module attributes {stable_mosaic.version = 14 : i64} {
  func.func @spmv_kernel(%arg0: i32, %arg1: i32, %arg2: memref<10112x128xf32, #tpu.memory_space<hbm>>, %arg3: memref<2560x128xi32, #tpu.memory_space<hbm>>, %arg4: memref<632x128xf32, #tpu.memory_space<hbm>>, %arg5: memref<2x10112x128xf32, #tpu.memory_space<hbm>>, %arg6: memref<10112x128xf32, #tpu.memory_space<vmem_shared>>, %arg7: memref<80x128xi32, #tpu.memory_space<vmem>>, %arg8: memref<128x128xf32, #tpu.memory_space<vmem>>, %arg9: memref<128x128xf32, #tpu.memory_space<vmem>>, %arg10: memref<128xi32, #tpu.memory_space<vmem>>, %arg11: memref<128xi32, #tpu.memory_space<vmem>>, %arg12: memref<128xi32, #tpu.memory_space<vmem>>, %arg13: memref<128xi32, #tpu.memory_space<vmem>>, %arg14: memref<!tpu.dma_semaphore, #tpu.memory_space<semaphore_mem>>, %arg15: memref<!tpu.dma_semaphore, #tpu.memory_space<semaphore_mem>>) attributes {dimension_semantics = [#tpu.dimension_semantics<core_parallel>, #tpu.dimension_semantics<subcore_parallel>], iteration_bounds = array<i64: 2, 16>, scalar_prefetch = 0 : i64, scratch_operands = 10 : i64, tpu.core_type = #tpu.core_type<sc_vector_subcore>, window_params = [{transform_indices = #map}, {transform_indices = #map}, {transform_indices = #map}, {transform_indices = #map1}]} {
    %mul3A = arith.constant 16 : i32
    %mul3A_0 = arith.muli %arg0, %mul3A : i32
    %add3A = arith.addi %mul3A_0, %arg1 : i32
    %mul3A_1 = arith.constant 632 : i32
    %mul3A_2 = arith.muli %arg1, %mul3A_1 : i32
    "tpu.region"() ({
      %run_scoped3A = tpu.sem_alloc : memref<!tpu.dma_semaphore, #tpu.memory_space<semaphore_mem>>
      %dma_start3A_19 = arith.constant 0 : i32
      %dma_start3A_20 = tpu.memref_slice %arg6[%mul3A_2, %dma_start3A_19] : memref<10112x128xf32, #tpu.memory_space<vmem_shared>> -> memref<632x128xf32, #tpu.memory_space<vmem_shared>>
      tpu.enqueue_dma source(%arg4 : memref<632x128xf32, #tpu.memory_space<hbm>>) target(%dma_start3A_20 : memref<632x128xf32, #tpu.memory_space<vmem_shared>>) target_semaphore(%run_scoped3A : memref<!tpu.dma_semaphore, #tpu.memory_space<semaphore_mem>>)
      %dma_wait3A = arith.constant 0 : i32
      %dma_wait3A_21 = tpu.memref_slice %arg6[%mul3A_2, %dma_wait3A] : memref<10112x128xf32, #tpu.memory_space<vmem_shared>> -> memref<632x128xf32, #tpu.memory_space<vmem_shared>>
      tpu.wait_dma2 semaphore(%run_scoped3A : memref<!tpu.dma_semaphore, #tpu.memory_space<semaphore_mem>>) src(%arg4 : memref<632x128xf32, #tpu.memory_space<hbm>>) dst(%dma_wait3A_21 : memref<632x128xf32, #tpu.memory_space<vmem_shared>>)
      tpu.yield
    }) : () -> ()
    %mul3A_3 = arith.constant 80 : i32
    %mul3A_4 = arith.muli %add3A, %mul3A_3 : i32
    "tpu.region"() ({
      %run_scoped3A = tpu.sem_alloc : memref<!tpu.dma_semaphore, #tpu.memory_space<semaphore_mem>>
      %dma_start3A_19 = arith.constant 0 : i32
      %dma_start3A_20 = tpu.memref_slice %arg3[%mul3A_4, %dma_start3A_19] : memref<2560x128xi32, #tpu.memory_space<hbm>> -> memref<80x128xi32, #tpu.memory_space<hbm>>
      %dma_start3A_21 = arith.constant 0 : i32
      %dma_start3A_22 = tpu.memref_slice %arg3[%mul3A_4, %dma_start3A_21] : memref<2560x128xi32, #tpu.memory_space<hbm>> -> memref<80x128xi32, #tpu.memory_space<hbm>>
      tpu.enqueue_dma source(%dma_start3A_22 : memref<80x128xi32, #tpu.memory_space<hbm>>) target(%arg7 : memref<80x128xi32, #tpu.memory_space<vmem>>) target_semaphore(%run_scoped3A : memref<!tpu.dma_semaphore, #tpu.memory_space<semaphore_mem>>)
      %dma_wait3A = arith.constant 0 : i32
      %dma_wait3A_23 = tpu.memref_slice %arg3[%mul3A_4, %dma_wait3A] : memref<2560x128xi32, #tpu.memory_space<hbm>> -> memref<80x128xi32, #tpu.memory_space<hbm>>
      %dma_wait3A_24 = arith.constant 0 : i32
      %dma_wait3A_25 = tpu.memref_slice %arg3[%mul3A_4, %dma_wait3A_24] : memref<2560x128xi32, #tpu.memory_space<hbm>> -> memref<80x128xi32, #tpu.memory_space<hbm>>
      tpu.wait_dma2 semaphore(%run_scoped3A : memref<!tpu.dma_semaphore, #tpu.memory_space<semaphore_mem>>) src(%dma_wait3A_25 : memref<80x128xi32, #tpu.memory_space<hbm>>) dst(%arg7 : memref<80x128xi32, #tpu.memory_space<vmem>>)
      tpu.yield
    }) : () -> ()
    %barrier3A = arith.constant 0 : index
    tpu.barrier barrier_id(%barrier3A)
    %scan3A = arith.constant 0 : i32
    %scan3A_5 = arith.constant 0 : i32
    %scan3A_6 = arith.constant 8 : i32
    %scan3A_7 = arith.addi %scan3A_5, %scan3A_6 : i32
    %scan3A_8 = arith.constant 1 : i32
    scf.for %scan3A_19 = %scan3A_5 to %scan3A_7 step %scan3A_8  : i32 {
      %mul3A_20 = arith.constant 16 : i32
      %mul3A_21 = arith.muli %scan3A_19, %mul3A_20 : i32
      %get3A = arith.constant 0 : i32
      %get3A_22 = arith.index_cast %get3A : i32 to index
      %get3A_23 = arith.index_cast %mul3A_21 : i32 to index
      %get3A_24 = tpu.vector_load %arg7[%get3A_22, %get3A_23] {strides = array<i32>} : memref<80x128xi32, #tpu.memory_space<vmem>>, vector<1x16xi32>,
      %get3A_25 = vector.shape_cast %get3A_24 : vector<1x16xi32> to vector<16xi32>
      %and3A = arith.constant 65535 : i32
      %and3A_26 = vector.broadcast %and3A : i32 to vector<16xi32>
      %and3A_27 = arith.andi %get3A_25, %and3A_26 : vector<16xi32>
      %mul3A_28 = arith.constant 16 : i32
      %mul3A_29 = arith.muli %scan3A_19, %mul3A_28 : i32
      %swap3A = arith.index_cast %mul3A_29 : i32 to index
      %swap3A_30 = tpu.vector_load %arg10[%swap3A] {strides = array<i32>} : memref<128xi32, #tpu.memory_space<vmem>>, vector<16xi32>,
      %swap3A_31 = vector.shape_cast %swap3A_30 : vector<16xi32> to vector<16xi32>
      %swap3A_32 = vector.shape_cast %and3A_27 : vector<16xi32> to vector<16xi32>
      tpu.vector_store %arg10[%swap3A], %swap3A_32 {strides = array<i32>} : memref<128xi32, #tpu.memory_space<vmem>>, vector<16xi32>,
      %shift_right_arithmetic3A = arith.constant 16 : i32
      %shift_right_arithmetic3A_33 = vector.broadcast %shift_right_arithmetic3A : i32 to vector<16xi32>
      %shift_right_arithmetic3A_34 = arith.shrsi %get3A_25, %shift_right_arithmetic3A_33 : vector<16xi32>
      %mul3A_35 = arith.constant 16 : i32
      %mul3A_36 = arith.muli %scan3A_19, %mul3A_35 : i32
      %swap3A_37 = arith.index_cast %mul3A_36 : i32 to index
      %swap3A_38 = tpu.vector_load %arg11[%swap3A_37] {strides = array<i32>} : memref<128xi32, #tpu.memory_space<vmem>>, vector<16xi32>,
      %swap3A_39 = vector.shape_cast %swap3A_38 : vector<16xi32> to vector<16xi32>
      %swap3A_40 = vector.shape_cast %shift_right_arithmetic3A_34 : vector<16xi32> to vector<16xi32>
      tpu.vector_store %arg11[%swap3A_37], %swap3A_40 {strides = array<i32>} : memref<128xi32, #tpu.memory_space<vmem>>, vector<16xi32>,
    }
    %scan3A_9 = arith.constant 8 : i32
    %dma_start3A = arith.constant 0 : i32
    %dma_start3A_10 = arith.constant 0 : i32
    %dma_start3A_11 = tpu.memref_slice %arg2[%dma_start3A, %dma_start3A_10] : memref<10112x128xf32, #tpu.memory_space<hbm>> -> memref<10112x128xf32, #tpu.memory_space<hbm>>
    tpu.enqueue_indirect_dma source(%dma_start3A_11 : memref<10112x128xf32, #tpu.memory_space<hbm>>) target(%arg8 : memref<128x128xf32, #tpu.memory_space<vmem>>) offsets(%arg11 : memref<128xi32, #tpu.memory_space<vmem>>) semaphore(%arg14 : memref<!tpu.dma_semaphore, #tpu.memory_space<semaphore_mem>>)
    %scan3A_12 = arith.constant 0 : i32
    %scan3A_13 = arith.constant 0 : i32
    %scan3A_14 = arith.constant 40 : i32
    %scan3A_15 = arith.addi %scan3A_13, %scan3A_14 : i32
    %scan3A_16 = arith.constant 1 : i32
    scf.for %scan3A_19 = %scan3A_13 to %scan3A_15 step %scan3A_16  : i32 {
      %mul3A_20 = arith.constant 2 : i32
      %mul3A_21 = arith.muli %mul3A_20, %scan3A_19 : i32
      %add3A_22 = arith.constant 1 : i32
      %add3A_23 = arith.addi %mul3A_21, %add3A_22 : i32
      %scan3A_24 = arith.constant 0 : i32
      %scan3A_25 = arith.constant 0 : i32
      %scan3A_26 = arith.constant 8 : i32
      %scan3A_27 = arith.addi %scan3A_25, %scan3A_26 : i32
      %scan3A_28 = arith.constant 1 : i32
      scf.for %scan3A_42 = %scan3A_25 to %scan3A_27 step %scan3A_28  : i32 {
        %mul3A_43 = arith.constant 16 : i32
        %mul3A_44 = arith.muli %scan3A_42, %mul3A_43 : i32
        %get3A = arith.index_cast %add3A_23 : i32 to index
        %get3A_45 = arith.index_cast %mul3A_44 : i32 to index
        %get3A_46 = tpu.vector_load %arg7[%get3A, %get3A_45] {strides = array<i32>} : memref<80x128xi32, #tpu.memory_space<vmem>>, vector<1x16xi32>,
        %get3A_47 = vector.shape_cast %get3A_46 : vector<1x16xi32> to vector<16xi32>
        %and3A = arith.constant 65535 : i32
        %and3A_48 = vector.broadcast %and3A : i32 to vector<16xi32>
        %and3A_49 = arith.andi %get3A_47, %and3A_48 : vector<16xi32>
        %mul3A_50 = arith.constant 16 : i32
        %mul3A_51 = arith.muli %scan3A_42, %mul3A_50 : i32
        %swap3A = arith.index_cast %mul3A_51 : i32 to index
        %swap3A_52 = tpu.vector_load %arg12[%swap3A] {strides = array<i32>} : memref<128xi32, #tpu.memory_space<vmem>>, vector<16xi32>,
        %swap3A_53 = vector.shape_cast %swap3A_52 : vector<16xi32> to vector<16xi32>
        %swap3A_54 = vector.shape_cast %and3A_49 : vector<16xi32> to vector<16xi32>
        tpu.vector_store %arg12[%swap3A], %swap3A_54 {strides = array<i32>} : memref<128xi32, #tpu.memory_space<vmem>>, vector<16xi32>,
        %shift_right_arithmetic3A = arith.constant 16 : i32
        %shift_right_arithmetic3A_55 = vector.broadcast %shift_right_arithmetic3A : i32 to vector<16xi32>
        %shift_right_arithmetic3A_56 = arith.shrsi %get3A_47, %shift_right_arithmetic3A_55 : vector<16xi32>
        %mul3A_57 = arith.constant 16 : i32
        %mul3A_58 = arith.muli %scan3A_42, %mul3A_57 : i32
        %swap3A_59 = arith.index_cast %mul3A_58 : i32 to index
        %swap3A_60 = tpu.vector_load %arg13[%swap3A_59] {strides = array<i32>} : memref<128xi32, #tpu.memory_space<vmem>>, vector<16xi32>,
        %swap3A_61 = vector.shape_cast %swap3A_60 : vector<16xi32> to vector<16xi32>
        %swap3A_62 = vector.shape_cast %shift_right_arithmetic3A_56 : vector<16xi32> to vector<16xi32>
        tpu.vector_store %arg13[%swap3A_59], %swap3A_62 {strides = array<i32>} : memref<128xi32, #tpu.memory_space<vmem>>, vector<16xi32>,
      }
      %scan3A_29 = arith.constant 8 : i32
      %dma_start3A_30 = arith.constant 0 : i32
      %dma_start3A_31 = arith.constant 0 : i32
      %dma_start3A_32 = tpu.memref_slice %arg2[%dma_start3A_30, %dma_start3A_31] : memref<10112x128xf32, #tpu.memory_space<hbm>> -> memref<10112x128xf32, #tpu.memory_space<hbm>>
      tpu.enqueue_indirect_dma source(%dma_start3A_32 : memref<10112x128xf32, #tpu.memory_space<hbm>>) target(%arg9 : memref<128x128xf32, #tpu.memory_space<vmem>>) offsets(%arg13 : memref<128xi32, #tpu.memory_space<vmem>>) semaphore(%arg15 : memref<!tpu.dma_semaphore, #tpu.memory_space<semaphore_mem>>)
      %dma_wait3A = arith.constant 0 : i32
      %dma_wait3A_33 = arith.constant 0 : i32
      %dma_wait3A_34 = tpu.memref_slice %arg2[%dma_wait3A, %dma_wait3A_33] : memref<10112x128xf32, #tpu.memory_space<hbm>> -> memref<10112x128xf32, #tpu.memory_space<hbm>>
      tpu.wait_indirect_dma semaphore(%arg14 : memref<!tpu.dma_semaphore, #tpu.memory_space<semaphore_mem>>) src(%dma_wait3A_34 : memref<10112x128xf32, #tpu.memory_space<hbm>>) dst(%arg8 : memref<128x128xf32, #tpu.memory_space<vmem>>)
      "tpu.region"() ({
        %run_scoped3A = tpu.sem_alloc : memref<!tpu.dma_semaphore, #tpu.memory_space<semaphore_mem>>
        %dma_start3A_42 = arith.constant 0 : i32
        %dma_start3A_43 = arith.constant 0 : i32
        %dma_start3A_44 = tpu.memref_slice %arg6[%dma_start3A_42, %dma_start3A_43] : memref<10112x128xf32, #tpu.memory_space<vmem_shared>> -> memref<10112x128xf32, #tpu.memory_space<vmem_shared>>
        tpu.enqueue_indirect_dma source(%arg8 : memref<128x128xf32, #tpu.memory_space<vmem>>) target(%dma_start3A_44 : memref<10112x128xf32, #tpu.memory_space<vmem_shared>>) offsets(%arg10 : memref<128xi32, #tpu.memory_space<vmem>>) semaphore(%run_scoped3A : memref<!tpu.dma_semaphore, #tpu.memory_space<semaphore_mem>>) {add = true}
        %dma_wait3A_45 = arith.constant 0 : i32
        %dma_wait3A_46 = arith.constant 0 : i32
        %dma_wait3A_47 = tpu.memref_slice %arg6[%dma_wait3A_45, %dma_wait3A_46] : memref<10112x128xf32, #tpu.memory_space<vmem_shared>> -> memref<10112x128xf32, #tpu.memory_space<vmem_shared>>
        tpu.wait_indirect_dma semaphore(%run_scoped3A : memref<!tpu.dma_semaphore, #tpu.memory_space<semaphore_mem>>) src(%arg8 : memref<128x128xf32, #tpu.memory_space<vmem>>) dst(%dma_wait3A_47 : memref<10112x128xf32, #tpu.memory_space<vmem_shared>>)
        tpu.yield
      }) : () -> ()
      %add3A_35 = arith.constant 1 : i32
      %add3A_36 = arith.addi %scan3A_19, %add3A_35 : i32
      %lt3A = arith.constant 40 : i32
      %lt3A_37 = arith.cmpi slt, %add3A_36, %lt3A : i32
      %convert_element_type3A = arith.extui %lt3A_37 : i1 to i32
      %cond3A = arith.constant 0 : i32
      %cond3A_38 = arith.cmpi ne, %convert_element_type3A, %cond3A : i32
      scf.if %cond3A_38 {
        %add3A_42 = arith.constant 2 : i32
        %add3A_43 = arith.addi %mul3A_21, %add3A_42 : i32
        %scan3A_44 = arith.constant 0 : i32
        %scan3A_45 = arith.constant 0 : i32
        %scan3A_46 = arith.constant 8 : i32
        %scan3A_47 = arith.addi %scan3A_45, %scan3A_46 : i32
        %scan3A_48 = arith.constant 1 : i32
        scf.for %scan3A_53 = %scan3A_45 to %scan3A_47 step %scan3A_48  : i32 {
          %mul3A_54 = arith.constant 16 : i32
          %mul3A_55 = arith.muli %scan3A_53, %mul3A_54 : i32
          %get3A = arith.index_cast %add3A_43 : i32 to index
          %get3A_56 = arith.index_cast %mul3A_55 : i32 to index
          %get3A_57 = tpu.vector_load %arg7[%get3A, %get3A_56] {strides = array<i32>} : memref<80x128xi32, #tpu.memory_space<vmem>>, vector<1x16xi32>,
          %get3A_58 = vector.shape_cast %get3A_57 : vector<1x16xi32> to vector<16xi32>
          %and3A = arith.constant 65535 : i32
          %and3A_59 = vector.broadcast %and3A : i32 to vector<16xi32>
          %and3A_60 = arith.andi %get3A_58, %and3A_59 : vector<16xi32>
          %mul3A_61 = arith.constant 16 : i32
          %mul3A_62 = arith.muli %scan3A_53, %mul3A_61 : i32
          %swap3A = arith.index_cast %mul3A_62 : i32 to index
          %swap3A_63 = tpu.vector_load %arg10[%swap3A] {strides = array<i32>} : memref<128xi32, #tpu.memory_space<vmem>>, vector<16xi32>,
          %swap3A_64 = vector.shape_cast %swap3A_63 : vector<16xi32> to vector<16xi32>
          %swap3A_65 = vector.shape_cast %and3A_60 : vector<16xi32> to vector<16xi32>
          tpu.vector_store %arg10[%swap3A], %swap3A_65 {strides = array<i32>} : memref<128xi32, #tpu.memory_space<vmem>>, vector<16xi32>,
          %shift_right_arithmetic3A = arith.constant 16 : i32
          %shift_right_arithmetic3A_66 = vector.broadcast %shift_right_arithmetic3A : i32 to vector<16xi32>
          %shift_right_arithmetic3A_67 = arith.shrsi %get3A_58, %shift_right_arithmetic3A_66 : vector<16xi32>
          %mul3A_68 = arith.constant 16 : i32
          %mul3A_69 = arith.muli %scan3A_53, %mul3A_68 : i32
          %swap3A_70 = arith.index_cast %mul3A_69 : i32 to index
          %swap3A_71 = tpu.vector_load %arg11[%swap3A_70] {strides = array<i32>} : memref<128xi32, #tpu.memory_space<vmem>>, vector<16xi32>,
          %swap3A_72 = vector.shape_cast %swap3A_71 : vector<16xi32> to vector<16xi32>
          %swap3A_73 = vector.shape_cast %shift_right_arithmetic3A_67 : vector<16xi32> to vector<16xi32>
          tpu.vector_store %arg11[%swap3A_70], %swap3A_73 {strides = array<i32>} : memref<128xi32, #tpu.memory_space<vmem>>, vector<16xi32>,
        }
        %scan3A_49 = arith.constant 8 : i32
        %dma_start3A_50 = arith.constant 0 : i32
        %dma_start3A_51 = arith.constant 0 : i32
        %dma_start3A_52 = tpu.memref_slice %arg2[%dma_start3A_50, %dma_start3A_51] : memref<10112x128xf32, #tpu.memory_space<hbm>> -> memref<10112x128xf32, #tpu.memory_space<hbm>>
        tpu.enqueue_indirect_dma source(%dma_start3A_52 : memref<10112x128xf32, #tpu.memory_space<hbm>>) target(%arg8 : memref<128x128xf32, #tpu.memory_space<vmem>>) offsets(%arg11 : memref<128xi32, #tpu.memory_space<vmem>>) semaphore(%arg14 : memref<!tpu.dma_semaphore, #tpu.memory_space<semaphore_mem>>)
      } else {
      }
      %dma_wait3A_39 = arith.constant 0 : i32
      %dma_wait3A_40 = arith.constant 0 : i32
      %dma_wait3A_41 = tpu.memref_slice %arg2[%dma_wait3A_39, %dma_wait3A_40] : memref<10112x128xf32, #tpu.memory_space<hbm>> -> memref<10112x128xf32, #tpu.memory_space<hbm>>
      tpu.wait_indirect_dma semaphore(%arg15 : memref<!tpu.dma_semaphore, #tpu.memory_space<semaphore_mem>>) src(%dma_wait3A_41 : memref<10112x128xf32, #tpu.memory_space<hbm>>) dst(%arg9 : memref<128x128xf32, #tpu.memory_space<vmem>>)
      "tpu.region"() ({
        %run_scoped3A = tpu.sem_alloc : memref<!tpu.dma_semaphore, #tpu.memory_space<semaphore_mem>>
        %dma_start3A_42 = arith.constant 0 : i32
        %dma_start3A_43 = arith.constant 0 : i32
        %dma_start3A_44 = tpu.memref_slice %arg6[%dma_start3A_42, %dma_start3A_43] : memref<10112x128xf32, #tpu.memory_space<vmem_shared>> -> memref<10112x128xf32, #tpu.memory_space<vmem_shared>>
        tpu.enqueue_indirect_dma source(%arg9 : memref<128x128xf32, #tpu.memory_space<vmem>>) target(%dma_start3A_44 : memref<10112x128xf32, #tpu.memory_space<vmem_shared>>) offsets(%arg12 : memref<128xi32, #tpu.memory_space<vmem>>) semaphore(%run_scoped3A : memref<!tpu.dma_semaphore, #tpu.memory_space<semaphore_mem>>) {add = true}
        %dma_wait3A_45 = arith.constant 0 : i32
        %dma_wait3A_46 = arith.constant 0 : i32
        %dma_wait3A_47 = tpu.memref_slice %arg6[%dma_wait3A_45, %dma_wait3A_46] : memref<10112x128xf32, #tpu.memory_space<vmem_shared>> -> memref<10112x128xf32, #tpu.memory_space<vmem_shared>>
        tpu.wait_indirect_dma semaphore(%run_scoped3A : memref<!tpu.dma_semaphore, #tpu.memory_space<semaphore_mem>>) src(%arg9 : memref<128x128xf32, #tpu.memory_space<vmem>>) dst(%dma_wait3A_47 : memref<10112x128xf32, #tpu.memory_space<vmem_shared>>)
        tpu.yield
      }) : () -> ()
    }
    %scan3A_17 = arith.constant 40 : i32
    %barrier3A_18 = arith.constant 0 : index
    tpu.barrier barrier_id(%barrier3A_18)
    "tpu.region"() ({
      %run_scoped3A = tpu.sem_alloc : memref<!tpu.dma_semaphore, #tpu.memory_space<semaphore_mem>>
      %dma_start3A_19 = arith.constant 0 : i32
      %dma_start3A_20 = tpu.memref_slice %arg5[%arg0, %mul3A_2, %dma_start3A_19] : memref<2x10112x128xf32, #tpu.memory_space<hbm>> -> memref<1x632x128xf32, #tpu.memory_space<hbm>>
      %dma_start3A_21 = tpu.memref_squeeze %dma_start3A_20 : memref<1x632x128xf32, #tpu.memory_space<hbm>> -> memref<632x128xf32, #tpu.memory_space<hbm>>
      %dma_start3A_22 = arith.constant 0 : i32
      %dma_start3A_23 = tpu.memref_slice %arg6[%mul3A_2, %dma_start3A_22] : memref<10112x128xf32, #tpu.memory_space<vmem_shared>> -> memref<632x128xf32, #tpu.memory_space<vmem_shared>>
      tpu.enqueue_dma source(%dma_start3A_23 : memref<632x128xf32, #tpu.memory_space<vmem_shared>>) target(%dma_start3A_21 : memref<632x128xf32, #tpu.memory_space<hbm>>) target_semaphore(%run_scoped3A : memref<!tpu.dma_semaphore, #tpu.memory_space<semaphore_mem>>)
      %dma_wait3A = arith.constant 0 : i32
      %dma_wait3A_24 = tpu.memref_slice %arg5[%arg0, %mul3A_2, %dma_wait3A] : memref<2x10112x128xf32, #tpu.memory_space<hbm>> -> memref<1x632x128xf32, #tpu.memory_space<hbm>>
      %dma_wait3A_25 = tpu.memref_squeeze %dma_wait3A_24 : memref<1x632x128xf32, #tpu.memory_space<hbm>> -> memref<632x128xf32, #tpu.memory_space<hbm>>
      %dma_wait3A_26 = arith.constant 0 : i32
      %dma_wait3A_27 = tpu.memref_slice %arg6[%mul3A_2, %dma_wait3A_26] : memref<10112x128xf32, #tpu.memory_space<vmem_shared>> -> memref<632x128xf32, #tpu.memory_space<vmem_shared>>
      tpu.wait_dma2 semaphore(%run_scoped3A : memref<!tpu.dma_semaphore, #tpu.memory_space<semaphore_mem>>) src(%dma_wait3A_27 : memref<632x128xf32, #tpu.memory_space<vmem_shared>>) dst(%dma_wait3A_25 : memref<632x128xf32, #tpu.memory_space<hbm>>)
      tpu.yield
    }) : () -> ()
    return
  }
}

#map = affine_map<(d0, d1) -> (0, 0)>
#map1 = affine_map<(d0, d1) -> (0, 0, 0)>
module attributes {stable_mosaic.version = 14 : i64} {
  func.func @spmv_kernel(%arg0: i32, %arg1: i32, %arg2: memref<10112x128xf32, #tpu.memory_space<hbm>>, %arg3: memref<2560x128xi32, #tpu.memory_space<hbm>>, %arg4: memref<632x128xf32, #tpu.memory_space<hbm>>, %arg5: memref<2x10112x128xf32, #tpu.memory_space<hbm>>, %arg6: memref<10112x128xf32, #tpu.memory_space<vmem_shared>>, %arg7: memref<80x128xi32, #tpu.memory_space<vmem>>, %arg8: memref<128x128xf32, #tpu.memory_space<vmem>>, %arg9: memref<128x128xf32, #tpu.memory_space<vmem>>, %arg10: memref<128xi32, #tpu.memory_space<vmem>>, %arg11: memref<128xi32, #tpu.memory_space<vmem>>, %arg12: memref<128xi32, #tpu.memory_space<vmem>>, %arg13: memref<128xi32, #tpu.memory_space<vmem>>, %arg14: memref<!tpu.dma_semaphore, #tpu.memory_space<semaphore_mem>>, %arg15: memref<!tpu.dma_semaphore, #tpu.memory_space<semaphore_mem>>) attributes {dimension_semantics = [#tpu.dimension_semantics<core_parallel>, #tpu.dimension_semantics<subcore_parallel>], iteration_bounds = array<i64: 2, 16>, scalar_prefetch = 0 : i64, scratch_operands = 10 : i64, tpu.core_type = #tpu.core_type<sc_vector_subcore>, window_params = [{transform_indices = #map}, {transform_indices = #map}, {transform_indices = #map}, {transform_indices = #map1}]} {
    %mul3A = arith.constant 16 : i32
    %mul3A_0 = arith.muli %arg0, %mul3A : i32
    %add3A = arith.addi %mul3A_0, %arg1 : i32
    %mul3A_1 = arith.constant 632 : i32
    %mul3A_2 = arith.muli %arg1, %mul3A_1 : i32
    "tpu.region"() ({
      %run_scoped3A = tpu.sem_alloc : memref<!tpu.dma_semaphore, #tpu.memory_space<semaphore_mem>>
      %dma_start3A_19 = arith.constant 0 : i32
      %dma_start3A_20 = tpu.memref_slice %arg6[%mul3A_2, %dma_start3A_19] : memref<10112x128xf32, #tpu.memory_space<vmem_shared>> -> memref<632x128xf32, #tpu.memory_space<vmem_shared>>
      tpu.enqueue_dma source(%arg4 : memref<632x128xf32, #tpu.memory_space<hbm>>) target(%dma_start3A_20 : memref<632x128xf32, #tpu.memory_space<vmem_shared>>) target_semaphore(%run_scoped3A : memref<!tpu.dma_semaphore, #tpu.memory_space<semaphore_mem>>)
      %dma_wait3A = arith.constant 0 : i32
      %dma_wait3A_21 = tpu.memref_slice %arg6[%mul3A_2, %dma_wait3A] : memref<10112x128xf32, #tpu.memory_space<vmem_shared>> -> memref<632x128xf32, #tpu.memory_space<vmem_shared>>
      tpu.wait_dma2 semaphore(%run_scoped3A : memref<!tpu.dma_semaphore, #tpu.memory_space<semaphore_mem>>) src(%arg4 : memref<632x128xf32, #tpu.memory_space<hbm>>) dst(%dma_wait3A_21 : memref<632x128xf32, #tpu.memory_space<vmem_shared>>)
      tpu.yield
    }) : () -> ()
    %mul3A_3 = arith.constant 80 : i32
    %mul3A_4 = arith.muli %add3A, %mul3A_3 : i32
    "tpu.region"() ({
      %run_scoped3A = tpu.sem_alloc : memref<!tpu.dma_semaphore, #tpu.memory_space<semaphore_mem>>
      %dma_start3A_19 = arith.constant 0 : i32
      %dma_start3A_20 = tpu.memref_slice %arg3[%mul3A_4, %dma_start3A_19] : memref<2560x128xi32, #tpu.memory_space<hbm>> -> memref<80x128xi32, #tpu.memory_space<hbm>>
      %dma_start3A_21 = arith.constant 0 : i32
      %dma_start3A_22 = tpu.memref_slice %arg3[%mul3A_4, %dma_start3A_21] : memref<2560x128xi32, #tpu.memory_space<hbm>> -> memref<80x128xi32, #tpu.memory_space<hbm>>
      tpu.enqueue_dma source(%dma_start3A_22 : memref<80x128xi32, #tpu.memory_space<hbm>>) target(%arg7 : memref<80x128xi32, #tpu.memory_space<vmem>>) target_semaphore(%run_scoped3A : memref<!tpu.dma_semaphore, #tpu.memory_space<semaphore_mem>>)
      %dma_wait3A = arith.constant 0 : i32
      %dma_wait3A_23 = tpu.memref_slice %arg3[%mul3A_4, %dma_wait3A] : memref<2560x128xi32, #tpu.memory_space<hbm>> -> memref<80x128xi32, #tpu.memory_space<hbm>>
      %dma_wait3A_24 = arith.constant 0 : i32
      %dma_wait3A_25 = tpu.memref_slice %arg3[%mul3A_4, %dma_wait3A_24] : memref<2560x128xi32, #tpu.memory_space<hbm>> -> memref<80x128xi32, #tpu.memory_space<hbm>>
      tpu.wait_dma2 semaphore(%run_scoped3A : memref<!tpu.dma_semaphore, #tpu.memory_space<semaphore_mem>>) src(%dma_wait3A_25 : memref<80x128xi32, #tpu.memory_space<hbm>>) dst(%arg7 : memref<80x128xi32, #tpu.memory_space<vmem>>)
      tpu.yield
    }) : () -> ()
    %barrier3A = arith.constant 0 : index
    tpu.barrier barrier_id(%barrier3A)
    %scan3A = arith.constant 0 : i32
    %scan3A_5 = arith.constant 0 : i32
    %scan3A_6 = arith.constant 8 : i32
    %scan3A_7 = arith.addi %scan3A_5, %scan3A_6 : i32
    %scan3A_8 = arith.constant 1 : i32
    scf.for %scan3A_19 = %scan3A_5 to %scan3A_7 step %scan3A_8  : i32 {
      %mul3A_20 = arith.constant 16 : i32
      %mul3A_21 = arith.muli %scan3A_19, %mul3A_20 : i32
      %get3A = arith.constant 0 : i32
      %get3A_22 = arith.index_cast %get3A : i32 to index
      %get3A_23 = arith.index_cast %mul3A_21 : i32 to index
      %get3A_24 = tpu.vector_load %arg7[%get3A_22, %get3A_23] {strides = array<i32>} : memref<80x128xi32, #tpu.memory_space<vmem>>, vector<1x16xi32>,
      %get3A_25 = vector.shape_cast %get3A_24 : vector<1x16xi32> to vector<16xi32>
      %and3A = arith.constant 65535 : i32
      %and3A_26 = vector.broadcast %and3A : i32 to vector<16xi32>
      %and3A_27 = arith.andi %get3A_25, %and3A_26 : vector<16xi32>
      %mul3A_28 = arith.constant 16 : i32
      %mul3A_29 = arith.muli %scan3A_19, %mul3A_28 : i32
      %swap3A = arith.index_cast %mul3A_29 : i32 to index
      %swap3A_30 = tpu.vector_load %arg10[%swap3A] {strides = array<i32>} : memref<128xi32, #tpu.memory_space<vmem>>, vector<16xi32>,
      %swap3A_31 = vector.shape_cast %swap3A_30 : vector<16xi32> to vector<16xi32>
      %swap3A_32 = vector.shape_cast %and3A_27 : vector<16xi32> to vector<16xi32>
      tpu.vector_store %arg10[%swap3A], %swap3A_32 {strides = array<i32>} : memref<128xi32, #tpu.memory_space<vmem>>, vector<16xi32>,
      %shift_right_arithmetic3A = arith.constant 16 : i32
      %shift_right_arithmetic3A_33 = vector.broadcast %shift_right_arithmetic3A : i32 to vector<16xi32>
      %shift_right_arithmetic3A_34 = arith.shrsi %get3A_25, %shift_right_arithmetic3A_33 : vector<16xi32>
      %mul3A_35 = arith.constant 16 : i32
      %mul3A_36 = arith.muli %scan3A_19, %mul3A_35 : i32
      %swap3A_37 = arith.index_cast %mul3A_36 : i32 to index
      %swap3A_38 = tpu.vector_load %arg11[%swap3A_37] {strides = array<i32>} : memref<128xi32, #tpu.memory_space<vmem>>, vector<16xi32>,
      %swap3A_39 = vector.shape_cast %swap3A_38 : vector<16xi32> to vector<16xi32>
      %swap3A_40 = vector.shape_cast %shift_right_arithmetic3A_34 : vector<16xi32> to vector<16xi32>
      tpu.vector_store %arg11[%swap3A_37], %swap3A_40 {strides = array<i32>} : memref<128xi32, #tpu.memory_space<vmem>>, vector<16xi32>,
    }
    %scan3A_9 = arith.constant 8 : i32
    %dma_start3A = arith.constant 0 : i32
    %dma_start3A_10 = arith.constant 0 : i32
    %dma_start3A_11 = tpu.memref_slice %arg2[%dma_start3A, %dma_start3A_10] : memref<10112x128xf32, #tpu.memory_space<hbm>> -> memref<10112x128xf32, #tpu.memory_space<hbm>>
    tpu.enqueue_indirect_dma source(%dma_start3A_11 : memref<10112x128xf32, #tpu.memory_space<hbm>>) target(%arg8 : memref<128x128xf32, #tpu.memory_space<vmem>>) offsets(%arg11 : memref<128xi32, #tpu.memory_space<vmem>>) semaphore(%arg14 : memref<!tpu.dma_semaphore, #tpu.memory_space<semaphore_mem>>)
    %scan3A_12 = arith.constant 0 : i32
    %scan3A_13 = arith.constant 0 : i32
    %scan3A_14 = arith.constant 40 : i32
    %scan3A_15 = arith.addi %scan3A_13, %scan3A_14 : i32
    %scan3A_16 = arith.constant 1 : i32
    scf.for %scan3A_19 = %scan3A_13 to %scan3A_15 step %scan3A_16  : i32 {
      %mul3A_20 = arith.constant 2 : i32
      %mul3A_21 = arith.muli %mul3A_20, %scan3A_19 : i32
      %add3A_22 = arith.constant 1 : i32
      %add3A_23 = arith.addi %mul3A_21, %add3A_22 : i32
      %scan3A_24 = arith.constant 0 : i32
      %scan3A_25 = arith.constant 0 : i32
      %scan3A_26 = arith.constant 8 : i32
      %scan3A_27 = arith.addi %scan3A_25, %scan3A_26 : i32
      %scan3A_28 = arith.constant 1 : i32
      scf.for %scan3A_42 = %scan3A_25 to %scan3A_27 step %scan3A_28  : i32 {
        %mul3A_43 = arith.constant 16 : i32
        %mul3A_44 = arith.muli %scan3A_42, %mul3A_43 : i32
        %get3A = arith.index_cast %add3A_23 : i32 to index
        %get3A_45 = arith.index_cast %mul3A_44 : i32 to index
        %get3A_46 = tpu.vector_load %arg7[%get3A, %get3A_45] {strides = array<i32>} : memref<80x128xi32, #tpu.memory_space<vmem>>, vector<1x16xi32>,
        %get3A_47 = vector.shape_cast %get3A_46 : vector<1x16xi32> to vector<16xi32>
        %and3A = arith.constant 65535 : i32
        %and3A_48 = vector.broadcast %and3A : i32 to vector<16xi32>
        %and3A_49 = arith.andi %get3A_47, %and3A_48 : vector<16xi32>
        %mul3A_50 = arith.constant 16 : i32
        %mul3A_51 = arith.muli %scan3A_42, %mul3A_50 : i32
        %swap3A = arith.index_cast %mul3A_51 : i32 to index
        %swap3A_52 = tpu.vector_load %arg12[%swap3A] {strides = array<i32>} : memref<128xi32, #tpu.memory_space<vmem>>, vector<16xi32>,
        %swap3A_53 = vector.shape_cast %swap3A_52 : vector<16xi32> to vector<16xi32>
        %swap3A_54 = vector.shape_cast %and3A_49 : vector<16xi32> to vector<16xi32>
        tpu.vector_store %arg12[%swap3A], %swap3A_54 {strides = array<i32>} : memref<128xi32, #tpu.memory_space<vmem>>, vector<16xi32>,
        %shift_right_arithmetic3A = arith.constant 16 : i32
        %shift_right_arithmetic3A_55 = vector.broadcast %shift_right_arithmetic3A : i32 to vector<16xi32>
        %shift_right_arithmetic3A_56 = arith.shrsi %get3A_47, %shift_right_arithmetic3A_55 : vector<16xi32>
        %mul3A_57 = arith.constant 16 : i32
        %mul3A_58 = arith.muli %scan3A_42, %mul3A_57 : i32
        %swap3A_59 = arith.index_cast %mul3A_58 : i32 to index
        %swap3A_60 = tpu.vector_load %arg13[%swap3A_59] {strides = array<i32>} : memref<128xi32, #tpu.memory_space<vmem>>, vector<16xi32>,
        %swap3A_61 = vector.shape_cast %swap3A_60 : vector<16xi32> to vector<16xi32>
        %swap3A_62 = vector.shape_cast %shift_right_arithmetic3A_56 : vector<16xi32> to vector<16xi32>
        tpu.vector_store %arg13[%swap3A_59], %swap3A_62 {strides = array<i32>} : memref<128xi32, #tpu.memory_space<vmem>>, vector<16xi32>,
      }
      %scan3A_29 = arith.constant 8 : i32
      %dma_start3A_30 = arith.constant 0 : i32
      %dma_start3A_31 = arith.constant 0 : i32
      %dma_start3A_32 = tpu.memref_slice %arg2[%dma_start3A_30, %dma_start3A_31] : memref<10112x128xf32, #tpu.memory_space<hbm>> -> memref<10112x128xf32, #tpu.memory_space<hbm>>
      tpu.enqueue_indirect_dma source(%dma_start3A_32 : memref<10112x128xf32, #tpu.memory_space<hbm>>) target(%arg9 : memref<128x128xf32, #tpu.memory_space<vmem>>) offsets(%arg13 : memref<128xi32, #tpu.memory_space<vmem>>) semaphore(%arg15 : memref<!tpu.dma_semaphore, #tpu.memory_space<semaphore_mem>>)
      %dma_wait3A = arith.constant 0 : i32
      %dma_wait3A_33 = arith.constant 0 : i32
      %dma_wait3A_34 = tpu.memref_slice %arg2[%dma_wait3A, %dma_wait3A_33] : memref<10112x128xf32, #tpu.memory_space<hbm>> -> memref<10112x128xf32, #tpu.memory_space<hbm>>
      tpu.wait_indirect_dma semaphore(%arg14 : memref<!tpu.dma_semaphore, #tpu.memory_space<semaphore_mem>>) src(%dma_wait3A_34 : memref<10112x128xf32, #tpu.memory_space<hbm>>) dst(%arg8 : memref<128x128xf32, #tpu.memory_space<vmem>>)
      "tpu.region"() ({
        %run_scoped3A = tpu.sem_alloc : memref<!tpu.dma_semaphore, #tpu.memory_space<semaphore_mem>>
        %dma_start3A_42 = arith.constant 0 : i32
        %dma_start3A_43 = arith.constant 0 : i32
        %dma_start3A_44 = tpu.memref_slice %arg6[%dma_start3A_42, %dma_start3A_43] : memref<10112x128xf32, #tpu.memory_space<vmem_shared>> -> memref<10112x128xf32, #tpu.memory_space<vmem_shared>>
        tpu.enqueue_indirect_dma source(%arg8 : memref<128x128xf32, #tpu.memory_space<vmem>>) target(%dma_start3A_44 : memref<10112x128xf32, #tpu.memory_space<vmem_shared>>) offsets(%arg10 : memref<128xi32, #tpu.memory_space<vmem>>) semaphore(%run_scoped3A : memref<!tpu.dma_semaphore, #tpu.memory_space<semaphore_mem>>) {add = true}
        %dma_wait3A_45 = arith.constant 0 : i32
        %dma_wait3A_46 = arith.constant 0 : i32
        %dma_wait3A_47 = tpu.memref_slice %arg6[%dma_wait3A_45, %dma_wait3A_46] : memref<10112x128xf32, #tpu.memory_space<vmem_shared>> -> memref<10112x128xf32, #tpu.memory_space<vmem_shared>>
        tpu.wait_indirect_dma semaphore(%run_scoped3A : memref<!tpu.dma_semaphore, #tpu.memory_space<semaphore_mem>>) src(%arg8 : memref<128x128xf32, #tpu.memory_space<vmem>>) dst(%dma_wait3A_47 : memref<10112x128xf32, #tpu.memory_space<vmem_shared>>)
        tpu.yield
      }) : () -> ()
      %add3A_35 = arith.constant 1 : i32
      %add3A_36 = arith.addi %scan3A_19, %add3A_35 : i32
      %lt3A = arith.constant 40 : i32
      %lt3A_37 = arith.cmpi slt, %add3A_36, %lt3A : i32
      %convert_element_type3A = arith.extui %lt3A_37 : i1 to i32
      %cond3A = arith.constant 0 : i32
      %cond3A_38 = arith.cmpi ne, %convert_element_type3A, %cond3A : i32
      scf.if %cond3A_38 {
        %add3A_42 = arith.constant 2 : i32
        %add3A_43 = arith.addi %mul3A_21, %add3A_42 : i32
        %scan3A_44 = arith.constant 0 : i32
        %scan3A_45 = arith.constant 0 : i32
        %scan3A_46 = arith.constant 8 : i32
        %scan3A_47 = arith.addi %scan3A_45, %scan3A_46 : i32
        %scan3A_48 = arith.constant 1 : i32
        scf.for %scan3A_53 = %scan3A_45 to %scan3A_47 step %scan3A_48  : i32 {
          %mul3A_54 = arith.constant 16 : i32
          %mul3A_55 = arith.muli %scan3A_53, %mul3A_54 : i32
          %get3A = arith.index_cast %add3A_43 : i32 to index
          %get3A_56 = arith.index_cast %mul3A_55 : i32 to index
          %get3A_57 = tpu.vector_load %arg7[%get3A, %get3A_56] {strides = array<i32>} : memref<80x128xi32, #tpu.memory_space<vmem>>, vector<1x16xi32>,
          %get3A_58 = vector.shape_cast %get3A_57 : vector<1x16xi32> to vector<16xi32>
          %and3A = arith.constant 65535 : i32
          %and3A_59 = vector.broadcast %and3A : i32 to vector<16xi32>
          %and3A_60 = arith.andi %get3A_58, %and3A_59 : vector<16xi32>
          %mul3A_61 = arith.constant 16 : i32
          %mul3A_62 = arith.muli %scan3A_53, %mul3A_61 : i32
          %swap3A = arith.index_cast %mul3A_62 : i32 to index
          %swap3A_63 = tpu.vector_load %arg10[%swap3A] {strides = array<i32>} : memref<128xi32, #tpu.memory_space<vmem>>, vector<16xi32>,
          %swap3A_64 = vector.shape_cast %swap3A_63 : vector<16xi32> to vector<16xi32>
          %swap3A_65 = vector.shape_cast %and3A_60 : vector<16xi32> to vector<16xi32>
          tpu.vector_store %arg10[%swap3A], %swap3A_65 {strides = array<i32>} : memref<128xi32, #tpu.memory_space<vmem>>, vector<16xi32>,
          %shift_right_arithmetic3A = arith.constant 16 : i32
          %shift_right_arithmetic3A_66 = vector.broadcast %shift_right_arithmetic3A : i32 to vector<16xi32>
          %shift_right_arithmetic3A_67 = arith.shrsi %get3A_58, %shift_right_arithmetic3A_66 : vector<16xi32>
          %mul3A_68 = arith.constant 16 : i32
          %mul3A_69 = arith.muli %scan3A_53, %mul3A_68 : i32
          %swap3A_70 = arith.index_cast %mul3A_69 : i32 to index
          %swap3A_71 = tpu.vector_load %arg11[%swap3A_70] {strides = array<i32>} : memref<128xi32, #tpu.memory_space<vmem>>, vector<16xi32>,
          %swap3A_72 = vector.shape_cast %swap3A_71 : vector<16xi32> to vector<16xi32>
          %swap3A_73 = vector.shape_cast %shift_right_arithmetic3A_67 : vector<16xi32> to vector<16xi32>
          tpu.vector_store %arg11[%swap3A_70], %swap3A_73 {strides = array<i32>} : memref<128xi32, #tpu.memory_space<vmem>>, vector<16xi32>,
        }
        %scan3A_49 = arith.constant 8 : i32
        %dma_start3A_50 = arith.constant 0 : i32
        %dma_start3A_51 = arith.constant 0 : i32
        %dma_start3A_52 = tpu.memref_slice %arg2[%dma_start3A_50, %dma_start3A_51] : memref<10112x128xf32, #tpu.memory_space<hbm>> -> memref<10112x128xf32, #tpu.memory_space<hbm>>
        tpu.enqueue_indirect_dma source(%dma_start3A_52 : memref<10112x128xf32, #tpu.memory_space<hbm>>) target(%arg8 : memref<128x128xf32, #tpu.memory_space<vmem>>) offsets(%arg11 : memref<128xi32, #tpu.memory_space<vmem>>) semaphore(%arg14 : memref<!tpu.dma_semaphore, #tpu.memory_space<semaphore_mem>>)
      } else {
      }
      %dma_wait3A_39 = arith.constant 0 : i32
      %dma_wait3A_40 = arith.constant 0 : i32
      %dma_wait3A_41 = tpu.memref_slice %arg2[%dma_wait3A_39, %dma_wait3A_40] : memref<10112x128xf32, #tpu.memory_space<hbm>> -> memref<10112x128xf32, #tpu.memory_space<hbm>>
      tpu.wait_indirect_dma semaphore(%arg15 : memref<!tpu.dma_semaphore, #tpu.memory_space<semaphore_mem>>) src(%dma_wait3A_41 : memref<10112x128xf32, #tpu.memory_space<hbm>>) dst(%arg9 : memref<128x128xf32, #tpu.memory_space<vmem>>)
      "tpu.region"() ({
        %run_scoped3A = tpu.sem_alloc : memref<!tpu.dma_semaphore, #tpu.memory_space<semaphore_mem>>
        %dma_start3A_42 = arith.constant 0 : i32
        %dma_start3A_43 = arith.constant 0 : i32
        %dma_start3A_44 = tpu.memref_slice %arg6[%dma_start3A_42, %dma_start3A_43] : memref<10112x128xf32, #tpu.memory_space<vmem_shared>> -> memref<10112x128xf32, #tpu.memory_space<vmem_shared>>
        tpu.enqueue_indirect_dma source(%arg9 : memref<128x128xf32, #tpu.memory_space<vmem>>) target(%dma_start3A_44 : memref<10112x128xf32, #tpu.memory_space<vmem_shared>>) offsets(%arg12 : memref<128xi32, #tpu.memory_space<vmem>>) semaphore(%run_scoped3A : memref<!tpu.dma_semaphore, #tpu.memory_space<semaphore_mem>>) {add = true}
        %dma_wait3A_45 = arith.constant 0 : i32
        %dma_wait3A_46 = arith.constant 0 : i32
        %dma_wait3A_47 = tpu.memref_slice %arg6[%dma_wait3A_45, %dma_wait3A_46] : memref<10112x128xf32, #tpu.memory_space<vmem_shared>> -> memref<10112x128xf32, #tpu.memory_space<vmem_shared>>
        tpu.wait_indirect_dma semaphore(%run_scoped3A : memref<!tpu.dma_semaphore, #tpu.memory_space<semaphore_mem>>) src(%arg9 : memref<128x128xf32, #tpu.memory_space<vmem>>) dst(%dma_wait3A_47 : memref<10112x128xf32, #tpu.memory_space<vmem_shared>>)
        tpu.yield
      }) : () -> ()
    }
    %scan3A_17 = arith.constant 40 : i32
    %barrier3A_18 = arith.constant 0 : index
    tpu.barrier barrier_id(%barrier3A_18)
    "tpu.region"() ({
      %run_scoped3A = tpu.sem_alloc : memref<!tpu.dma_semaphore, #tpu.memory_space<semaphore_mem>>
      %dma_start3A_19 = arith.constant 0 : i32
      %dma_start3A_20 = tpu.memref_slice %arg5[%arg0, %mul3A_2, %dma_start3A_19] : memref<2x10112x128xf32, #tpu.memory_space<hbm>> -> memref<1x632x128xf32, #tpu.memory_space<hbm>>
      %dma_start3A_21 = tpu.memref_squeeze %dma_start3A_20 : memref<1x632x128xf32, #tpu.memory_space<hbm>> -> memref<632x128xf32, #tpu.memory_space<hbm>>
      %dma_start3A_22 = arith.constant 0 : i32
      %dma_start3A_23 = tpu.memref_slice %arg6[%mul3A_2, %dma_start3A_22] : memref<10112x128xf32, #tpu.memory_space<vmem_shared>> -> memref<632x128xf32, #tpu.memory_space<vmem_shared>>
      tpu.enqueue_dma source(%dma_start3A_23 : memref<632x128xf32, #tpu.memory_space<vmem_shared>>) target(%dma_start3A_21 : memref<632x128xf32, #tpu.memory_space<hbm>>) target_semaphore(%run_scoped3A : memref<!tpu.dma_semaphore, #tpu.memory_space<semaphore_mem>>)
      %dma_wait3A = arith.constant 0 : i32
      %dma_wait3A_24 = tpu.memref_slice %arg5[%arg0, %mul3A_2, %dma_wait3A] : memref<2x10112x128xf32, #tpu.memory_space<hbm>> -> memref<1x632x128xf32, #tpu.memory_space<hbm>>
      %dma_wait3A_25 = tpu.memref_squeeze %dma_wait3A_24 : memref<1x632x128xf32, #tpu.memory_space<hbm>> -> memref<632x128xf32, #tpu.memory_space<hbm>>
      %dma_wait3A_26 = arith.constant 0 : i32
      %dma_wait3A_27 = tpu.memref_slice %arg6[%mul3A_2, %dma_wait3A_26] : memref<10112x128xf32, #tpu.memory_space<vmem_shared>> -> memref<632x128xf32, #tpu.memory_space<vmem_shared>>
      tpu.wait_dma2 semaphore(%run_scoped3A : memref<!tpu.dma_semaphore, #tpu.memory_space<semaphore_mem>>) src(%dma_wait3A_27 : memref<632x128xf32, #tpu.memory_space<vmem_shared>>) dst(%dma_wait3A_25 : memref<632x128xf32, #tpu.memory_space<hbm>>)
      tpu.yield
    }) : () -> ()
    return
  }
}

#map = affine_map<(d0, d1) -> (0, 0)>
#map1 = affine_map<(d0, d1) -> (0, 0, 0)>
module attributes {stable_mosaic.version = 14 : i64} {
  func.func @spmv_kernel(%arg0: i32, %arg1: i32, %arg2: memref<10112x128xf32, #tpu.memory_space<hbm>>, %arg3: memref<2560x128xi32, #tpu.memory_space<hbm>>, %arg4: memref<632x128xf32, #tpu.memory_space<hbm>>, %arg5: memref<2x10112x128xf32, #tpu.memory_space<hbm>>, %arg6: memref<10112x128xf32, #tpu.memory_space<vmem_shared>>, %arg7: memref<80x128xi32, #tpu.memory_space<vmem>>, %arg8: memref<128x128xf32, #tpu.memory_space<vmem>>, %arg9: memref<128x128xf32, #tpu.memory_space<vmem>>, %arg10: memref<128xi32, #tpu.memory_space<vmem>>, %arg11: memref<128xi32, #tpu.memory_space<vmem>>, %arg12: memref<128xi32, #tpu.memory_space<vmem>>, %arg13: memref<128xi32, #tpu.memory_space<vmem>>, %arg14: memref<!tpu.dma_semaphore, #tpu.memory_space<semaphore_mem>>, %arg15: memref<!tpu.dma_semaphore, #tpu.memory_space<semaphore_mem>>) attributes {dimension_semantics = [#tpu.dimension_semantics<core_parallel>, #tpu.dimension_semantics<subcore_parallel>], iteration_bounds = array<i64: 2, 16>, scalar_prefetch = 0 : i64, scratch_operands = 10 : i64, tpu.core_type = #tpu.core_type<sc_vector_subcore>, window_params = [{transform_indices = #map}, {transform_indices = #map}, {transform_indices = #map}, {transform_indices = #map1}]} {
    %mul3A = arith.constant 16 : i32
    %mul3A_0 = arith.muli %arg0, %mul3A : i32
    %add3A = arith.addi %mul3A_0, %arg1 : i32
    %mul3A_1 = arith.constant 632 : i32
    %mul3A_2 = arith.muli %arg1, %mul3A_1 : i32
    "tpu.region"() ({
      %run_scoped3A = tpu.sem_alloc : memref<!tpu.dma_semaphore, #tpu.memory_space<semaphore_mem>>
      %dma_start3A_19 = arith.constant 0 : i32
      %dma_start3A_20 = tpu.memref_slice %arg6[%mul3A_2, %dma_start3A_19] : memref<10112x128xf32, #tpu.memory_space<vmem_shared>> -> memref<632x128xf32, #tpu.memory_space<vmem_shared>>
      tpu.enqueue_dma source(%arg4 : memref<632x128xf32, #tpu.memory_space<hbm>>) target(%dma_start3A_20 : memref<632x128xf32, #tpu.memory_space<vmem_shared>>) target_semaphore(%run_scoped3A : memref<!tpu.dma_semaphore, #tpu.memory_space<semaphore_mem>>)
      %dma_wait3A = arith.constant 0 : i32
      %dma_wait3A_21 = tpu.memref_slice %arg6[%mul3A_2, %dma_wait3A] : memref<10112x128xf32, #tpu.memory_space<vmem_shared>> -> memref<632x128xf32, #tpu.memory_space<vmem_shared>>
      tpu.wait_dma2 semaphore(%run_scoped3A : memref<!tpu.dma_semaphore, #tpu.memory_space<semaphore_mem>>) src(%arg4 : memref<632x128xf32, #tpu.memory_space<hbm>>) dst(%dma_wait3A_21 : memref<632x128xf32, #tpu.memory_space<vmem_shared>>)
      tpu.yield
    }) : () -> ()
    %mul3A_3 = arith.constant 80 : i32
    %mul3A_4 = arith.muli %add3A, %mul3A_3 : i32
    "tpu.region"() ({
      %run_scoped3A = tpu.sem_alloc : memref<!tpu.dma_semaphore, #tpu.memory_space<semaphore_mem>>
      %dma_start3A_19 = arith.constant 0 : i32
      %dma_start3A_20 = tpu.memref_slice %arg3[%mul3A_4, %dma_start3A_19] : memref<2560x128xi32, #tpu.memory_space<hbm>> -> memref<80x128xi32, #tpu.memory_space<hbm>>
      %dma_start3A_21 = arith.constant 0 : i32
      %dma_start3A_22 = tpu.memref_slice %arg3[%mul3A_4, %dma_start3A_21] : memref<2560x128xi32, #tpu.memory_space<hbm>> -> memref<80x128xi32, #tpu.memory_space<hbm>>
      tpu.enqueue_dma source(%dma_start3A_22 : memref<80x128xi32, #tpu.memory_space<hbm>>) target(%arg7 : memref<80x128xi32, #tpu.memory_space<vmem>>) target_semaphore(%run_scoped3A : memref<!tpu.dma_semaphore, #tpu.memory_space<semaphore_mem>>)
      %dma_wait3A = arith.constant 0 : i32
      %dma_wait3A_23 = tpu.memref_slice %arg3[%mul3A_4, %dma_wait3A] : memref<2560x128xi32, #tpu.memory_space<hbm>> -> memref<80x128xi32, #tpu.memory_space<hbm>>
      %dma_wait3A_24 = arith.constant 0 : i32
      %dma_wait3A_25 = tpu.memref_slice %arg3[%mul3A_4, %dma_wait3A_24] : memref<2560x128xi32, #tpu.memory_space<hbm>> -> memref<80x128xi32, #tpu.memory_space<hbm>>
      tpu.wait_dma2 semaphore(%run_scoped3A : memref<!tpu.dma_semaphore, #tpu.memory_space<semaphore_mem>>) src(%dma_wait3A_25 : memref<80x128xi32, #tpu.memory_space<hbm>>) dst(%arg7 : memref<80x128xi32, #tpu.memory_space<vmem>>)
      tpu.yield
    }) : () -> ()
    %barrier3A = arith.constant 0 : index
    tpu.barrier barrier_id(%barrier3A)
    %scan3A = arith.constant 0 : i32
    %scan3A_5 = arith.constant 0 : i32
    %scan3A_6 = arith.constant 8 : i32
    %scan3A_7 = arith.addi %scan3A_5, %scan3A_6 : i32
    %scan3A_8 = arith.constant 1 : i32
    scf.for %scan3A_19 = %scan3A_5 to %scan3A_7 step %scan3A_8  : i32 {
      %mul3A_20 = arith.constant 16 : i32
      %mul3A_21 = arith.muli %scan3A_19, %mul3A_20 : i32
      %get3A = arith.constant 0 : i32
      %get3A_22 = arith.index_cast %get3A : i32 to index
      %get3A_23 = arith.index_cast %mul3A_21 : i32 to index
      %get3A_24 = tpu.vector_load %arg7[%get3A_22, %get3A_23] {strides = array<i32>} : memref<80x128xi32, #tpu.memory_space<vmem>>, vector<1x16xi32>,
      %get3A_25 = vector.shape_cast %get3A_24 : vector<1x16xi32> to vector<16xi32>
      %and3A = arith.constant 65535 : i32
      %and3A_26 = vector.broadcast %and3A : i32 to vector<16xi32>
      %and3A_27 = arith.andi %get3A_25, %and3A_26 : vector<16xi32>
      %mul3A_28 = arith.constant 16 : i32
      %mul3A_29 = arith.muli %scan3A_19, %mul3A_28 : i32
      %swap3A = arith.index_cast %mul3A_29 : i32 to index
      %swap3A_30 = tpu.vector_load %arg10[%swap3A] {strides = array<i32>} : memref<128xi32, #tpu.memory_space<vmem>>, vector<16xi32>,
      %swap3A_31 = vector.shape_cast %swap3A_30 : vector<16xi32> to vector<16xi32>
      %swap3A_32 = vector.shape_cast %and3A_27 : vector<16xi32> to vector<16xi32>
      tpu.vector_store %arg10[%swap3A], %swap3A_32 {strides = array<i32>} : memref<128xi32, #tpu.memory_space<vmem>>, vector<16xi32>,
      %shift_right_arithmetic3A = arith.constant 16 : i32
      %shift_right_arithmetic3A_33 = vector.broadcast %shift_right_arithmetic3A : i32 to vector<16xi32>
      %shift_right_arithmetic3A_34 = arith.shrsi %get3A_25, %shift_right_arithmetic3A_33 : vector<16xi32>
      %mul3A_35 = arith.constant 16 : i32
      %mul3A_36 = arith.muli %scan3A_19, %mul3A_35 : i32
      %swap3A_37 = arith.index_cast %mul3A_36 : i32 to index
      %swap3A_38 = tpu.vector_load %arg11[%swap3A_37] {strides = array<i32>} : memref<128xi32, #tpu.memory_space<vmem>>, vector<16xi32>,
      %swap3A_39 = vector.shape_cast %swap3A_38 : vector<16xi32> to vector<16xi32>
      %swap3A_40 = vector.shape_cast %shift_right_arithmetic3A_34 : vector<16xi32> to vector<16xi32>
      tpu.vector_store %arg11[%swap3A_37], %swap3A_40 {strides = array<i32>} : memref<128xi32, #tpu.memory_space<vmem>>, vector<16xi32>,
    }
    %scan3A_9 = arith.constant 8 : i32
    %dma_start3A = arith.constant 0 : i32
    %dma_start3A_10 = arith.constant 0 : i32
    %dma_start3A_11 = tpu.memref_slice %arg2[%dma_start3A, %dma_start3A_10] : memref<10112x128xf32, #tpu.memory_space<hbm>> -> memref<10112x128xf32, #tpu.memory_space<hbm>>
    tpu.enqueue_indirect_dma source(%dma_start3A_11 : memref<10112x128xf32, #tpu.memory_space<hbm>>) target(%arg8 : memref<128x128xf32, #tpu.memory_space<vmem>>) offsets(%arg11 : memref<128xi32, #tpu.memory_space<vmem>>) semaphore(%arg14 : memref<!tpu.dma_semaphore, #tpu.memory_space<semaphore_mem>>)
    %scan3A_12 = arith.constant 0 : i32
    %scan3A_13 = arith.constant 0 : i32
    %scan3A_14 = arith.constant 40 : i32
    %scan3A_15 = arith.addi %scan3A_13, %scan3A_14 : i32
    %scan3A_16 = arith.constant 1 : i32
    scf.for %scan3A_19 = %scan3A_13 to %scan3A_15 step %scan3A_16  : i32 {
      %mul3A_20 = arith.constant 2 : i32
      %mul3A_21 = arith.muli %mul3A_20, %scan3A_19 : i32
      %add3A_22 = arith.constant 1 : i32
      %add3A_23 = arith.addi %mul3A_21, %add3A_22 : i32
      %scan3A_24 = arith.constant 0 : i32
      %scan3A_25 = arith.constant 0 : i32
      %scan3A_26 = arith.constant 8 : i32
      %scan3A_27 = arith.addi %scan3A_25, %scan3A_26 : i32
      %scan3A_28 = arith.constant 1 : i32
      scf.for %scan3A_42 = %scan3A_25 to %scan3A_27 step %scan3A_28  : i32 {
        %mul3A_43 = arith.constant 16 : i32
        %mul3A_44 = arith.muli %scan3A_42, %mul3A_43 : i32
        %get3A = arith.index_cast %add3A_23 : i32 to index
        %get3A_45 = arith.index_cast %mul3A_44 : i32 to index
        %get3A_46 = tpu.vector_load %arg7[%get3A, %get3A_45] {strides = array<i32>} : memref<80x128xi32, #tpu.memory_space<vmem>>, vector<1x16xi32>,
        %get3A_47 = vector.shape_cast %get3A_46 : vector<1x16xi32> to vector<16xi32>
        %and3A = arith.constant 65535 : i32
        %and3A_48 = vector.broadcast %and3A : i32 to vector<16xi32>
        %and3A_49 = arith.andi %get3A_47, %and3A_48 : vector<16xi32>
        %mul3A_50 = arith.constant 16 : i32
        %mul3A_51 = arith.muli %scan3A_42, %mul3A_50 : i32
        %swap3A = arith.index_cast %mul3A_51 : i32 to index
        %swap3A_52 = tpu.vector_load %arg12[%swap3A] {strides = array<i32>} : memref<128xi32, #tpu.memory_space<vmem>>, vector<16xi32>,
        %swap3A_53 = vector.shape_cast %swap3A_52 : vector<16xi32> to vector<16xi32>
        %swap3A_54 = vector.shape_cast %and3A_49 : vector<16xi32> to vector<16xi32>
        tpu.vector_store %arg12[%swap3A], %swap3A_54 {strides = array<i32>} : memref<128xi32, #tpu.memory_space<vmem>>, vector<16xi32>,
        %shift_right_arithmetic3A = arith.constant 16 : i32
        %shift_right_arithmetic3A_55 = vector.broadcast %shift_right_arithmetic3A : i32 to vector<16xi32>
        %shift_right_arithmetic3A_56 = arith.shrsi %get3A_47, %shift_right_arithmetic3A_55 : vector<16xi32>
        %mul3A_57 = arith.constant 16 : i32
        %mul3A_58 = arith.muli %scan3A_42, %mul3A_57 : i32
        %swap3A_59 = arith.index_cast %mul3A_58 : i32 to index
        %swap3A_60 = tpu.vector_load %arg13[%swap3A_59] {strides = array<i32>} : memref<128xi32, #tpu.memory_space<vmem>>, vector<16xi32>,
        %swap3A_61 = vector.shape_cast %swap3A_60 : vector<16xi32> to vector<16xi32>
        %swap3A_62 = vector.shape_cast %shift_right_arithmetic3A_56 : vector<16xi32> to vector<16xi32>
        tpu.vector_store %arg13[%swap3A_59], %swap3A_62 {strides = array<i32>} : memref<128xi32, #tpu.memory_space<vmem>>, vector<16xi32>,
      }
      %scan3A_29 = arith.constant 8 : i32
      %dma_start3A_30 = arith.constant 0 : i32
      %dma_start3A_31 = arith.constant 0 : i32
      %dma_start3A_32 = tpu.memref_slice %arg2[%dma_start3A_30, %dma_start3A_31] : memref<10112x128xf32, #tpu.memory_space<hbm>> -> memref<10112x128xf32, #tpu.memory_space<hbm>>
      tpu.enqueue_indirect_dma source(%dma_start3A_32 : memref<10112x128xf32, #tpu.memory_space<hbm>>) target(%arg9 : memref<128x128xf32, #tpu.memory_space<vmem>>) offsets(%arg13 : memref<128xi32, #tpu.memory_space<vmem>>) semaphore(%arg15 : memref<!tpu.dma_semaphore, #tpu.memory_space<semaphore_mem>>)
      %dma_wait3A = arith.constant 0 : i32
      %dma_wait3A_33 = arith.constant 0 : i32
      %dma_wait3A_34 = tpu.memref_slice %arg2[%dma_wait3A, %dma_wait3A_33] : memref<10112x128xf32, #tpu.memory_space<hbm>> -> memref<10112x128xf32, #tpu.memory_space<hbm>>
      tpu.wait_indirect_dma semaphore(%arg14 : memref<!tpu.dma_semaphore, #tpu.memory_space<semaphore_mem>>) src(%dma_wait3A_34 : memref<10112x128xf32, #tpu.memory_space<hbm>>) dst(%arg8 : memref<128x128xf32, #tpu.memory_space<vmem>>)
      "tpu.region"() ({
        %run_scoped3A = tpu.sem_alloc : memref<!tpu.dma_semaphore, #tpu.memory_space<semaphore_mem>>
        %dma_start3A_42 = arith.constant 0 : i32
        %dma_start3A_43 = arith.constant 0 : i32
        %dma_start3A_44 = tpu.memref_slice %arg6[%dma_start3A_42, %dma_start3A_43] : memref<10112x128xf32, #tpu.memory_space<vmem_shared>> -> memref<10112x128xf32, #tpu.memory_space<vmem_shared>>
        tpu.enqueue_indirect_dma source(%arg8 : memref<128x128xf32, #tpu.memory_space<vmem>>) target(%dma_start3A_44 : memref<10112x128xf32, #tpu.memory_space<vmem_shared>>) offsets(%arg10 : memref<128xi32, #tpu.memory_space<vmem>>) semaphore(%run_scoped3A : memref<!tpu.dma_semaphore, #tpu.memory_space<semaphore_mem>>) {add = true}
        %dma_wait3A_45 = arith.constant 0 : i32
        %dma_wait3A_46 = arith.constant 0 : i32
        %dma_wait3A_47 = tpu.memref_slice %arg6[%dma_wait3A_45, %dma_wait3A_46] : memref<10112x128xf32, #tpu.memory_space<vmem_shared>> -> memref<10112x128xf32, #tpu.memory_space<vmem_shared>>
        tpu.wait_indirect_dma semaphore(%run_scoped3A : memref<!tpu.dma_semaphore, #tpu.memory_space<semaphore_mem>>) src(%arg8 : memref<128x128xf32, #tpu.memory_space<vmem>>) dst(%dma_wait3A_47 : memref<10112x128xf32, #tpu.memory_space<vmem_shared>>)
        tpu.yield
      }) : () -> ()
      %add3A_35 = arith.constant 1 : i32
      %add3A_36 = arith.addi %scan3A_19, %add3A_35 : i32
      %lt3A = arith.constant 40 : i32
      %lt3A_37 = arith.cmpi slt, %add3A_36, %lt3A : i32
      %convert_element_type3A = arith.extui %lt3A_37 : i1 to i32
      %cond3A = arith.constant 0 : i32
      %cond3A_38 = arith.cmpi ne, %convert_element_type3A, %cond3A : i32
      scf.if %cond3A_38 {
        %add3A_42 = arith.constant 2 : i32
        %add3A_43 = arith.addi %mul3A_21, %add3A_42 : i32
        %scan3A_44 = arith.constant 0 : i32
        %scan3A_45 = arith.constant 0 : i32
        %scan3A_46 = arith.constant 8 : i32
        %scan3A_47 = arith.addi %scan3A_45, %scan3A_46 : i32
        %scan3A_48 = arith.constant 1 : i32
        scf.for %scan3A_53 = %scan3A_45 to %scan3A_47 step %scan3A_48  : i32 {
          %mul3A_54 = arith.constant 16 : i32
          %mul3A_55 = arith.muli %scan3A_53, %mul3A_54 : i32
          %get3A = arith.index_cast %add3A_43 : i32 to index
          %get3A_56 = arith.index_cast %mul3A_55 : i32 to index
          %get3A_57 = tpu.vector_load %arg7[%get3A, %get3A_56] {strides = array<i32>} : memref<80x128xi32, #tpu.memory_space<vmem>>, vector<1x16xi32>,
          %get3A_58 = vector.shape_cast %get3A_57 : vector<1x16xi32> to vector<16xi32>
          %and3A = arith.constant 65535 : i32
          %and3A_59 = vector.broadcast %and3A : i32 to vector<16xi32>
          %and3A_60 = arith.andi %get3A_58, %and3A_59 : vector<16xi32>
          %mul3A_61 = arith.constant 16 : i32
          %mul3A_62 = arith.muli %scan3A_53, %mul3A_61 : i32
          %swap3A = arith.index_cast %mul3A_62 : i32 to index
          %swap3A_63 = tpu.vector_load %arg10[%swap3A] {strides = array<i32>} : memref<128xi32, #tpu.memory_space<vmem>>, vector<16xi32>,
          %swap3A_64 = vector.shape_cast %swap3A_63 : vector<16xi32> to vector<16xi32>
          %swap3A_65 = vector.shape_cast %and3A_60 : vector<16xi32> to vector<16xi32>
          tpu.vector_store %arg10[%swap3A], %swap3A_65 {strides = array<i32>} : memref<128xi32, #tpu.memory_space<vmem>>, vector<16xi32>,
          %shift_right_arithmetic3A = arith.constant 16 : i32
          %shift_right_arithmetic3A_66 = vector.broadcast %shift_right_arithmetic3A : i32 to vector<16xi32>
          %shift_right_arithmetic3A_67 = arith.shrsi %get3A_58, %shift_right_arithmetic3A_66 : vector<16xi32>
          %mul3A_68 = arith.constant 16 : i32
          %mul3A_69 = arith.muli %scan3A_53, %mul3A_68 : i32
          %swap3A_70 = arith.index_cast %mul3A_69 : i32 to index
          %swap3A_71 = tpu.vector_load %arg11[%swap3A_70] {strides = array<i32>} : memref<128xi32, #tpu.memory_space<vmem>>, vector<16xi32>,
          %swap3A_72 = vector.shape_cast %swap3A_71 : vector<16xi32> to vector<16xi32>
          %swap3A_73 = vector.shape_cast %shift_right_arithmetic3A_67 : vector<16xi32> to vector<16xi32>
          tpu.vector_store %arg11[%swap3A_70], %swap3A_73 {strides = array<i32>} : memref<128xi32, #tpu.memory_space<vmem>>, vector<16xi32>,
        }
        %scan3A_49 = arith.constant 8 : i32
        %dma_start3A_50 = arith.constant 0 : i32
        %dma_start3A_51 = arith.constant 0 : i32
        %dma_start3A_52 = tpu.memref_slice %arg2[%dma_start3A_50, %dma_start3A_51] : memref<10112x128xf32, #tpu.memory_space<hbm>> -> memref<10112x128xf32, #tpu.memory_space<hbm>>
        tpu.enqueue_indirect_dma source(%dma_start3A_52 : memref<10112x128xf32, #tpu.memory_space<hbm>>) target(%arg8 : memref<128x128xf32, #tpu.memory_space<vmem>>) offsets(%arg11 : memref<128xi32, #tpu.memory_space<vmem>>) semaphore(%arg14 : memref<!tpu.dma_semaphore, #tpu.memory_space<semaphore_mem>>)
      } else {
      }
      %dma_wait3A_39 = arith.constant 0 : i32
      %dma_wait3A_40 = arith.constant 0 : i32
      %dma_wait3A_41 = tpu.memref_slice %arg2[%dma_wait3A_39, %dma_wait3A_40] : memref<10112x128xf32, #tpu.memory_space<hbm>> -> memref<10112x128xf32, #tpu.memory_space<hbm>>
      tpu.wait_indirect_dma semaphore(%arg15 : memref<!tpu.dma_semaphore, #tpu.memory_space<semaphore_mem>>) src(%dma_wait3A_41 : memref<10112x128xf32, #tpu.memory_space<hbm>>) dst(%arg9 : memref<128x128xf32, #tpu.memory_space<vmem>>)
      "tpu.region"() ({
        %run_scoped3A = tpu.sem_alloc : memref<!tpu.dma_semaphore, #tpu.memory_space<semaphore_mem>>
        %dma_start3A_42 = arith.constant 0 : i32
        %dma_start3A_43 = arith.constant 0 : i32
        %dma_start3A_44 = tpu.memref_slice %arg6[%dma_start3A_42, %dma_start3A_43] : memref<10112x128xf32, #tpu.memory_space<vmem_shared>> -> memref<10112x128xf32, #tpu.memory_space<vmem_shared>>
        tpu.enqueue_indirect_dma source(%arg9 : memref<128x128xf32, #tpu.memory_space<vmem>>) target(%dma_start3A_44 : memref<10112x128xf32, #tpu.memory_space<vmem_shared>>) offsets(%arg12 : memref<128xi32, #tpu.memory_space<vmem>>) semaphore(%run_scoped3A : memref<!tpu.dma_semaphore, #tpu.memory_space<semaphore_mem>>) {add = true}
        %dma_wait3A_45 = arith.constant 0 : i32
        %dma_wait3A_46 = arith.constant 0 : i32
        %dma_wait3A_47 = tpu.memref_slice %arg6[%dma_wait3A_45, %dma_wait3A_46] : memref<10112x128xf32, #tpu.memory_space<vmem_shared>> -> memref<10112x128xf32, #tpu.memory_space<vmem_shared>>
        tpu.wait_indirect_dma semaphore(%run_scoped3A : memref<!tpu.dma_semaphore, #tpu.memory_space<semaphore_mem>>) src(%arg9 : memref<128x128xf32, #tpu.memory_space<vmem>>) dst(%dma_wait3A_47 : memref<10112x128xf32, #tpu.memory_space<vmem_shared>>)
        tpu.yield
      }) : () -> ()
    }
    %scan3A_17 = arith.constant 40 : i32
    %barrier3A_18 = arith.constant 0 : index
    tpu.barrier barrier_id(%barrier3A_18)
    "tpu.region"() ({
      %run_scoped3A = tpu.sem_alloc : memref<!tpu.dma_semaphore, #tpu.memory_space<semaphore_mem>>
      %dma_start3A_19 = arith.constant 0 : i32
      %dma_start3A_20 = tpu.memref_slice %arg5[%arg0, %mul3A_2, %dma_start3A_19] : memref<2x10112x128xf32, #tpu.memory_space<hbm>> -> memref<1x632x128xf32, #tpu.memory_space<hbm>>
      %dma_start3A_21 = tpu.memref_squeeze %dma_start3A_20 : memref<1x632x128xf32, #tpu.memory_space<hbm>> -> memref<632x128xf32, #tpu.memory_space<hbm>>
      %dma_start3A_22 = arith.constant 0 : i32
      %dma_start3A_23 = tpu.memref_slice %arg6[%mul3A_2, %dma_start3A_22] : memref<10112x128xf32, #tpu.memory_space<vmem_shared>> -> memref<632x128xf32, #tpu.memory_space<vmem_shared>>
      tpu.enqueue_dma source(%dma_start3A_23 : memref<632x128xf32, #tpu.memory_space<vmem_shared>>) target(%dma_start3A_21 : memref<632x128xf32, #tpu.memory_space<hbm>>) target_semaphore(%run_scoped3A : memref<!tpu.dma_semaphore, #tpu.memory_space<semaphore_mem>>)
      %dma_wait3A = arith.constant 0 : i32
      %dma_wait3A_24 = tpu.memref_slice %arg5[%arg0, %mul3A_2, %dma_wait3A] : memref<2x10112x128xf32, #tpu.memory_space<hbm>> -> memref<1x632x128xf32, #tpu.memory_space<hbm>>
      %dma_wait3A_25 = tpu.memref_squeeze %dma_wait3A_24 : memref<1x632x128xf32, #tpu.memory_space<hbm>> -> memref<632x128xf32, #tpu.memory_space<hbm>>
      %dma_wait3A_26 = arith.constant 0 : i32
      %dma_wait3A_27 = tpu.memref_slice %arg6[%mul3A_2, %dma_wait3A_26] : memref<10112x128xf32, #tpu.memory_space<vmem_shared>> -> memref<632x128xf32, #tpu.memory_space<vmem_shared>>
      tpu.wait_dma2 semaphore(%run_scoped3A : memref<!tpu.dma_semaphore, #tpu.memory_space<semaphore_mem>>) src(%dma_wait3A_27 : memref<632x128xf32, #tpu.memory_space<vmem_shared>>) dst(%dma_wait3A_25 : memref<632x128xf32, #tpu.memory_space<hbm>>)
      tpu.yield
    }) : () -> ()
    return
  }
}

module attributes {stable_mosaic.version = 14 : i64} {
  func.func @scale0_body(%arg0: i32, %arg1: memref<1264x128xf32, #tpu.memory_space<vmem>>, %arg2: memref<1264x1xf32, #tpu.memory_space<vmem>>, %arg3: memref<1264x1xf32, #tpu.memory_space<vmem>>, %arg4: memref<1264x128xf32, #tpu.memory_space<vmem>>) attributes {dimension_semantics = [#tpu.dimension_semantics<arbitrary>], iteration_bounds = array<i64: 8>, scalar_prefetch = 0 : i64, scratch_operands = 0 : i64, tpu.core_type = #tpu.core_type<tc>, window_params = [{transform_indices = @transform_0, window_bounds = array<i64: 1264, 128>}, {transform_indices = @transform_1, window_bounds = array<i64: 1264, 1>}, {transform_indices = @transform_2, window_bounds = array<i64: 1264, 1>}, {transform_indices = @transform_3, window_bounds = array<i64: 1264, 128>}]} {
    %get3A = arith.constant 0 : index
    %get3A_0 = arith.constant 0 : index
    %get3A_1 = vector.load %arg2[%get3A, %get3A_0] : memref<1264x1xf32, #tpu.memory_space<vmem>>, vector<1264x1xf32>
    %get3A_2 = arith.constant 0 : index
    %get3A_3 = arith.constant 0 : index
    %get3A_4 = vector.load %arg3[%get3A_2, %get3A_3] : memref<1264x1xf32, #tpu.memory_space<vmem>>, vector<1264x1xf32>
    %add3A = arith.addf %get3A_1, %get3A_4 : vector<1264x1xf32>
    %add3A_5 = arith.constant 1.000000e+00 : f32
    %add3A_6 = vector.broadcast %add3A_5 : f32 to vector<1264x1xf32>
    %add3A_7 = arith.addf %add3A, %add3A_6 : vector<1264x1xf32>
    %add3A_8 = arith.constant 9.99999993E-9 : f32
    %add3A_9 = vector.broadcast %add3A_8 : f32 to vector<1264x1xf32>
    %add3A_10 = arith.addf %add3A_7, %add3A_9 : vector<1264x1xf32>
    %div3A = arith.constant 1.000000e+00 : f32
    %div3A_11 = vector.broadcast %div3A : f32 to vector<1264x1xf32>
    %div3A_12 = arith.divf %div3A_11, %add3A_10 : vector<1264x1xf32>
    %mul3A = arith.mulf %add3A_7, %div3A_12 : vector<1264x1xf32>
    %add3A_13 = arith.constant 9.99999993E-9 : f32
    %add3A_14 = vector.broadcast %add3A_13 : f32 to vector<1264x1xf32>
    %add3A_15 = arith.addf %mul3A, %add3A_14 : vector<1264x1xf32>
    %rsqrt3A = math.rsqrt %add3A_15 : vector<1264x1xf32>
    %get3A_16 = arith.constant 0 : index
    %get3A_17 = arith.constant 0 : index
    %get3A_18 = vector.load %arg1[%get3A_16, %get3A_17] : memref<1264x128xf32, #tpu.memory_space<vmem>>, vector<1264x128xf32>
    %mul3A_19 = vector.broadcast %rsqrt3A : vector<1264x1xf32> to vector<1264x128xf32>
    %mul3A_20 = arith.mulf %mul3A_19, %get3A_18 : vector<1264x128xf32>
    %swap3A = arith.constant 0 : index
    %swap3A_21 = arith.constant 0 : index
    %swap3A_22 = vector.load %arg4[%swap3A, %swap3A_21] : memref<1264x128xf32, #tpu.memory_space<vmem>>, vector<1264x128xf32>
    tpu.vector_store %arg4[%swap3A, %swap3A_21], %mul3A_20 {strides = array<i32>} : memref<1264x128xf32, #tpu.memory_space<vmem>>, vector<1264x128xf32>,
    return
  }
  func.func @transform_0(%arg0: i32) -> (i32, i32) {
    %c0_i32 = arith.constant 0 : i32
    %c0_i32_0 = arith.constant 0 : i32
    return %arg0, %c0_i32 : i32, i32
  }
  func.func @transform_1(%arg0: i32) -> (i32, i32) {
    %c0_i32 = arith.constant 0 : i32
    %c0_i32_0 = arith.constant 0 : i32
    return %arg0, %c0_i32 : i32, i32
  }
  func.func @transform_2(%arg0: i32) -> (i32, i32) {
    %c0_i32 = arith.constant 0 : i32
    %c0_i32_0 = arith.constant 0 : i32
    return %arg0, %c0_i32 : i32, i32
  }
  func.func @transform_3(%arg0: i32) -> (i32, i32) {
    %c0_i32 = arith.constant 0 : i32
    %c0_i32_0 = arith.constant 0 : i32
    return %arg0, %c0_i32 : i32, i32
  }
}

module attributes {stable_mosaic.version = 14 : i64} {
  func.func @update_body(%arg0: i32, %arg1: memref<2x1264x128xf32, #tpu.memory_space<vmem>>, %arg2: memref<1264x128xf32, #tpu.memory_space<vmem>>, %arg3: memref<1264x1xf32, #tpu.memory_space<vmem>>, %arg4: memref<1264x1xf32, #tpu.memory_space<vmem>>, %arg5: memref<1264x128xf32, #tpu.memory_space<vmem>>) attributes {dimension_semantics = [#tpu.dimension_semantics<arbitrary>], iteration_bounds = array<i64: 8>, scalar_prefetch = 0 : i64, scratch_operands = 0 : i64, tpu.core_type = #tpu.core_type<tc>, window_params = [{transform_indices = @transform_0, window_bounds = array<i64: 2, 1264, 128>}, {transform_indices = @transform_1, window_bounds = array<i64: 1264, 128>}, {transform_indices = @transform_2, window_bounds = array<i64: 1264, 1>}, {transform_indices = @transform_3, window_bounds = array<i64: 1264, 1>}, {transform_indices = @transform_4, window_bounds = array<i64: 1264, 128>}]} {
    %get3A = arith.constant 0 : index
    %get3A_0 = arith.constant 0 : index
    %get3A_1 = vector.load %arg3[%get3A, %get3A_0] : memref<1264x1xf32, #tpu.memory_space<vmem>>, vector<1264x1xf32>
    %get3A_2 = arith.constant 0 : index
    %get3A_3 = arith.constant 0 : index
    %get3A_4 = vector.load %arg4[%get3A_2, %get3A_3] : memref<1264x1xf32, #tpu.memory_space<vmem>>, vector<1264x1xf32>
    %add3A = arith.addf %get3A_1, %get3A_4 : vector<1264x1xf32>
    %add3A_5 = arith.constant 1.000000e+00 : f32
    %add3A_6 = vector.broadcast %add3A_5 : f32 to vector<1264x1xf32>
    %add3A_7 = arith.addf %add3A, %add3A_6 : vector<1264x1xf32>
    %add3A_8 = arith.constant 9.99999993E-9 : f32
    %add3A_9 = vector.broadcast %add3A_8 : f32 to vector<1264x1xf32>
    %add3A_10 = arith.addf %add3A_7, %add3A_9 : vector<1264x1xf32>
    %div3A = arith.constant 1.000000e+00 : f32
    %div3A_11 = vector.broadcast %div3A : f32 to vector<1264x1xf32>
    %div3A_12 = arith.divf %div3A_11, %add3A_10 : vector<1264x1xf32>
    %mul3A = arith.mulf %add3A_7, %div3A_12 : vector<1264x1xf32>
    %add3A_13 = arith.constant 9.99999993E-9 : f32
    %add3A_14 = vector.broadcast %add3A_13 : f32 to vector<1264x1xf32>
    %add3A_15 = arith.addf %mul3A, %add3A_14 : vector<1264x1xf32>
    %rsqrt3A = math.rsqrt %add3A_15 : vector<1264x1xf32>
    %mul3A_16 = arith.mulf %div3A_12, %rsqrt3A : vector<1264x1xf32>
    %mul3A_17 = arith.mulf %mul3A_16, %rsqrt3A : vector<1264x1xf32>
    %get3A_18 = arith.constant 0 : index
    %get3A_19 = arith.constant 0 : index
    %get3A_20 = arith.constant 0 : index
    %get3A_21 = vector.load %arg1[%get3A_18, %get3A_19, %get3A_20] : memref<2x1264x128xf32, #tpu.memory_space<vmem>>, vector<1x1264x128xf32>
    %get3A_22 = vector.shape_cast %get3A_21 : vector<1x1264x128xf32> to vector<1264x128xf32>
    %get3A_23 = arith.constant 1 : index
    %get3A_24 = arith.constant 0 : index
    %get3A_25 = arith.constant 0 : index
    %get3A_26 = vector.load %arg1[%get3A_23, %get3A_24, %get3A_25] : memref<2x1264x128xf32, #tpu.memory_space<vmem>>, vector<1x1264x128xf32>
    %get3A_27 = vector.shape_cast %get3A_26 : vector<1x1264x128xf32> to vector<1264x128xf32>
    %add3A_28 = arith.addf %get3A_22, %get3A_27 : vector<1264x128xf32>
    %get3A_29 = arith.constant 0 : index
    %get3A_30 = arith.constant 0 : index
    %get3A_31 = vector.load %arg2[%get3A_29, %get3A_30] : memref<1264x128xf32, #tpu.memory_space<vmem>>, vector<1264x128xf32>
    %add3A_32 = arith.addf %add3A_28, %get3A_31 : vector<1264x128xf32>
    %mul3A_33 = vector.broadcast %mul3A_17 : vector<1264x1xf32> to vector<1264x128xf32>
    %mul3A_34 = arith.mulf %mul3A_33, %add3A_32 : vector<1264x128xf32>
    %swap3A = arith.constant 0 : index
    %swap3A_35 = arith.constant 0 : index
    %swap3A_36 = vector.load %arg5[%swap3A, %swap3A_35] : memref<1264x128xf32, #tpu.memory_space<vmem>>, vector<1264x128xf32>
    tpu.vector_store %arg5[%swap3A, %swap3A_35], %mul3A_34 {strides = array<i32>} : memref<1264x128xf32, #tpu.memory_space<vmem>>, vector<1264x128xf32>,
    return
  }
  func.func @transform_0(%arg0: i32) -> (i32, i32, i32) {
    %c0_i32 = arith.constant 0 : i32
    %c0_i32_0 = arith.constant 0 : i32
    %c0_i32_1 = arith.constant 0 : i32
    return %c0_i32, %arg0, %c0_i32_0 : i32, i32, i32
  }
  func.func @transform_1(%arg0: i32) -> (i32, i32) {
    %c0_i32 = arith.constant 0 : i32
    %c0_i32_0 = arith.constant 0 : i32
    return %arg0, %c0_i32 : i32, i32
  }
  func.func @transform_2(%arg0: i32) -> (i32, i32) {
    %c0_i32 = arith.constant 0 : i32
    %c0_i32_0 = arith.constant 0 : i32
    return %arg0, %c0_i32 : i32, i32
  }
  func.func @transform_3(%arg0: i32) -> (i32, i32) {
    %c0_i32 = arith.constant 0 : i32
    %c0_i32_0 = arith.constant 0 : i32
    return %arg0, %c0_i32 : i32, i32
  }
  func.func @transform_4(%arg0: i32) -> (i32, i32) {
    %c0_i32 = arith.constant 0 : i32
    %c0_i32_0 = arith.constant 0 : i32
    return %arg0, %c0_i32 : i32, i32
  }
}

module attributes {stable_mosaic.version = 14 : i64} {
  func.func @final_body(%arg0: i32, %arg1: memref<2x1264x128xf32, #tpu.memory_space<vmem>>, %arg2: memref<1264x128xf32, #tpu.memory_space<vmem>>, %arg3: memref<1264x128xf32, #tpu.memory_space<vmem>>, %arg4: memref<1264x128xf32, #tpu.memory_space<vmem>>, %arg5: memref<1264x1xf32, #tpu.memory_space<vmem>>, %arg6: memref<1264x1xf32, #tpu.memory_space<vmem>>, %arg7: memref<1264x128xf32, #tpu.memory_space<vmem>>) attributes {dimension_semantics = [#tpu.dimension_semantics<arbitrary>], iteration_bounds = array<i64: 8>, scalar_prefetch = 0 : i64, scratch_operands = 0 : i64, tpu.core_type = #tpu.core_type<tc>, window_params = [{transform_indices = @transform_0, window_bounds = array<i64: 2, 1264, 128>}, {transform_indices = @transform_1, window_bounds = array<i64: 1264, 128>}, {transform_indices = @transform_2, window_bounds = array<i64: 1264, 128>}, {transform_indices = @transform_3, window_bounds = array<i64: 1264, 128>}, {transform_indices = @transform_4, window_bounds = array<i64: 1264, 1>}, {transform_indices = @transform_5, window_bounds = array<i64: 1264, 1>}, {transform_indices = @transform_6, window_bounds = array<i64: 1264, 128>}]} {
    %get3A = arith.constant 0 : index
    %get3A_0 = arith.constant 0 : index
    %get3A_1 = vector.load %arg5[%get3A, %get3A_0] : memref<1264x1xf32, #tpu.memory_space<vmem>>, vector<1264x1xf32>
    %get3A_2 = arith.constant 0 : index
    %get3A_3 = arith.constant 0 : index
    %get3A_4 = vector.load %arg6[%get3A_2, %get3A_3] : memref<1264x1xf32, #tpu.memory_space<vmem>>, vector<1264x1xf32>
    %add3A = arith.addf %get3A_1, %get3A_4 : vector<1264x1xf32>
    %add3A_5 = arith.constant 1.000000e+00 : f32
    %add3A_6 = vector.broadcast %add3A_5 : f32 to vector<1264x1xf32>
    %add3A_7 = arith.addf %add3A, %add3A_6 : vector<1264x1xf32>
    %add3A_8 = arith.constant 9.99999993E-9 : f32
    %add3A_9 = vector.broadcast %add3A_8 : f32 to vector<1264x1xf32>
    %add3A_10 = arith.addf %add3A_7, %add3A_9 : vector<1264x1xf32>
    %div3A = arith.constant 1.000000e+00 : f32
    %div3A_11 = vector.broadcast %div3A : f32 to vector<1264x1xf32>
    %div3A_12 = arith.divf %div3A_11, %add3A_10 : vector<1264x1xf32>
    %mul3A = arith.mulf %add3A_7, %div3A_12 : vector<1264x1xf32>
    %add3A_13 = arith.constant 9.99999993E-9 : f32
    %add3A_14 = vector.broadcast %add3A_13 : f32 to vector<1264x1xf32>
    %add3A_15 = arith.addf %mul3A, %add3A_14 : vector<1264x1xf32>
    %rsqrt3A = math.rsqrt %add3A_15 : vector<1264x1xf32>
    %mul3A_16 = arith.mulf %div3A_12, %rsqrt3A : vector<1264x1xf32>
    %mul3A_17 = arith.mulf %mul3A_16, %rsqrt3A : vector<1264x1xf32>
    %get3A_18 = arith.constant 0 : index
    %get3A_19 = arith.constant 0 : index
    %get3A_20 = arith.constant 0 : index
    %get3A_21 = vector.load %arg1[%get3A_18, %get3A_19, %get3A_20] : memref<2x1264x128xf32, #tpu.memory_space<vmem>>, vector<1x1264x128xf32>
    %get3A_22 = vector.shape_cast %get3A_21 : vector<1x1264x128xf32> to vector<1264x128xf32>
    %get3A_23 = arith.constant 1 : index
    %get3A_24 = arith.constant 0 : index
    %get3A_25 = arith.constant 0 : index
    %get3A_26 = vector.load %arg1[%get3A_23, %get3A_24, %get3A_25] : memref<2x1264x128xf32, #tpu.memory_space<vmem>>, vector<1x1264x128xf32>
    %get3A_27 = vector.shape_cast %get3A_26 : vector<1x1264x128xf32> to vector<1264x128xf32>
    %add3A_28 = arith.addf %get3A_22, %get3A_27 : vector<1264x128xf32>
    %get3A_29 = arith.constant 0 : index
    %get3A_30 = arith.constant 0 : index
    %get3A_31 = vector.load %arg4[%get3A_29, %get3A_30] : memref<1264x128xf32, #tpu.memory_space<vmem>>, vector<1264x128xf32>
    %add3A_32 = arith.addf %add3A_28, %get3A_31 : vector<1264x128xf32>
    %mul3A_33 = vector.broadcast %mul3A_17 : vector<1264x1xf32> to vector<1264x128xf32>
    %mul3A_34 = arith.mulf %mul3A_33, %add3A_32 : vector<1264x128xf32>
    %get3A_35 = arith.constant 0 : index
    %get3A_36 = arith.constant 0 : index
    %get3A_37 = vector.load %arg2[%get3A_35, %get3A_36] : memref<1264x128xf32, #tpu.memory_space<vmem>>, vector<1264x128xf32>
    %get3A_38 = arith.constant 0 : index
    %get3A_39 = arith.constant 0 : index
    %get3A_40 = vector.load %arg3[%get3A_38, %get3A_39] : memref<1264x128xf32, #tpu.memory_space<vmem>>, vector<1264x128xf32>
    %add3A_41 = arith.addf %get3A_37, %get3A_40 : vector<1264x128xf32>
    %get3A_42 = arith.constant 0 : index
    %get3A_43 = arith.constant 0 : index
    %get3A_44 = vector.load %arg4[%get3A_42, %get3A_43] : memref<1264x128xf32, #tpu.memory_space<vmem>>, vector<1264x128xf32>
    %add3A_45 = arith.addf %add3A_41, %get3A_44 : vector<1264x128xf32>
    %add3A_46 = arith.addf %add3A_45, %mul3A_34 : vector<1264x128xf32>
    %div3A_47 = arith.constant 2.500000e-01 : f32
    %div3A_48 = vector.broadcast %div3A_47 : f32 to vector<1264x1xf32>
    %div3A_49 = arith.divf %div3A_48, %rsqrt3A : vector<1264x1xf32>
    %mul3A_50 = vector.broadcast %div3A_49 : vector<1264x1xf32> to vector<1264x128xf32>
    %mul3A_51 = arith.mulf %add3A_46, %mul3A_50 : vector<1264x128xf32>
    %swap3A = arith.constant 0 : index
    %swap3A_52 = arith.constant 0 : index
    %swap3A_53 = vector.load %arg7[%swap3A, %swap3A_52] : memref<1264x128xf32, #tpu.memory_space<vmem>>, vector<1264x128xf32>
    tpu.vector_store %arg7[%swap3A, %swap3A_52], %mul3A_51 {strides = array<i32>} : memref<1264x128xf32, #tpu.memory_space<vmem>>, vector<1264x128xf32>,
    return
  }
  func.func @transform_0(%arg0: i32) -> (i32, i32, i32) {
    %c0_i32 = arith.constant 0 : i32
    %c0_i32_0 = arith.constant 0 : i32
    %c0_i32_1 = arith.constant 0 : i32
    return %c0_i32, %arg0, %c0_i32_0 : i32, i32, i32
  }
  func.func @transform_1(%arg0: i32) -> (i32, i32) {
    %c0_i32 = arith.constant 0 : i32
    %c0_i32_0 = arith.constant 0 : i32
    return %arg0, %c0_i32 : i32, i32
  }
  func.func @transform_2(%arg0: i32) -> (i32, i32) {
    %c0_i32 = arith.constant 0 : i32
    %c0_i32_0 = arith.constant 0 : i32
    return %arg0, %c0_i32 : i32, i32
  }
  func.func @transform_3(%arg0: i32) -> (i32, i32) {
    %c0_i32 = arith.constant 0 : i32
    %c0_i32_0 = arith.constant 0 : i32
    return %arg0, %c0_i32 : i32, i32
  }
  func.func @transform_4(%arg0: i32) -> (i32, i32) {
    %c0_i32 = arith.constant 0 : i32
    %c0_i32_0 = arith.constant 0 : i32
    return %arg0, %c0_i32 : i32, i32
  }
  func.func @transform_5(%arg0: i32) -> (i32, i32) {
    %c0_i32 = arith.constant 0 : i32
    %c0_i32_0 = arith.constant 0 : i32
    return %arg0, %c0_i32 : i32, i32
  }
  func.func @transform_6(%arg0: i32) -> (i32, i32) {
    %c0_i32 = arith.constant 0 : i32
    %c0_i32_0 = arith.constant 0 : i32
    return %arg0, %c0_i32 : i32, i32
  }
}

</mosaic_0001>

<sc_bundles>
// kernel: kernel.10.cloned.1.call-start
scs
__scs_entry_jumppad:
0x0: {  	(pc) =	sbr.rel $0x88, $3  }
0x1: {  	(tag) =	ssettag $0x0;
	lr =	simm.s32 $0x1  }
0x2: {  	[smem:$0x3F9F] =	sst lr;
	_ =	strace $0xD0000000  }
0x3: {  	_ = 	snop  }
0x4: {  	_ = 	snop  }
0x5: {  	_ = 	snop  }
0x6: {  	_ = 	snop  }
0x7: {  	_ = 	snop  }
__scs_overlays_trampoline_lowered:
0x8: {  	[smem:$0x3FAE] =	sst s0  }
0x9: {  	[smem:$0x3FAF] =	sst s1  }
0xa: {  	[smem:$0x3FB0] =	sst s2  }
0xb: {  	[smem:$0x3FB1] =	sst s3  }
0xc: {  	[smem:$0x3FB2] =	sst s4  }
0xd: {  	[smem:$0x3FB3] =	sst s5  }
0xe: {  	[smem:$0x3FB4] =	sst s6  }
0xf: {  	[smem:$0x3FB5] =	sst s7  }
0x10: {  	[smem:$0x3FB6] =	sst s8  }
0x11: {  	[smem:$0x3FB7] =	sst s9;
	s0 =	simm.s32 @!p0 $0x0  }
0x12: {  	s1 =	sld [smem:$0x3F9D];
	s0 =	simm.s32 @p0 $0x1  }
0x13: {  	[smem:$0x3FB8] =	sst s0;
	s0 =	simm.s32 @!p1 $0x0  }
0x14: {  	s2 =	sld [smem:$0x3F9C];
	s0 =	simm.s32 @p1 $0x1  }
0x15: {  	[smem:$0x3FB9] =	sst s0;
	s0 =	simm.s32 @!p2 $0x0  }
0x16: {  	s3 =	sld [smem:$0x3FDB];
	s0 =	simm.s32 @p2 $0x1  }
0x17: {  	s4 =	simm.s32 $0x1BF5;
	[smem:$0x3FBB] =	sst s0  }
0x18: {  	s0 =	sld [smem:$0x3F9E];
	_ =	swait.ge [sflag:s4], $0x0  }
0x19: {  	s7 =	sld [smem:$0x3F9F]  }
0x1a: {  	s8 =	sadd.s32 $0xFFFFE003, lr  }
0x1b: {  	s9 =	sadd.s32 $0xFFFFFEF7, lr;
	s5 =	simm.s32 $0xFFFFFFFF;
	p2 =	slt.u32 s8, $0xFFFFF086  }
0x1c: {  	p1 =	slt.u32 s9, $0xF7A;
	s5 =	simm.s32 @!p2 $0x0  }
0x1d: {  	s5 =	simm.s32 @p1 $0x1;
	p0 =	seq.s32 s7, s2  }
0x1e: {  	s7 =	smul.u32 @!p0 $0xF7A, s2;
	p2 =	seq.s32 @!p0 s5, $0x0  }
0x1f: {  	s9 =	smul.u32 $0xF7A, s1;
	s8 =	simm.s32 @!p0 $0x1BF5;
	p2 =	por !p2, p0  }
0x20: {  	[sflag:s8] =	ssyncset.s32 @!p0 $0xFFFFF086;
	s6 =	sadd.s32 @!p0 s3, s7;
	s7 =	simm.s32 @!p0 $0x108  }
0x21: {  	s3 =	sadd.s32 s3, s9;
	s6 =	sadd.s32 @!p0 $0x88, s6;
	s7 =	simm.s32 @p2 $0x1082  }
0x22: {  	[simem:s7], [sflag:s8] =	dma.local @!p0 [hbm:s6], $0xF7A  }
0x23: {  	s9 =	sor.u32 $0xD0000000, s2;
	s6 =	simm.s32 $0x108;
	_ =	swait.ge @!p0 [sflag:s8], $0x0  }
0x24: {  	s3 =	sadd.s32 $0x88, s3;
	s6 =	simm.s32 @!p1 $0x1082;
	[sflag:s4] =	ssyncset.s32 $0xFFFFF086  }
0x25: {  	[simem:s6], [sflag:s4] =	dma.local [hbm:s3], $0xF7A  }
0x26: {  	[smem:$0x3F9F] =	sst s1;
	(tag) =	ssettag s2;
	_ =	strace s9  }
0x27: {  	s1 =	sld [smem:$0x3FAF]  }
0x28: {  	s2 =	sld [smem:$0x3FB0]  }
0x29: {  	s4 =	sld [smem:$0x3FB2]  }
0x2a: {  	p0 =	seq.s32 s5, $0x0;
	s5 =	sld [smem:$0x3FB3]  }
0x2b: {  	s6 =	sld [smem:$0x3FB4]  }
0x2c: {  	s7 =	sld [smem:$0x3FB5]  }
0x2d: {  	s3 =	simm.s32 $0x108;
	s8 =	sld [smem:$0x3FB6]  }
0x2e: {  	s3 =	simm.s32 @!p0 $0x1082;
	s9 =	sld [smem:$0x3FB7]  }
0x2f: {  	lr =	sadd.s32 s0, s3;
	s0 =	sld [smem:$0x3FAE]  }
0x30: {  	s3 =	sld [smem:$0x3FB1]  }
0x31: {  	[smem:$0x3FBA] =	sst s10  }
0x32: {  	s10 =	sld [smem:$0x3FB8];
	_ =	sdelay $0x3  }
0x33: {  	p0 =	seq.s32 s10, $0x1;
	s10 =	sld [smem:$0x3FBA];
	_ =	sdelay $0x3  }
0x34: {  	[smem:$0x3FBA] =	sst s10  }
0x35: {  	s10 =	sld [smem:$0x3FB9];
	_ =	sdelay $0x3  }
0x36: {  	p1 =	seq.s32 s10, $0x1;
	s10 =	sld [smem:$0x3FBA];
	_ =	sdelay $0x3  }
0x37: {  	[smem:$0x3FBA] =	sst s10  }
0x38: {  	s10 =	sld [smem:$0x3FBB]  }
0x39: {  	_ = 	snop;
	(pc) =	sbr.ind lr, $3  }
0x3a: {  	_ = 	snop  }
0x3b: {  	_ = 	snop  }
0x3c: {  	p2 =	seq.s32 s10, $0x1;
	s10 =	sld [smem:$0x3FBA]  }
0x3d: {  	_ =	shalt  }
0x3e: {  	_ =	shalt  }
0x3f: {  	_ =	shalt  }
0x40: {  	_ =	shalt  }
0x41: {  	_ =	shalt  }
0x42: {  	_ =	shalt  }
0x43: {  	_ =	shalt  }
0x44: {  	_ =	shalt  }
0x45: {  	_ =	shalt  }
0x46: {  	_ =	shalt  }
0x47: {  	_ =	shalt  }
0x48: {  	_ =	shalt  }
0x49: {  	_ =	shalt  }
0x4a: {  	_ =	shalt  }
0x4b: {  	_ =	shalt  }
0x4c: {  	_ =	shalt  }
0x4d: {  	_ =	shalt  }
0x4e: {  	_ =	shalt  }
0x4f: {  	_ =	shalt  }
0x50: {  	_ =	shalt  }
0x51: {  	_ =	shalt  }
0x52: {  	_ =	shalt  }
0x53: {  	_ =	shalt  }
0x54: {  	_ =	shalt  }
0x55: {  	_ =	shalt  }
0x56: {  	_ =	shalt  }
0x57: {  	_ =	shalt  }
0x58: {  	_ =	shalt  }
0x59: {  	_ =	shalt  }
0x5a: {  	_ =	shalt  }
0x5b: {  	_ =	shalt  }
0x5c: {  	_ =	shalt  }
0x5d: {  	_ =	shalt  }
0x5e: {  	_ =	shalt  }
0x5f: {  	_ =	shalt  }
0x60: {  	_ =	shalt  }
0x61: {  	_ =	shalt  }
0x62: {  	_ =	shalt  }
0x63: {  	_ =	shalt  }
0x64: {  	_ =	shalt  }
0x65: {  	_ =	shalt  }
0x66: {  	_ =	shalt  }
0x67: {  	_ =	shalt  }
0x68: {  	_ =	shalt  }
0x69: {  	_ =	shalt  }
0x6a: {  	_ =	shalt  }
0x6b: {  	_ =	shalt  }
0x6c: {  	_ =	shalt  }
0x6d: {  	_ =	shalt  }
0x6e: {  	_ =	shalt  }
0x6f: {  	_ =	shalt  }
0x70: {  	_ =	shalt  }
0x71: {  	_ =	shalt  }
0x72: {  	_ =	shalt  }
0x73: {  	_ =	shalt  }
0x74: {  	_ =	shalt  }
0x75: {  	_ =	shalt  }
0x76: {  	_ =	shalt  }
0x77: {  	_ =	shalt  }
0x78: {  	_ =	shalt  }
0x79: {  	_ =	shalt  }
0x7a: {  	_ =	shalt  }
0x7b: {  	_ =	shalt  }
0x7c: {  	_ =	shalt  }
0x7d: {  	_ =	shalt  }
0x7e: {  	_ =	shalt  }
0x7f: {  	_ =	shalt  }
0x80: {  	_ =	shalt  }
0x81: {  	_ =	shalt  }
0x82: {  	_ =	shalt  }
0x83: {  	_ =	shalt  }
0x84: {  	_ =	shalt  }
0x85: {  	_ =	shalt  }
0x86: {  	_ =	shalt  }
0x87: {  	_ =	shalt  }
.Lfunc_end0:
.L_simem_size_0:
called_computation_lowered:
.L_overlay_start_0:
0x88: {  	s2 =	sld [smem:$0x3FD9]  }
0x89: {  	s3 =	sld [smem:$0x3FFE];
	_ =	sdelay $0x1  }
0x8a: {  	s1 =	srdreg.scid  }
0x8b: {  	s0 =	sand.u32 $0x1, s1  }
0x8c: {  	s17 =	sshll.u32 s0, $0xA;
	s2 =	sadd.s32 s3, s2  }
0x8d: {  	s2 =	sadd.s32 s2, s17  }
0x8e: {  	[smem:$0x3FC6] =	sst s2  }
0x8f: {  	_ = 	snop  }
0x90: {  	s2 =	sld [smem:$0x3FD0];
	(tm) =	ssettm $0x1  }
0x91: {  	s18 =	sld [smem:$0x3FFB];
	_ =	sdelay $0x3  }
0x92: {  	_ =	strace s18  }
0x93: {  	s3 =	sld [smem:$0x3FFC];
	_ =	sdelay $0x3  }
0x94: {  	_ =	strace s3  }
0x95: {  	s3 =	sld [smem:$0x3FFD];
	_ =	sdelay $0x3  }
0x96: {  	_ =	strace s3  }
0x97: {  	_ =	strace $0x8FFFFFFF  }
0x98: {  	s19 =	sld [smem:$0x3FDB];
	_ =	sdelay $0x1  }
0x99: {  	s4 =	simm.s32 $_scs_section_size  }
0x9a: {  	s5 =	simm.s32 $_size__tile_overlayer_lowered;
	s6 =	simm.s32 $_tile_overlayer_lowered  }
0x9b: {  	s22 =	simm.s32 $0x1BFF;
	s21 =	sshll.u32 s6, $0x1;
	s3 =	sadd.s32 s4, s19  }
0x9c: {  	s7 =	simm.s32 $0x0;
	s20 =	sshll.u32 s5, $0x1;
	s5 =	sadd.s32 s21, s3  }
0x9d: {  	[timem:s7], [sflag:s22] =	dma.local [hbm:s5], s20  }
0x9e: {  	_ =	swait.ge [sflag:s22], s20  }
0x9f: {  	s4 =	ssub.s32 $0x0, s20;
	[sflag:s22] =	ssyncset.done $0x0  }
0xa0: {  	[sflag:s22] =	ssyncadd.s32 s4;
	_ =	sdelay $0x1  }
0xa1: {  	s23 =	simm.s32 $0x1B8B  }
0xa2: {  	_ =	swait.ge [sflag:s23], $0x1  }
0xa3: {  	[sflag:s23] =	ssyncset.done $0x0  }
0xa4: {  	s25 =	simm.s32 $0x1B8E;
	s24 =	sld [smem:$0x3FFE];
	[sflag:s23] =	ssyncadd.s32 $0xFFFFFFFF  }
0xa5: {  	s26 =	simm.s32 $execute0_lowered;
	[smem:$0x3FD2] =	sst s25  }
0xa6: {  	s5 =	sshll.u32 s26, $0x1;
	_ =	strace $0x80000046;
	[dreg:$0x1] =	wrdreg $0xFFFFFFFF  }
0xa7: {  	s28 =	simm.s32 $_size_execute0_lowered;
	s3 =	sadd.s32 s3, s5;
	[dreg:$0x0] =	wrdreg $0x0  }
0xa8: {  	s5 =	sshll.u32 s28, $0x1;
	[dreg:$0x2] =	wrdreg s3  }
0xa9: {  	[dreg:$0x3] =	wrdreg s5  }
0xaa: {  	[dreg:$0x4] =	wrdreg $0xC0  }
0xab: {  	_ =	task [dreg:s7], $0x5FFFF  }
0xac: {  	[dreg:$0x1] =	wrdreg $0xFFFFFFFF  }
0xad: {  	[dreg:$0x0] =	wrdreg $0x60  }
0xae: {  	[dreg:$0x2] =	wrdreg s2  }
0xaf: {  	[dreg:$0x3] =	wrdreg s24  }
0xb0: {  	[dreg:$0x4] =	wrdreg $0x0  }
0xb1: {  	[dreg:$0x5] =	wrdreg $0x9  }
0xb2: {  	_ =	task.clear_ibuf [dreg:s7], $0x6FFFF;
	_ =	strace $0x90000046  }
0xb3: {  	s29 =	simm.s32 $0x9;
	_ =	strace $0x80000048  }
0xb4: {  	_ =	swait.ge [sflag:s29], $0x1  }
0xb5: {  	[sflag:s29] =	ssyncadd.s32 $0xFFFFFFFF  }
0xb6: {  	_ =	strace $0x90000048  }
0xb7: {  	_ =	sfence  }
0xb8: {  	s30 =	sld [smem:$0x0];
	_ =	sdelay $0x2  }
0xb9: {  	s31 =	sshll.u32 s1, $0xD;
	s1 =	sshrl.u32 s1, $0x2  }
0xba: {  	s3 =	sand.u32 $0x4000, s31;
	s1 =	sadd.s32 s1, s30  }
0xbb: {  	s0 =	sor.u32 s3, s0;
	s1 =	sshll.u32 s1, $0x11  }
0xbc: {  	s0 =	sor.u32 s1, s0  }
0xbd: {  	s0 =	sadd.s32 $0x8F2B, s0  }
0xbe: {  	[sflag:s0] =	ssyncadd.remote.s32 $0x1  }
0xbf: {  	_ =	sfence.sel $0xFFFF  }
0xc0: {  	[dreg:$0x0] =	wrdreg $0xFFFFFFFF;
	(pc) =	sbr.abs _section_cstart, $3  }
0xc1: {  	[dreg:$0x1] =	wrdreg $0xFFFFFFFF  }
0xc2: {  	_ =	task.clear_ibuf [dreg:s7], $0x2FFFF;
	_ =	strace $0x9FFFFFFF  }
0xc3: {  	(tm) =	ssettm $0x7FFFFFFF  }
tec
execute0_lowered:
.L_overlay_start_1:
0x0: {  	(tag) =	ssettag $0x1  }
0x1: {  	s7 =	rddreg [dreg:$0x0]  }
0x2: {  	s6 =	rddreg [dreg:$0x1]  }
0x3: {  	s2 =	rddreg [dreg:$0x2]  }
0x4: {  	s0 =	rddreg [dreg:$0x3]  }
0x5: {  	s4 =	srdreg.scid;
	s1 =	stileid.u32;
	s3 =	simm.s32 $0x0  }
0x6: {  	s12 =	simm.s32 $0x278;
	s13 =	simm.s32 $0x2F8;
	s14 =	simm.s32 $0x80  }
0x7: {  	s15 =	simm.s32 $0x1;
	s5 =	sand.u32 $0x1, s4;
	s8 =	smul.u32 $0x278, s1  }
0x8: {  	s16 =	simm.s32 $0x0;
	[smem:$0x7FF] =	sst s3;
	s9 =	smul.u32 $0x2780, s5  }
0x9: {  	s4 =	sadd.s32 $0x2400, s6;
	_ =	strace $0x80000047;
	s10 =	sshll.u32 s5, $0x4  }
0xa: {  	s11 =	ssub.s32 $0x2, s5;
	s10 =	sor.u32 s1, s10;
	s9 =	sadd.s32 s8, s9  }
0xb: {  	s31 =	sshrl.u32 s11, $0x1;
	s10 =	smul.u32 $0x500, s10;
	s9 =	sshrl.u32 s9, $0x3  }
0xc: {  	s5 =	sadd.s32 $0x2200, s6;
	s11 =	ssub.s32 s11, s31;
	s9 =	sadd.s32 s9, s6  }
0xd: {  	s6 =	sadd.s32 s8, s2;
	s7 =	sadd.s32 s7, s10;
	s10 =	simm.s32 $0x2AF8  }
0xe: {  	s8 =	sadd.s32 $0x2600, s9;
	s9 =	smax.u32 s11, $0x1;
	s11 =	simm.s32 $0x2  }
.LBB2_1:
0xf: {  	[tilespmem:s10], [sflag:$0x2] =	stream.linear.gather [hbm4b:s4+s3], $0x280, $0x38;
	[tilespmem:$0x2D78] =	vst v63  }
0x10: {  	_ =	swait.ge [sflag:s11], $0x280  }
0x11: {  	[sflag:s11] =	ssyncset.done $0x0  }
0x12: {  	[sflag:s11] =	ssyncadd.s32 $0xFFFFFD80  }
0x13: {  	[spmem:s6] =	stream.linear.scatter [tilespmem:s10], [sflag:$0x2], $0x278, $0x38;
	[tilespmem:$0x2D78] =	vst v63  }
0x14: {  	_ =	swait.ge [sflag:s11], $0x278  }
0x15: {  	[sflag:s11] =	ssyncset.done $0x0  }
0x16: {  	[sflag:s11] =	ssyncadd.s32 $0xFFFFFD88  }
0x17: {  	[tilespmem:s12], [sflag:$0x2] =	stream.linear.gather [hbm4b:s5+s3], $0x80, $0x38;
	[tilespmem:$0x2D78] =	vst v63  }
0x18: {  	_ =	swait.ge [sflag:s11], $0x80  }
0x19: {  	[sflag:s11] =	ssyncset.done $0x0  }
0x1a: {  	[sflag:s11] =	ssyncadd.s32 $0xFFFFFF80  }
0x1b: {  	[tilespmem:s13], [sflag:$0x2] =	stream.linear.gather [hbm4b:s7+s3], $0x2800, $0x38;
	[tilespmem:$0x2D78] =	vst v63  }
0x1c: {  	_ =	swait.ge [sflag:s11], $0x2800  }
0x1d: {  	[sflag:s11] =	ssyncset.done $0x0  }
0x1e: {  	[sflag:s11] =	ssyncadd.s32 $0xFFFFD800  }
0x1f: {  	s17 =	simm.s32 $0x2F8;
	[bflag:$0x0] =	sbarrier.arrive $0xFFFF  }
0x20: {  	[spmem:s2] =	stream.indirect.scatter.add.f32 [tilespmem:s12], [sflag:$0x1], $0x1, s17, s14, $0xb8;
	[tilespmem:$0x2D78] =	vst v63  }
0x21: {  	s22 =	simm.s32 $0x378  }
0x22: {  	[spmem:s2] =	stream.indirect.scatter.add.f32 [tilespmem:s12], [sflag:$0x1], $0x1, s22, s14, $0xb8;
	[tilespmem:$0x2D78] =	vst v63  }
0x23: {  	s23 =	simm.s32 $0x3F8  }
0x24: {  	[spmem:s2] =	stream.indirect.scatter.add.f32 [tilespmem:s12], [sflag:$0x1], $0x1, s23, s14, $0xb8;
	[tilespmem:$0x2D78] =	vst v63  }
0x25: {  	s24 =	simm.s32 $0x478  }
0x26: {  	[spmem:s2] =	stream.indirect.scatter.add.f32 [tilespmem:s12], [sflag:$0x1], $0x1, s24, s14, $0xb8;
	[tilespmem:$0x2D78] =	vst v63  }
0x27: {  	s25 =	simm.s32 $0x4F8  }
0x28: {  	[spmem:s2] =	stream.indirect.scatter.add.f32 [tilespmem:s12], [sflag:$0x1], $0x1, s25, s14, $0xb8;
	[tilespmem:$0x2D78] =	vst v63  }
0x29: {  	s26 =	simm.s32 $0x578  }
0x2a: {  	[spmem:s2] =	stream.indirect.scatter.add.f32 [tilespmem:s12], [sflag:$0x1], $0x1, s26, s14, $0xb8;
	[tilespmem:$0x2D78] =	vst v63  }
0x2b: {  	s28 =	simm.s32 $0x5F8  }
0x2c: {  	[spmem:s2] =	stream.indirect.scatter.add.f32 [tilespmem:s12], [sflag:$0x1], $0x1, s28, s14, $0xb8;
	[tilespmem:$0x2D78] =	vst v63  }
0x2d: {  	s29 =	simm.s32 $0x678  }
0x2e: {  	[spmem:s2] =	stream.indirect.scatter.add.f32 [tilespmem:s12], [sflag:$0x1], $0x1, s29, s14, $0xb8;
	[tilespmem:$0x2D78] =	vst v63  }
0x2f: {  	s30 =	simm.s32 $0x6F8  }
0x30: {  	[spmem:s2] =	stream.indirect.scatter.add.f32 [tilespmem:s12], [sflag:$0x1], $0x1, s30, s14, $0xb8;
	[tilespmem:$0x2D78] =	vst v63  }
0x31: {  	s31 =	simm.s32 $0x778  }
0x32: {  	[spmem:s2] =	stream.indirect.scatter.add.f32 [tilespmem:s12], [sflag:$0x1], $0x1, s31, s14, $0xb8;
	[tilespmem:$0x2D78] =	vst v63  }
0x33: {  	_ =	swait.ge [sflag:s15], $0x80  }
0x34: {  	[sflag:s15] =	ssyncset.done $0x0  }
0x35: {  	[sflag:s15] =	ssyncadd.s32 $0xFFFFFF80  }
0x36: {  	_ =	swait.ge [sflag:s15], $0x80  }
0x37: {  	[sflag:s15] =	ssyncset.done $0x0  }
0x38: {  	[sflag:s15] =	ssyncadd.s32 $0xFFFFFF80  }
0x39: {  	_ =	swait.ge [sflag:s15], $0x80  }
0x3a: {  	[sflag:s15] =	ssyncset.done $0x0  }
0x3b: {  	[sflag:s15] =	ssyncadd.s32 $0xFFFFFF80  }
0x3c: {  	_ =	swait.ge [sflag:s15], $0x80  }
0x3d: {  	[sflag:s15] =	ssyncset.done $0x0  }
0x3e: {  	[sflag:s15] =	ssyncadd.s32 $0xFFFFFF80  }
0x3f: {  	_ =	swait.ge [sflag:s15], $0x80  }
0x40: {  	[sflag:s15] =	ssyncset.done $0x0  }
0x41: {  	[sflag:s15] =	ssyncadd.s32 $0xFFFFFF80  }
0x42: {  	_ =	swait.ge [sflag:s15], $0x80  }
0x43: {  	[sflag:s15] =	ssyncset.done $0x0  }
0x44: {  	[sflag:s15] =	ssyncadd.s32 $0xFFFFFF80  }
0x45: {  	_ =	swait.ge [sflag:s15], $0x80  }
0x46: {  	[sflag:s15] =	ssyncset.done $0x0  }
0x47: {  	[sflag:s15] =	ssyncadd.s32 $0xFFFFFF80  }
0x48: {  	_ =	swait.ge [sflag:s15], $0x80  }
0x49: {  	[sflag:s15] =	ssyncset.done $0x0  }
0x4a: {  	[sflag:s15] =	ssyncadd.s32 $0xFFFFFF80  }
0x4b: {  	_ =	swait.ge [sflag:s15], $0x80  }
0x4c: {  	[sflag:s15] =	ssyncset.done $0x0  }
0x4d: {  	[sflag:s15] =	ssyncadd.s32 $0xFFFFFF80  }
0x4e: {  	_ =	swait.ge [sflag:s15], $0x80  }
0x4f: {  	s20 =	simm.s32 $0x2800;
	s19 =	simm.s32 $0x500;
	[sflag:s15] =	ssyncset.done $0x0  }
.LBB2_2:
0x50: {  	s21 =	sadd.s32 $0x2F8, s19  }
0x51: {  	[sflag:s15] =	ssyncadd.s32 $0xFFFFFF80;
	s18 =	smov.u32 s20;
	s17 =	sadd.s32 $0x1400, s20  }
0x52: {  	[spmem:s2] =	stream.indirect.scatter.add.f32 [tilespmem:s12], [sflag:$0x1], $0x1, s21, s14, $0xb8;
	[tilespmem:$0x2D78] =	vst v63  }
0x53: {  	p0 =	sne.s32 s20, $0x8C00;
	s20 =	sadd.s32 $0x378, s19  }
0x54: {  	[spmem:s2] =	stream.indirect.scatter.add.f32 [tilespmem:s12], [sflag:$0x1], $0x1, s20, s14, $0xb8;
	[tilespmem:$0x2D78] =	vst v63  }
0x55: {  	s20 =	sadd.s32 $0x3F8, s19  }
0x56: {  	[spmem:s2] =	stream.indirect.scatter.add.f32 [tilespmem:s12], [sflag:$0x1], $0x1, s20, s14, $0xb8;
	[tilespmem:$0x2D78] =	vst v63  }
0x57: {  	s20 =	sadd.s32 $0x478, s19  }
0x58: {  	[spmem:s2] =	stream.indirect.scatter.add.f32 [tilespmem:s12], [sflag:$0x1], $0x1, s20, s14, $0xb8;
	[tilespmem:$0x2D78] =	vst v63  }
0x59: {  	s20 =	sadd.s32 $0x4F8, s19  }
0x5a: {  	[spmem:s2] =	stream.indirect.scatter.add.f32 [tilespmem:s12], [sflag:$0x1], $0x1, s20, s14, $0xb8;
	[tilespmem:$0x2D78] =	vst v63  }
0x5b: {  	s20 =	sadd.s32 $0x578, s19  }
0x5c: {  	[spmem:s2] =	stream.indirect.scatter.add.f32 [tilespmem:s12], [sflag:$0x1], $0x1, s20, s14, $0xb8;
	[tilespmem:$0x2D78] =	vst v63  }
0x5d: {  	s20 =	sadd.s32 $0x5F8, s19  }
0x5e: {  	[spmem:s2] =	stream.indirect.scatter.add.f32 [tilespmem:s12], [sflag:$0x1], $0x1, s20, s14, $0xb8;
	[tilespmem:$0x2D78] =	vst v63  }
0x5f: {  	s20 =	sadd.s32 $0x678, s19  }
0x60: {  	[spmem:s2] =	stream.indirect.scatter.add.f32 [tilespmem:s12], [sflag:$0x1], $0x1, s20, s14, $0xb8;
	[tilespmem:$0x2D78] =	vst v63  }
0x61: {  	s20 =	sadd.s32 $0x6F8, s19  }
0x62: {  	[spmem:s2] =	stream.indirect.scatter.add.f32 [tilespmem:s12], [sflag:$0x1], $0x1, s20, s14, $0xb8;
	[tilespmem:$0x2D78] =	vst v63  }
0x63: {  	s19 =	sadd.s32 $0x778, s19  }
0x64: {  	[spmem:s2] =	stream.indirect.scatter.add.f32 [tilespmem:s12], [sflag:$0x1], $0x1, s19, s14, $0xb8;
	[tilespmem:$0x2D78] =	vst v63  }
0x65: {  	_ =	swait.ge [sflag:s15], $0x80  }
0x66: {  	[sflag:s15] =	ssyncset.done $0x0  }
0x67: {  	[sflag:s15] =	ssyncadd.s32 $0xFFFFFF80  }
0x68: {  	_ =	swait.ge [sflag:s15], $0x80  }
0x69: {  	[sflag:s15] =	ssyncset.done $0x0  }
0x6a: {  	[sflag:s15] =	ssyncadd.s32 $0xFFFFFF80  }
0x6b: {  	_ =	swait.ge [sflag:s15], $0x80  }
0x6c: {  	[sflag:s15] =	ssyncset.done $0x0  }
0x6d: {  	[sflag:s15] =	ssyncadd.s32 $0xFFFFFF80  }
0x6e: {  	_ =	swait.ge [sflag:s15], $0x80  }
0x6f: {  	[sflag:s15] =	ssyncset.done $0x0  }
0x70: {  	[sflag:s15] =	ssyncadd.s32 $0xFFFFFF80  }
0x71: {  	_ =	swait.ge [sflag:s15], $0x80  }
0x72: {  	[sflag:s15] =	ssyncset.done $0x0  }
0x73: {  	[sflag:s15] =	ssyncadd.s32 $0xFFFFFF80  }
0x74: {  	_ =	swait.ge [sflag:s15], $0x80  }
0x75: {  	[sflag:s15] =	ssyncset.done $0x0  }
0x76: {  	[sflag:s15] =	ssyncadd.s32 $0xFFFFFF80  }
0x77: {  	_ =	swait.ge [sflag:s15], $0x80  }
0x78: {  	[sflag:s15] =	ssyncset.done $0x0  }
0x79: {  	[sflag:s15] =	ssyncadd.s32 $0xFFFFFF80  }
0x7a: {  	_ =	swait.ge [sflag:s15], $0x80  }
0x7b: {  	[sflag:s15] =	ssyncset.done $0x0  }
0x7c: {  	[sflag:s15] =	ssyncadd.s32 $0xFFFFFF80  }
.Ltmp0:
0x7d: {  	_ =	swait.ge [sflag:s15], $0x80;
	(pc) =	sbr.rel @p0 .LBB2_2-.Ltmp0, $4  }
0x7e: {  	[sflag:s15] =	ssyncset.done $0x0  }
0x7f: {  	[sflag:s15] =	ssyncadd.s32 $0xFFFFFF80  }
0x80: {  	_ =	swait.ge [sflag:s15], $0x80  }
0x81: {  	s20 =	smov.u32 s17;
	s19 =	sshra.s32 s18, $0x2;
	[sflag:s15] =	ssyncset.done $0x0  }
0x82: {  	s17 =	sadd.s32 $0x2F8, s19;
	[sflag:s15] =	ssyncadd.s32 $0xFFFFFF80  }
0x83: {  	[spmem:s2] =	stream.indirect.scatter.add.f32 [tilespmem:s12], [sflag:$0x1], $0x1, s17, s14, $0xb8;
	[tilespmem:$0x2D78] =	vst v63  }
0x84: {  	s22 =	sadd.s32 $0x378, s19  }
0x85: {  	[spmem:s2] =	stream.indirect.scatter.add.f32 [tilespmem:s12], [sflag:$0x1], $0x1, s22, s14, $0xb8;
	[tilespmem:$0x2D78] =	vst v63  }
0x86: {  	s23 =	sadd.s32 $0x3F8, s19  }
0x87: {  	[spmem:s2] =	stream.indirect.scatter.add.f32 [tilespmem:s12], [sflag:$0x1], $0x1, s23, s14, $0xb8;
	[tilespmem:$0x2D78] =	vst v63  }
0x88: {  	s24 =	sadd.s32 $0x478, s19  }
0x89: {  	[spmem:s2] =	stream.indirect.scatter.add.f32 [tilespmem:s12], [sflag:$0x1], $0x1, s24, s14, $0xb8;
	[tilespmem:$0x2D78] =	vst v63  }
0x8a: {  	s25 =	sadd.s32 $0x4F8, s19  }
0x8b: {  	[spmem:s2] =	stream.indirect.scatter.add.f32 [tilespmem:s12], [sflag:$0x1], $0x1, s25, s14, $0xb8;
	[tilespmem:$0x2D78] =	vst v63  }
0x8c: {  	s26 =	sadd.s32 $0x578, s19  }
0x8d: {  	[spmem:s2] =	stream.indirect.scatter.add.f32 [tilespmem:s12], [sflag:$0x1], $0x1, s26, s14, $0xb8;
	[tilespmem:$0x2D78] =	vst v63  }
0x8e: {  	s28 =	sadd.s32 $0x5F8, s19  }
0x8f: {  	[spmem:s2] =	stream.indirect.scatter.add.f32 [tilespmem:s12], [sflag:$0x1], $0x1, s28, s14, $0xb8;
	[tilespmem:$0x2D78] =	vst v63  }
0x90: {  	s29 =	sadd.s32 $0x678, s19  }
0x91: {  	[spmem:s2] =	stream.indirect.scatter.add.f32 [tilespmem:s12], [sflag:$0x1], $0x1, s29, s14, $0xb8;
	[tilespmem:$0x2D78] =	vst v63  }
0x92: {  	s30 =	sadd.s32 $0x6F8, s19  }
0x93: {  	[spmem:s2] =	stream.indirect.scatter.add.f32 [tilespmem:s12], [sflag:$0x1], $0x1, s30, s14, $0xb8;
	[tilespmem:$0x2D78] =	vst v63  }
0x94: {  	s31 =	sadd.s32 $0x778, s19  }
0x95: {  	[spmem:s2] =	stream.indirect.scatter.add.f32 [tilespmem:s12], [sflag:$0x1], $0x1, s31, s14, $0xb8;
	[tilespmem:$0x2D78] =	vst v63  }
0x96: {  	_ =	swait.ge [sflag:s15], $0x80  }
0x97: {  	[sflag:s15] =	ssyncset.done $0x0  }
0x98: {  	[sflag:s15] =	ssyncadd.s32 $0xFFFFFF80  }
0x99: {  	_ =	swait.ge [sflag:s15], $0x80  }
0x9a: {  	[sflag:s15] =	ssyncset.done $0x0  }
0x9b: {  	[sflag:s15] =	ssyncadd.s32 $0xFFFFFF80  }
0x9c: {  	_ =	swait.ge [sflag:s15], $0x80  }
0x9d: {  	[sflag:s15] =	ssyncset.done $0x0  }
0x9e: {  	[sflag:s15] =	ssyncadd.s32 $0xFFFFFF80  }
0x9f: {  	_ =	swait.ge [sflag:s15], $0x80  }
0xa0: {  	[sflag:s15] =	ssyncset.done $0x0  }
0xa1: {  	[sflag:s15] =	ssyncadd.s32 $0xFFFFFF80  }
0xa2: {  	_ =	swait.ge [sflag:s15], $0x80  }
0xa3: {  	[sflag:s15] =	ssyncset.done $0x0  }
0xa4: {  	[sflag:s15] =	ssyncadd.s32 $0xFFFFFF80  }
0xa5: {  	_ =	swait.ge [sflag:s15], $0x80  }
0xa6: {  	[sflag:s15] =	ssyncset.done $0x0  }
0xa7: {  	[sflag:s15] =	ssyncadd.s32 $0xFFFFFF80  }
0xa8: {  	_ =	swait.ge [sflag:s15], $0x80  }
0xa9: {  	[sflag:s15] =	ssyncset.done $0x0  }
0xaa: {  	[sflag:s15] =	ssyncadd.s32 $0xFFFFFF80  }
0xab: {  	_ =	swait.ge [sflag:s15], $0x80  }
0xac: {  	[sflag:s15] =	ssyncset.done $0x0  }
0xad: {  	[sflag:s15] =	ssyncadd.s32 $0xFFFFFF80  }
0xae: {  	_ =	swait.ge [sflag:s15], $0x80  }
0xaf: {  	[sflag:s15] =	ssyncset.done $0x0  }
0xb0: {  	[sflag:s15] =	ssyncadd.s32 $0xFFFFFF80  }
0xb1: {  	_ =	swait.ge [sflag:s15], $0x80  }
0xb2: {  	[sflag:s15] =	ssyncset.done $0x0  }
0xb3: {  	[sflag:s15] =	ssyncadd.s32 $0xFFFFFF80  }
0xb4: {  	[bflag:$0x0] =	sbarrier.arrive $0xFFFF  }
0xb5: {  	[tilespmem:s10], [sflag:$0x2] =	stream.linear.gather [spmem:s6], $0x278, $0x38;
	[tilespmem:$0x2D78] =	vst v63  }
0xb6: {  	s16 =	sadd.s32 $0x1, s16;
	_ =	swait.ge [sflag:s11], $0x278  }
0xb7: {  	p0 =	sne.s32 s16, s9;
	[sflag:s11] =	ssyncset.done $0x0  }
.Ltmp1:
0xb8: {  	[sflag:s11] =	ssyncadd.s32 $0xFFFFFD88;
	(pc) =	sbr.rel @p0 .LBB2_1-.Ltmp1, $4  }
0xb9: {  	[hbm4b:s8+s3] =	stream.linear.scatter [tilespmem:s10], [sflag:$0x2], $0x278, $0x38;
	[tilespmem:$0x2D78] =	vst v63  }
0xba: {  	_ =	swait.ge [sflag:s11], $0x278  }
0xbb: {  	[sflag:s11] =	ssyncset.done $0x0  }
0xbc: {  	[sflag:s11] =	ssyncadd.s32 $0xFFFFFD88  }
0xbd: {  	_ =	sfence.sel $0x180000  }
0xbe: {  	[bflag:$0x0] =	sbarrier.arrive $0xFFFF  }
0xbf: {  	p0 =	sne.s32 s1, $0x0;
	_ =	strace $0x90000047  }
0xc0: {  	s0 =	sadd.s32 @!p0 $0x100000, s0;
	[bflag:$0x2] =	sbarrier.arrive $0xFFFF  }
0xc1: {  	[sflag:s0] =	ssyncadd.tile.s32 @!p0 $0x1;
	_ =	shalt  }
.Lfunc_end2:
_tile_overlayer_lowered:
.L_overlay_start_2:
0xc2: {  	(tag) =	ssettag $0x2  }
0xc3: {  	s0 =	rddreg [dreg:$0x0];
	s2 =	stileid.u32  }
0xc4: {  	s1 =	rddreg [dreg:$0x1];
	p0 =	sne.s32 s2, $0x0  }
0xc5: {  	s3 =	rddreg [dreg:$0x2];
	[bflag:$0x3] =	sbarrier.arrive $0xFFFF;
	s2 =	simm.s32 @!p0 $0x1C02  }
0xc6: {  	[timem:s3], [sflag:s2] =	dma.local @!p0 [hbm:s0], s1  }
0xc7: {  	s0 =	simm.s32 @!p0 $0x2  }
0xc8: {  	_ =	swait.ge @!p0 [sflag:s0], s1  }
0xc9: {  	s1 =	ssub.s32 @!p0 $0x0, s1;
	[sflag:s0] =	ssyncset.done @!p0 $0x0  }
0xca: {  	[sflag:s0] =	ssyncadd.s32 @!p0 s1  }
0xcb: {  	[bflag:$0x3] =	sbarrier.arrive $0xFFFF  }
0xcc: {  	_ =	shalt  }

// kernel: kernel.13.cloned.1.call-start
scs
__scs_entry_jumppad:
0x0: {  	(pc) =	sbr.rel $0x88, $3  }
0x1: {  	(tag) =	ssettag $0x0;
	lr =	simm.s32 $0x1  }
0x2: {  	[smem:$0x3F9F] =	sst lr;
	_ =	strace $0xD0000000  }
0x3: {  	_ = 	snop  }
0x4: {  	_ = 	snop  }
0x5: {  	_ = 	snop  }
0x6: {  	_ = 	snop  }
0x7: {  	_ = 	snop  }
__scs_overlays_trampoline_lowered:
0x8: {  	[smem:$0x3FAE] =	sst s0  }
0x9: {  	[smem:$0x3FAF] =	sst s1  }
0xa: {  	[smem:$0x3FB0] =	sst s2  }
0xb: {  	[smem:$0x3FB1] =	sst s3  }
0xc: {  	[smem:$0x3FB2] =	sst s4  }
0xd: {  	[smem:$0x3FB3] =	sst s5  }
0xe: {  	[smem:$0x3FB4] =	sst s6  }
0xf: {  	[smem:$0x3FB5] =	sst s7  }
0x10: {  	[smem:$0x3FB6] =	sst s8  }
0x11: {  	[smem:$0x3FB7] =	sst s9;
	s0 =	simm.s32 @!p0 $0x0  }
0x12: {  	s1 =	sld [smem:$0x3F9D];
	s0 =	simm.s32 @p0 $0x1  }
0x13: {  	[smem:$0x3FB8] =	sst s0;
	s0 =	simm.s32 @!p1 $0x0  }
0x14: {  	s2 =	sld [smem:$0x3F9C];
	s0 =	simm.s32 @p1 $0x1  }
0x15: {  	[smem:$0x3FB9] =	sst s0;
	s0 =	simm.s32 @!p2 $0x0  }
0x16: {  	s3 =	sld [smem:$0x3FDB];
	s0 =	simm.s32 @p2 $0x1  }
0x17: {  	s4 =	simm.s32 $0x1BF5;
	[smem:$0x3FBB] =	sst s0  }
0x18: {  	s0 =	sld [smem:$0x3F9E];
	_ =	swait.ge [sflag:s4], $0x0  }
0x19: {  	s7 =	sld [smem:$0x3F9F]  }
0x1a: {  	s8 =	sadd.s32 $0xFFFFE003, lr  }
0x1b: {  	s9 =	sadd.s32 $0xFFFFFEF7, lr;
	s5 =	simm.s32 $0xFFFFFFFF;
	p2 =	slt.u32 s8, $0xFFFFF086  }
0x1c: {  	p1 =	slt.u32 s9, $0xF7A;
	s5 =	simm.s32 @!p2 $0x0  }
0x1d: {  	s5 =	simm.s32 @p1 $0x1;
	p0 =	seq.s32 s7, s2  }
0x1e: {  	s7 =	smul.u32 @!p0 $0xF7A, s2;
	p2 =	seq.s32 @!p0 s5, $0x0  }
0x1f: {  	s9 =	smul.u32 $0xF7A, s1;
	s8 =	simm.s32 @!p0 $0x1BF5;
	p2 =	por !p2, p0  }
0x20: {  	[sflag:s8] =	ssyncset.s32 @!p0 $0xFFFFF086;
	s6 =	sadd.s32 @!p0 s3, s7;
	s7 =	simm.s32 @!p0 $0x108  }
0x21: {  	s3 =	sadd.s32 s3, s9;
	s6 =	sadd.s32 @!p0 $0x88, s6;
	s7 =	simm.s32 @p2 $0x1082  }
0x22: {  	[simem:s7], [sflag:s8] =	dma.local @!p0 [hbm:s6], $0xF7A  }
0x23: {  	s9 =	sor.u32 $0xD0000000, s2;
	s6 =	simm.s32 $0x108;
	_ =	swait.ge @!p0 [sflag:s8], $0x0  }
0x24: {  	s3 =	sadd.s32 $0x88, s3;
	s6 =	simm.s32 @!p1 $0x1082;
	[sflag:s4] =	ssyncset.s32 $0xFFFFF086  }
0x25: {  	[simem:s6], [sflag:s4] =	dma.local [hbm:s3], $0xF7A  }
0x26: {  	[smem:$0x3F9F] =	sst s1;
	(tag) =	ssettag s2;
	_ =	strace s9  }
0x27: {  	s1 =	sld [smem:$0x3FAF]  }
0x28: {  	s2 =	sld [smem:$0x3FB0]  }
0x29: {  	s4 =	sld [smem:$0x3FB2]  }
0x2a: {  	p0 =	seq.s32 s5, $0x0;
	s5 =	sld [smem:$0x3FB3]  }
0x2b: {  	s6 =	sld [smem:$0x3FB4]  }
0x2c: {  	s7 =	sld [smem:$0x3FB5]  }
0x2d: {  	s3 =	simm.s32 $0x108;
	s8 =	sld [smem:$0x3FB6]  }
0x2e: {  	s3 =	simm.s32 @!p0 $0x1082;
	s9 =	sld [smem:$0x3FB7]  }
0x2f: {  	lr =	sadd.s32 s0, s3;
	s0 =	sld [smem:$0x3FAE]  }
0x30: {  	s3 =	sld [smem:$0x3FB1]  }
0x31: {  	[smem:$0x3FBA] =	sst s10  }
0x32: {  	s10 =	sld [smem:$0x3FB8];
	_ =	sdelay $0x3  }
0x33: {  	p0 =	seq.s32 s10, $0x1;
	s10 =	sld [smem:$0x3FBA];
	_ =	sdelay $0x3  }
0x34: {  	[smem:$0x3FBA] =	sst s10  }
0x35: {  	s10 =	sld [smem:$0x3FB9];
	_ =	sdelay $0x3  }
0x36: {  	p1 =	seq.s32 s10, $0x1;
	s10 =	sld [smem:$0x3FBA];
	_ =	sdelay $0x3  }
0x37: {  	[smem:$0x3FBA] =	sst s10  }
0x38: {  	s10 =	sld [smem:$0x3FBB]  }
0x39: {  	_ = 	snop;
	(pc) =	sbr.ind lr, $3  }
0x3a: {  	_ = 	snop  }
0x3b: {  	_ = 	snop  }
0x3c: {  	p2 =	seq.s32 s10, $0x1;
	s10 =	sld [smem:$0x3FBA]  }
0x3d: {  	_ =	shalt  }
0x3e: {  	_ =	shalt  }
0x3f: {  	_ =	shalt  }
0x40: {  	_ =	shalt  }
0x41: {  	_ =	shalt  }
0x42: {  	_ =	shalt  }
0x43: {  	_ =	shalt  }
0x44: {  	_ =	shalt  }
0x45: {  	_ =	shalt  }
0x46: {  	_ =	shalt  }
0x47: {  	_ =	shalt  }
0x48: {  	_ =	shalt  }
0x49: {  	_ =	shalt  }
0x4a: {  	_ =	shalt  }
0x4b: {  	_ =	shalt  }
0x4c: {  	_ =	shalt  }
0x4d: {  	_ =	shalt  }
0x4e: {  	_ =	shalt  }
0x4f: {  	_ =	shalt  }
0x50: {  	_ =	shalt  }
0x51: {  	_ =	shalt  }
0x52: {  	_ =	shalt  }
0x53: {  	_ =	shalt  }
0x54: {  	_ =	shalt  }
0x55: {  	_ =	shalt  }
0x56: {  	_ =	shalt  }
0x57: {  	_ =	shalt  }
0x58: {  	_ =	shalt  }
0x59: {  	_ =	shalt  }
0x5a: {  	_ =	shalt  }
0x5b: {  	_ =	shalt  }
0x5c: {  	_ =	shalt  }
0x5d: {  	_ =	shalt  }
0x5e: {  	_ =	shalt  }
0x5f: {  	_ =	shalt  }
0x60: {  	_ =	shalt  }
0x61: {  	_ =	shalt  }
0x62: {  	_ =	shalt  }
0x63: {  	_ =	shalt  }
0x64: {  	_ =	shalt  }
0x65: {  	_ =	shalt  }
0x66: {  	_ =	shalt  }
0x67: {  	_ =	shalt  }
0x68: {  	_ =	shalt  }
0x69: {  	_ =	shalt  }
0x6a: {  	_ =	shalt  }
0x6b: {  	_ =	shalt  }
0x6c: {  	_ =	shalt  }
0x6d: {  	_ =	shalt  }
0x6e: {  	_ =	shalt  }
0x6f: {  	_ =	shalt  }
0x70: {  	_ =	shalt  }
0x71: {  	_ =	shalt  }
0x72: {  	_ =	shalt  }
0x73: {  	_ =	shalt  }
0x74: {  	_ =	shalt  }
0x75: {  	_ =	shalt  }
0x76: {  	_ =	shalt  }
0x77: {  	_ =	shalt  }
0x78: {  	_ =	shalt  }
0x79: {  	_ =	shalt  }
0x7a: {  	_ =	shalt  }
0x7b: {  	_ =	shalt  }
0x7c: {  	_ =	shalt  }
0x7d: {  	_ =	shalt  }
0x7e: {  	_ =	shalt  }
0x7f: {  	_ =	shalt  }
0x80: {  	_ =	shalt  }
0x81: {  	_ =	shalt  }
0x82: {  	_ =	shalt  }
0x83: {  	_ =	shalt  }
0x84: {  	_ =	shalt  }
0x85: {  	_ =	shalt  }
0x86: {  	_ =	shalt  }
0x87: {  	_ =	shalt  }
.Lfunc_end0:
.L_simem_size_0:
called_computation.1_lowered:
.L_overlay_start_0:
0x88: {  	s2 =	sld [smem:$0x3FD9]  }
0x89: {  	s3 =	sld [smem:$0x3FFE];
	_ =	sdelay $0x1  }
0x8a: {  	s1 =	srdreg.scid  }
0x8b: {  	s0 =	sand.u32 $0x1, s1  }
0x8c: {  	s17 =	sshll.u32 s0, $0xA;
	s2 =	sadd.s32 s3, s2  }
0x8d: {  	s2 =	sadd.s32 s2, s17  }
0x8e: {  	[smem:$0x3FC6] =	sst s2  }
0x8f: {  	_ = 	snop  }
0x90: {  	s2 =	sld [smem:$0x3FD0];
	(tm) =	ssettm $0x1  }
0x91: {  	s18 =	sld [smem:$0x3FFB];
	_ =	sdelay $0x3  }
0x92: {  	_ =	strace s18  }
0x93: {  	s3 =	sld [smem:$0x3FFC];
	_ =	sdelay $0x3  }
0x94: {  	_ =	strace s3  }
0x95: {  	s3 =	sld [smem:$0x3FFD];
	_ =	sdelay $0x3  }
0x96: {  	_ =	strace s3  }
0x97: {  	_ =	strace $0x8FFFFFFF  }
0x98: {  	s19 =	sld [smem:$0x3FDB];
	_ =	sdelay $0x1  }
0x99: {  	s4 =	simm.s32 $_scs_section_size  }
0x9a: {  	s5 =	simm.s32 $_size__tile_overlayer_lowered;
	s6 =	simm.s32 $_tile_overlayer_lowered  }
0x9b: {  	s22 =	simm.s32 $0x1BFF;
	s21 =	sshll.u32 s6, $0x1;
	s3 =	sadd.s32 s4, s19  }
0x9c: {  	s7 =	simm.s32 $0x0;
	s20 =	sshll.u32 s5, $0x1;
	s5 =	sadd.s32 s21, s3  }
0x9d: {  	[timem:s7], [sflag:s22] =	dma.local [hbm:s5], s20  }
0x9e: {  	_ =	swait.ge [sflag:s22], s20  }
0x9f: {  	s4 =	ssub.s32 $0x0, s20;
	[sflag:s22] =	ssyncset.done $0x0  }
0xa0: {  	[sflag:s22] =	ssyncadd.s32 s4;
	_ =	sdelay $0x1  }
0xa1: {  	s23 =	simm.s32 $0x1B8B  }
0xa2: {  	_ =	swait.ge [sflag:s23], $0x1  }
0xa3: {  	[sflag:s23] =	ssyncset.done $0x0  }
0xa4: {  	s25 =	simm.s32 $0x1B8E;
	s24 =	sld [smem:$0x3FFE];
	[sflag:s23] =	ssyncadd.s32 $0xFFFFFFFF  }
0xa5: {  	s26 =	simm.s32 $execute0_lowered;
	[smem:$0x3FD2] =	sst s25  }
0xa6: {  	s5 =	sshll.u32 s26, $0x1;
	_ =	strace $0x80000049;
	[dreg:$0x1] =	wrdreg $0xFFFFFFFF  }
0xa7: {  	s28 =	simm.s32 $_size_execute0_lowered;
	s3 =	sadd.s32 s3, s5;
	[dreg:$0x0] =	wrdreg $0x0  }
0xa8: {  	s5 =	sshll.u32 s28, $0x1;
	[dreg:$0x2] =	wrdreg s3  }
0xa9: {  	[dreg:$0x3] =	wrdreg s5  }
0xaa: {  	[dreg:$0x4] =	wrdreg $0xC0  }
0xab: {  	_ =	task [dreg:s7], $0x5FFFF  }
0xac: {  	[dreg:$0x1] =	wrdreg $0xFFFFFFFF  }
0xad: {  	[dreg:$0x0] =	wrdreg $0x60  }
0xae: {  	[dreg:$0x2] =	wrdreg s24  }
0xaf: {  	[dreg:$0x3] =	wrdreg s2  }
0xb0: {  	[dreg:$0x4] =	wrdreg $0x0  }
0xb1: {  	[dreg:$0x5] =	wrdreg $0x9  }
0xb2: {  	_ =	task.clear_ibuf [dreg:s7], $0x6FFFF;
	_ =	strace $0x90000049  }
0xb3: {  	s29 =	simm.s32 $0x9;
	_ =	strace $0x8000004B  }
0xb4: {  	_ =	swait.ge [sflag:s29], $0x1  }
0xb5: {  	[sflag:s29] =	ssyncadd.s32 $0xFFFFFFFF  }
0xb6: {  	_ =	strace $0x9000004B  }
0xb7: {  	_ =	sfence  }
0xb8: {  	s30 =	sld [smem:$0x0];
	_ =	sdelay $0x2  }
0xb9: {  	s31 =	sshll.u32 s1, $0xD;
	s1 =	sshrl.u32 s1, $0x2  }
0xba: {  	s3 =	sand.u32 $0x4000, s31;
	s1 =	sadd.s32 s1, s30  }
0xbb: {  	s0 =	sor.u32 s3, s0;
	s1 =	sshll.u32 s1, $0x11  }
0xbc: {  	s0 =	sor.u32 s1, s0  }
0xbd: {  	s0 =	sadd.s32 $0x8F2B, s0  }
0xbe: {  	[sflag:s0] =	ssyncadd.remote.s32 $0x1  }
0xbf: {  	_ =	sfence.sel $0xFFFF  }
0xc0: {  	[dreg:$0x0] =	wrdreg $0xFFFFFFFF;
	(pc) =	sbr.abs _section_cstart, $3  }
0xc1: {  	[dreg:$0x1] =	wrdreg $0xFFFFFFFF  }
0xc2: {  	_ =	task.clear_ibuf [dreg:s7], $0x2FFFF;
	_ =	strace $0x9FFFFFFF  }
0xc3: {  	(tm) =	ssettm $0x7FFFFFFF  }
tec
execute0_lowered:
.L_overlay_start_1:
0x0: {  	(tag) =	ssettag $0x1  }
0x1: {  	s6 =	rddreg [dreg:$0x0]  }
0x2: {  	s1 =	rddreg [dreg:$0x1]  }
0x3: {  	s2 =	rddreg [dreg:$0x2]  }
0x4: {  	s3 =	srdreg.scid;
	s0 =	rddreg [dreg:$0x3]  }
0x5: {  	s4 =	simm.s32 $0x0;
	s13 =	simm.s32 $0x80;
	s14 =	simm.s32 $0x1E480  }
0x6: {  	s15 =	simm.s32 $0x16400;
	s16 =	simm.s32 $0x1E580;
	s17 =	simm.s32 $0x1A400  }
0x7: {  	s18 =	simm.s32 $0x1;
	s19 =	simm.s32 $0x1E400;
	s20 =	simm.s32 $0x2  }
0x8: {  	s21 =	simm.s32 $0x1E500;
	s7 =	sand.u32 $0x1, s3;
	s3 =	stileid.u32  }
0x9: {  	s22 =	simm.s32 $0x0;
	[smem:$0x7FF] =	sst s4;
	s8 =	smul.u32 $0x13C000, s7  }
0xa: {  	s5 =	sshll.u32 s7, $0x4;
	s9 =	smul.u32 $0x13C00, s3;
	_ =	strace $0x8000004A  }
0xb: {  	s7 =	ssub.s32 $0x2, s7;
	s28 =	smul.u32 $0x4F000, s3;
	s31 =	sshll.u32 s3, $0x6  }
0xc: {  	s10 =	sor.u32 s3, s5;
	s5 =	sadd.s32 $0x5C000, s6;
	s29 =	sshrl.u32 s7, $0x1  }
0xd: {  	s10 =	smul.u32 $0x500, s10;
	s8 =	sadd.s32 s9, s8;
	s30 =	sshrl.u32 s28, $0x2  }
0xe: {  	s11 =	ssub.s32 s7, s29;
	s8 =	sshrl.u32 s8, $0x3;
	s12 =	sadd.s32 s30, s2  }
0xf: {  	s9 =	smax.u32 s11, $0x1;
	s11 =	simm.s32 $0x3;
	s10 =	sadd.s32 s10, s6  }
0x10: {  	s8 =	sadd.s32 s8, s6;
	s6 =	sor.u32 $0x1C03, s31;
	s7 =	sadd.s32 $0x3000, s10  }
0x11: {  	s8 =	sadd.s32 $0x83800, s8;
	s10 =	sshrl.u32 s12, $0x3;
	s12 =	simm.s32 $0x13C00  }
.LBB2_1:
0x12: {  	[spmem:s10], [sflag:s6] =	dma.local [hbm:s1], $0x2780  }
0x13: {  	_ =	swait.ge [sflag:s11], $0x2780  }
0x14: {  	[sflag:s11] =	ssyncset.done $0x0  }
0x15: {  	[sflag:s11] =	ssyncadd.s32 $0xFFFFD880  }
0x16: {  	[tilespmem:s12], [sflag:$0x3] =	stream.linear.gather [hbm4b:s7+s4], $0x2800, $0x38;
	[tilespmem:$0x1E600] =	vst v63  }
0x17: {  	_ =	swait.ge [sflag:s11], $0x2800  }
0x18: {  	[sflag:s11] =	ssyncset.done $0x0  }
0x19: {  	[sflag:s11] =	ssyncadd.s32 $0xFFFFD800  }
0x1a: {  	[bflag:$0x0] =	sbarrier.arrive $0xFFFF  }
0x1b: {  	v0 =	vld [tilespmem:$0x13C00];
	_ =	sdelay $0x1  }
0x1c: {  	v1 =	vld [tilespmem:$0x13C10];
	_ =	sdelay $0x1  }
0x1d: {  	v2 =	vld [tilespmem:$0x13C20]  }
0x1e: {  	v3 =	vand.u32 $0xFFFF, v0  }
0x1f: {  	v0 =	vshra.s32 v0, $0x10;
	[tilespmem:$0x1E400] =	vst v3;
	v3 =	vld [tilespmem:$0x13C30]  }
0x20: {  	[tilespmem:$0x1E480] =	vst v0;
	v0 =	vand.u32 $0xFFFF, v1  }
0x21: {  	[tilespmem:$0x1E410] =	vst v0;
	v0 =	vshra.s32 v1, $0x10;
	v1 =	vld [tilespmem:$0x13C40]  }
0x22: {  	[tilespmem:$0x1E490] =	vst v0;
	v0 =	vand.u32 $0xFFFF, v2  }
0x23: {  	[tilespmem:$0x1E420] =	vst v0;
	v0 =	vshra.s32 v2, $0x10;
	v2 =	vld [tilespmem:$0x13C50]  }
0x24: {  	[tilespmem:$0x1E4A0] =	vst v0;
	v0 =	vand.u32 $0xFFFF, v3  }
0x25: {  	[tilespmem:$0x1E430] =	vst v0;
	v0 =	vshra.s32 v3, $0x10;
	v3 =	vld [tilespmem:$0x13C60]  }
0x26: {  	[tilespmem:$0x1E4B0] =	vst v0;
	v0 =	vand.u32 $0xFFFF, v1  }
0x27: {  	[tilespmem:$0x1E440] =	vst v0;
	v0 =	vshra.s32 v1, $0x10;
	v1 =	vld [tilespmem:$0x13C70]  }
0x28: {  	[tilespmem:$0x1E4C0] =	vst v0;
	v0 =	vand.u32 $0xFFFF, v2  }
0x29: {  	[tilespmem:$0x1E450] =	vst v0;
	v0 =	vshra.s32 v2, $0x10  }
0x2a: {  	[tilespmem:$0x1E4D0] =	vst v0;
	v0 =	vand.u32 $0xFFFF, v3  }
0x2b: {  	[tilespmem:$0x1E460] =	vst v0;
	v0 =	vshra.s32 v3, $0x10  }
0x2c: {  	[tilespmem:$0x1E4E0] =	vst v0;
	v0 =	vand.u32 $0xFFFF, v1  }
0x2d: {  	[tilespmem:$0x1E470] =	vst v0;
	v0 =	vshra.s32 v1, $0x10  }
0x2e: {  	s23 =	simm.s32 $0x0;
	[tilespmem:$0x1E4F0] =	vst v0  }
0x2f: {  	[tilespmem:s15], [sflag:$0x1] =	stream.indirect.gather [hbm4b:s5+s13], $0x80, s14, s13, $0xb8;
	[tilespmem:$0x1E600] =	vst v63  }
0x30: {  	v0 =	vld [tilespmem:s23+$0x13C80];
	_ =	sdelay $0x4  }
0x31: {  	v1 =	vand.u32 $0xFFFF, v0  }
0x32: {  	v0 =	vshra.s32 v0, $0x10;
	[tilespmem:$0x1E500] =	vst v1  }
0x33: {  	[tilespmem:$0x1E580] =	vst v0  }
0x34: {  	v0 =	vld [tilespmem:s23+$0x13C90];
	_ =	sdelay $0x4  }
0x35: {  	v1 =	vand.u32 $0xFFFF, v0  }
0x36: {  	v0 =	vshra.s32 v0, $0x10;
	[tilespmem:$0x1E510] =	vst v1  }
0x37: {  	[tilespmem:$0x1E590] =	vst v0  }
0x38: {  	v0 =	vld [tilespmem:s23+$0x13CA0];
	_ =	sdelay $0x4  }
0x39: {  	v1 =	vand.u32 $0xFFFF, v0  }
0x3a: {  	v0 =	vshra.s32 v0, $0x10;
	[tilespmem:$0x1E520] =	vst v1  }
0x3b: {  	[tilespmem:$0x1E5A0] =	vst v0  }
0x3c: {  	v0 =	vld [tilespmem:s23+$0x13CB0];
	_ =	sdelay $0x4  }
0x3d: {  	v1 =	vand.u32 $0xFFFF, v0  }
0x3e: {  	v0 =	vshra.s32 v0, $0x10;
	[tilespmem:$0x1E530] =	vst v1  }
0x3f: {  	[tilespmem:$0x1E5B0] =	vst v0  }
0x40: {  	v0 =	vld [tilespmem:s23+$0x13CC0];
	_ =	sdelay $0x4  }
0x41: {  	v1 =	vand.u32 $0xFFFF, v0  }
0x42: {  	v0 =	vshra.s32 v0, $0x10;
	[tilespmem:$0x1E540] =	vst v1  }
0x43: {  	[tilespmem:$0x1E5C0] =	vst v0  }
0x44: {  	v0 =	vld [tilespmem:s23+$0x13CD0];
	_ =	sdelay $0x4  }
0x45: {  	v1 =	vand.u32 $0xFFFF, v0  }
0x46: {  	v0 =	vshra.s32 v0, $0x10;
	[tilespmem:$0x1E550] =	vst v1  }
0x47: {  	[tilespmem:$0x1E5D0] =	vst v0  }
0x48: {  	v0 =	vld [tilespmem:s23+$0x13CE0];
	_ =	sdelay $0x4  }
0x49: {  	v1 =	vand.u32 $0xFFFF, v0  }
0x4a: {  	v0 =	vshra.s32 v0, $0x10;
	[tilespmem:$0x1E560] =	vst v1  }
0x4b: {  	[tilespmem:$0x1E5E0] =	vst v0  }
0x4c: {  	v0 =	vld [tilespmem:s23+$0x13CF0];
	_ =	sdelay $0x4  }
0x4d: {  	v1 =	vand.u32 $0xFFFF, v0  }
0x4e: {  	v0 =	vshra.s32 v0, $0x10;
	[tilespmem:$0x1E570] =	vst v1  }
0x4f: {  	[tilespmem:$0x1E5F0] =	vst v0  }
0x50: {  	[tilespmem:s17], [sflag:$0x2] =	stream.indirect.gather [hbm4b:s5+s13], $0x80, s16, s13, $0xb8;
	[tilespmem:$0x1E600] =	vst v63  }
0x51: {  	_ =	swait.ge [sflag:s18], $0x4000  }
0x52: {  	[sflag:s18] =	ssyncset.done $0x0  }
0x53: {  	[sflag:s18] =	ssyncadd.s32 $0xFFFFC000  }
0x54: {  	[spmem:s2] =	stream.indirect.scatter.add.f32 [tilespmem:s15], [sflag:$0x3], $0x80, s19, s13, $0xb8;
	[tilespmem:$0x1E600] =	vst v63  }
0x55: {  	_ =	swait.ge [sflag:s11], $0x4000  }
0x56: {  	p1 =	por $0x0, $0x0;
	[sflag:s11] =	ssyncset.done $0x0  }
0x57: {  	s24 =	simm.s32 @!p1 $0x0;
	[sflag:s11] =	ssyncadd.s32 $0xFFFFC000  }
0x58: {  	v0 =	vld @!p1 [tilespmem:s24+$0x13D00];
	_ =	sdelay $0x4  }
0x59: {  	v1 =	vand.u32 @!p1 $0xFFFF, v0  }
0x5a: {  	v0 =	vshra.s32 @!p1 v0, $0x10;
	[tilespmem:$0x1E400] =	vst @!p1 v1  }
0x5b: {  	[tilespmem:$0x1E480] =	vst @!p1 v0  }
0x5c: {  	v0 =	vld @!p1 [tilespmem:s24+$0x13D10];
	_ =	sdelay $0x4  }
0x5d: {  	v1 =	vand.u32 @!p1 $0xFFFF, v0  }
0x5e: {  	v0 =	vshra.s32 @!p1 v0, $0x10;
	[tilespmem:$0x1E410] =	vst @!p1 v1  }
0x5f: {  	[tilespmem:$0x1E490] =	vst @!p1 v0  }
0x60: {  	v0 =	vld @!p1 [tilespmem:s24+$0x13D20];
	_ =	sdelay $0x4  }
0x61: {  	v1 =	vand.u32 @!p1 $0xFFFF, v0  }
0x62: {  	v0 =	vshra.s32 @!p1 v0, $0x10;
	[tilespmem:$0x1E420] =	vst @!p1 v1  }
0x63: {  	[tilespmem:$0x1E4A0] =	vst @!p1 v0  }
0x64: {  	v0 =	vld @!p1 [tilespmem:s24+$0x13D30];
	_ =	sdelay $0x4  }
0x65: {  	v1 =	vand.u32 @!p1 $0xFFFF, v0  }
0x66: {  	v0 =	vshra.s32 @!p1 v0, $0x10;
	[tilespmem:$0x1E430] =	vst @!p1 v1  }
0x67: {  	[tilespmem:$0x1E4B0] =	vst @!p1 v0  }
0x68: {  	v0 =	vld @!p1 [tilespmem:s24+$0x13D40];
	_ =	sdelay $0x4  }
0x69: {  	v1 =	vand.u32 @!p1 $0xFFFF, v0  }
0x6a: {  	v0 =	vshra.s32 @!p1 v0, $0x10;
	[tilespmem:$0x1E440] =	vst @!p1 v1  }
0x6b: {  	[tilespmem:$0x1E4C0] =	vst @!p1 v0  }
0x6c: {  	v0 =	vld @!p1 [tilespmem:s24+$0x13D50];
	_ =	sdelay $0x4  }
0x6d: {  	v1 =	vand.u32 @!p1 $0xFFFF, v0  }
0x6e: {  	v0 =	vshra.s32 @!p1 v0, $0x10;
	[tilespmem:$0x1E450] =	vst @!p1 v1  }
0x6f: {  	[tilespmem:$0x1E4D0] =	vst @!p1 v0  }
0x70: {  	v0 =	vld @!p1 [tilespmem:s24+$0x13D60];
	_ =	sdelay $0x4  }
0x71: {  	s26 =	simm.s32 @!p1 $0x80;
	v1 =	vand.u32 @!p1 $0xFFFF, v0  }
0x72: {  	s28 =	simm.s32 @!p1 $0x1E480;
	s29 =	simm.s32 @!p1 $0x16400;
	s23 =	simm.s32 $0x400;
	v0 =	vshra.s32 @!p1 v0, $0x10;
	[tilespmem:$0x1E460] =	vst @!p1 v1  }
.LBB2_2:
0x73: {  	[tilespmem:$0x1E4E0] =	vst @!p1 v0;
	s25 =	smov.u32 s23;
	s23 =	sadd.s32 $0x400, s23  }
0x74: {  	p0 =	sne.s32 s23, $0xA000;
	v0 =	vld @!p1 [tilespmem:s24+$0x13D70];
	_ =	sdelay $0x4  }
0x75: {  	v1 =	vand.u32 @!p1 $0xFFFF, v0;
	v0 =	vshra.s32 @!p1 v0, $0x10  }
0x76: {  	[tilespmem:$0x1E470] =	vst @!p1 v1  }
0x77: {  	[tilespmem:$0x1E4F0] =	vst @!p1 v0  }
0x78: {  	[tilespmem:s29], [sflag:$0x1] =	stream.indirect.gather @!p1 [hbm4b:s5+s26], $0x80, s28, s26, $0xb8;
	[tilespmem:$0x1E600] =	vst v63  }
0x79: {  	_ =	swait.ge [sflag:s20], $0x4000  }
0x7a: {  	[sflag:s20] =	ssyncset.done $0x0  }
0x7b: {  	[sflag:s20] =	ssyncadd.s32 $0xFFFFC000  }
0x7c: {  	[spmem:s2] =	stream.indirect.scatter.add.f32 [tilespmem:s17], [sflag:$0x3], $0x80, s21, s13, $0xb8;
	[tilespmem:$0x1E600] =	vst v63  }
0x7d: {  	_ =	swait.ge [sflag:s11], $0x4000  }
0x7e: {  	[sflag:s11] =	ssyncset.done $0x0  }
0x7f: {  	s24 =	sshra.s32 s25, $0x2;
	[sflag:s11] =	ssyncadd.s32 $0xFFFFC000  }
0x80: {  	v0 =	vld [tilespmem:s24+$0x13C80];
	_ =	sdelay $0x4  }
0x81: {  	v1 =	vand.u32 $0xFFFF, v0;
	v0 =	vshra.s32 v0, $0x10  }
0x82: {  	[tilespmem:$0x1E500] =	vst v1  }
0x83: {  	[tilespmem:$0x1E580] =	vst v0  }
0x84: {  	v0 =	vld [tilespmem:s24+$0x13C90];
	_ =	sdelay $0x4  }
0x85: {  	v1 =	vand.u32 $0xFFFF, v0;
	v0 =	vshra.s32 v0, $0x10  }
0x86: {  	[tilespmem:$0x1E510] =	vst v1  }
0x87: {  	[tilespmem:$0x1E590] =	vst v0  }
0x88: {  	v0 =	vld [tilespmem:s24+$0x13CA0];
	_ =	sdelay $0x4  }
0x89: {  	v1 =	vand.u32 $0xFFFF, v0;
	v0 =	vshra.s32 v0, $0x10  }
0x8a: {  	[tilespmem:$0x1E520] =	vst v1  }
0x8b: {  	[tilespmem:$0x1E5A0] =	vst v0  }
0x8c: {  	v0 =	vld [tilespmem:s24+$0x13CB0];
	_ =	sdelay $0x4  }
0x8d: {  	v1 =	vand.u32 $0xFFFF, v0;
	v0 =	vshra.s32 v0, $0x10  }
0x8e: {  	[tilespmem:$0x1E530] =	vst v1  }
0x8f: {  	[tilespmem:$0x1E5B0] =	vst v0  }
0x90: {  	v0 =	vld [tilespmem:s24+$0x13CC0];
	_ =	sdelay $0x4  }
0x91: {  	v1 =	vand.u32 $0xFFFF, v0;
	v0 =	vshra.s32 v0, $0x10  }
0x92: {  	[tilespmem:$0x1E540] =	vst v1  }
0x93: {  	[tilespmem:$0x1E5C0] =	vst v0  }
0x94: {  	v0 =	vld [tilespmem:s24+$0x13CD0];
	_ =	sdelay $0x4  }
0x95: {  	v1 =	vand.u32 $0xFFFF, v0;
	v0 =	vshra.s32 v0, $0x10  }
0x96: {  	[tilespmem:$0x1E550] =	vst v1  }
0x97: {  	[tilespmem:$0x1E5D0] =	vst v0  }
0x98: {  	v0 =	vld [tilespmem:s24+$0x13CE0];
	_ =	sdelay $0x4  }
0x99: {  	v1 =	vand.u32 $0xFFFF, v0;
	v0 =	vshra.s32 v0, $0x10  }
0x9a: {  	[tilespmem:$0x1E560] =	vst v1  }
0x9b: {  	[tilespmem:$0x1E5E0] =	vst v0  }
0x9c: {  	v0 =	vld [tilespmem:s24+$0x13CF0];
	_ =	sdelay $0x4  }
0x9d: {  	v1 =	vand.u32 $0xFFFF, v0;
	v0 =	vshra.s32 v0, $0x10  }
0x9e: {  	p1 =	seq.s32 s25, $0x9C00;
	[tilespmem:$0x1E570] =	vst v1  }
0x9f: {  	s24 =	sshra.s32 @!p1 s25, $0x2;
	[tilespmem:$0x1E5F0] =	vst v0  }
0xa0: {  	[tilespmem:s17], [sflag:$0x2] =	stream.indirect.gather [hbm4b:s5+s13], $0x80, s16, s13, $0xb8;
	[tilespmem:$0x1E600] =	vst v63  }
0xa1: {  	_ =	swait.ge [sflag:s18], $0x4000  }
0xa2: {  	[sflag:s18] =	ssyncset.done $0x0  }
0xa3: {  	[sflag:s18] =	ssyncadd.s32 $0xFFFFC000  }
0xa4: {  	[spmem:s2] =	stream.indirect.scatter.add.f32 [tilespmem:s15], [sflag:$0x3], $0x80, s19, s13, $0xb8;
	[tilespmem:$0x1E600] =	vst v63  }
0xa5: {  	_ =	swait.ge [sflag:s11], $0x4000  }
0xa6: {  	[sflag:s11] =	ssyncset.done $0x0  }
0xa7: {  	[sflag:s11] =	ssyncadd.s32 $0xFFFFC000  }
0xa8: {  	v0 =	vld @!p1 [tilespmem:s24+$0x13D00];
	_ =	sdelay $0x4  }
0xa9: {  	v1 =	vand.u32 @!p1 $0xFFFF, v0;
	v0 =	vshra.s32 @!p1 v0, $0x10  }
0xaa: {  	[tilespmem:$0x1E400] =	vst @!p1 v1  }
0xab: {  	[tilespmem:$0x1E480] =	vst @!p1 v0  }
0xac: {  	v0 =	vld @!p1 [tilespmem:s24+$0x13D10];
	_ =	sdelay $0x4  }
0xad: {  	v1 =	vand.u32 @!p1 $0xFFFF, v0;
	v0 =	vshra.s32 @!p1 v0, $0x10  }
0xae: {  	[tilespmem:$0x1E410] =	vst @!p1 v1  }
0xaf: {  	[tilespmem:$0x1E490] =	vst @!p1 v0  }
0xb0: {  	v0 =	vld @!p1 [tilespmem:s24+$0x13D20];
	_ =	sdelay $0x4  }
0xb1: {  	v1 =	vand.u32 @!p1 $0xFFFF, v0;
	v0 =	vshra.s32 @!p1 v0, $0x10  }
0xb2: {  	[tilespmem:$0x1E420] =	vst @!p1 v1  }
0xb3: {  	[tilespmem:$0x1E4A0] =	vst @!p1 v0  }
0xb4: {  	v0 =	vld @!p1 [tilespmem:s24+$0x13D30];
	_ =	sdelay $0x4  }
0xb5: {  	v1 =	vand.u32 @!p1 $0xFFFF, v0;
	v0 =	vshra.s32 @!p1 v0, $0x10  }
0xb6: {  	[tilespmem:$0x1E430] =	vst @!p1 v1  }
0xb7: {  	[tilespmem:$0x1E4B0] =	vst @!p1 v0  }
0xb8: {  	v0 =	vld @!p1 [tilespmem:s24+$0x13D40];
	_ =	sdelay $0x4  }
0xb9: {  	v1 =	vand.u32 @!p1 $0xFFFF, v0;
	v0 =	vshra.s32 @!p1 v0, $0x10  }
0xba: {  	[tilespmem:$0x1E440] =	vst @!p1 v1  }
0xbb: {  	[tilespmem:$0x1E4C0] =	vst @!p1 v0  }
0xbc: {  	v0 =	vld @!p1 [tilespmem:s24+$0x13D50];
	_ =	sdelay $0x4  }
0xbd: {  	v1 =	vand.u32 @!p1 $0xFFFF, v0;
	v0 =	vshra.s32 @!p1 v0, $0x10  }
0xbe: {  	[tilespmem:$0x1E450] =	vst @!p1 v1  }
0xbf: {  	s26 =	simm.s32 @!p1 $0x80;
	s28 =	simm.s32 @!p1 $0x1E480;
	s29 =	simm.s32 @!p1 $0x16400;
	[tilespmem:$0x1E4D0] =	vst @!p1 v0  }
0xc0: {  	v0 =	vld @!p1 [tilespmem:s24+$0x13D60];
	_ =	sdelay $0x1  }
.Ltmp0:
0xc1: {  	(pc) =	sbr.rel @p0 .LBB2_2-.Ltmp0, $3  }
0xc2: {  	_ =	sdelay $0x1  }
0xc3: {  	v1 =	vand.u32 @!p1 $0xFFFF, v0;
	v0 =	vshra.s32 @!p1 v0, $0x10  }
0xc4: {  	[tilespmem:$0x1E460] =	vst @!p1 v1  }
0xc5: {  	[tilespmem:$0x1E4E0] =	vst @!p1 v0  }
0xc6: {  	v0 =	vld @!p1 [tilespmem:s24+$0x13D70];
	_ =	sdelay $0x4  }
0xc7: {  	v1 =	vand.u32 @!p1 $0xFFFF, v0  }
0xc8: {  	v0 =	vshra.s32 @!p1 v0, $0x10;
	[tilespmem:$0x1E470] =	vst @!p1 v1  }
0xc9: {  	[tilespmem:$0x1E4F0] =	vst @!p1 v0  }
0xca: {  	[tilespmem:s29], [sflag:$0x1] =	stream.indirect.gather @!p1 [hbm4b:s5+s26], $0x80, s28, s26, $0xb8;
	[tilespmem:$0x1E600] =	vst v63  }
0xcb: {  	_ =	swait.ge [sflag:s20], $0x4000  }
0xcc: {  	[sflag:s20] =	ssyncset.done $0x0  }
0xcd: {  	[sflag:s20] =	ssyncadd.s32 $0xFFFFC000  }
0xce: {  	[spmem:s2] =	stream.indirect.scatter.add.f32 [tilespmem:s17], [sflag:$0x3], $0x80, s21, s13, $0xb8;
	[tilespmem:$0x1E600] =	vst v63  }
0xcf: {  	_ =	swait.ge [sflag:s11], $0x4000  }
0xd0: {  	s22 =	sadd.s32 $0x1, s22;
	[sflag:s11] =	ssyncset.done $0x0  }
0xd1: {  	p0 =	sne.s32 s22, s9;
	[sflag:s11] =	ssyncadd.s32 $0xFFFFC000  }
.Ltmp1:
0xd2: {  	[bflag:$0x0] =	sbarrier.arrive $0xFFFF;
	(pc) =	sbr.rel @p0 .LBB2_1-.Ltmp1, $4  }
0xd3: {  	[hbm:s8], [sflag:s6] =	dma.local [spmem:s10], $0x2780  }
0xd4: {  	_ =	swait.ge [sflag:s11], $0x2780  }
0xd5: {  	[sflag:s11] =	ssyncset.done $0x0  }
0xd6: {  	[sflag:s11] =	ssyncadd.s32 $0xFFFFD880  }
0xd7: {  	_ =	sfence.sel $0x180000  }
0xd8: {  	[bflag:$0x0] =	sbarrier.arrive $0xFFFF  }
0xd9: {  	p0 =	sne.s32 s3, $0x0;
	_ =	strace $0x9000004A  }
0xda: {  	s0 =	sadd.s32 @!p0 $0x100000, s0;
	[bflag:$0x2] =	sbarrier.arrive $0xFFFF  }
0xdb: {  	[sflag:s0] =	ssyncadd.tile.s32 @!p0 $0x1;
	_ =	shalt  }
.Lfunc_end2:
_tile_overlayer_lowered:
.L_overlay_start_2:
0xdc: {  	(tag) =	ssettag $0x2  }
0xdd: {  	s0 =	rddreg [dreg:$0x0];
	s2 =	stileid.u32  }
0xde: {  	s1 =	rddreg [dreg:$0x1];
	p0 =	sne.s32 s2, $0x0  }
0xdf: {  	s3 =	rddreg [dreg:$0x2];
	[bflag:$0x3] =	sbarrier.arrive $0xFFFF;
	s2 =	simm.s32 @!p0 $0x1C03  }
0xe0: {  	[timem:s3], [sflag:s2] =	dma.local @!p0 [hbm:s0], s1  }
0xe1: {  	s0 =	simm.s32 @!p0 $0x3  }
0xe2: {  	_ =	swait.ge @!p0 [sflag:s0], s1  }
0xe3: {  	s1 =	ssub.s32 @!p0 $0x0, s1;
	[sflag:s0] =	ssyncset.done @!p0 $0x0  }
0xe4: {  	[sflag:s0] =	ssyncadd.s32 @!p0 s1  }
0xe5: {  	[bflag:$0x3] =	sbarrier.arrive $0xFFFF  }
0xe6: {  	_ =	shalt  }

// kernel: kernel.16.cloned.1.call-start
scs
__scs_entry_jumppad:
0x0: {  	(pc) =	sbr.rel $0x88, $3  }
0x1: {  	(tag) =	ssettag $0x0;
	lr =	simm.s32 $0x1  }
0x2: {  	[smem:$0x3F9F] =	sst lr;
	_ =	strace $0xD0000000  }
0x3: {  	_ = 	snop  }
0x4: {  	_ = 	snop  }
0x5: {  	_ = 	snop  }
0x6: {  	_ = 	snop  }
0x7: {  	_ = 	snop  }
__scs_overlays_trampoline_lowered:
0x8: {  	[smem:$0x3FAE] =	sst s0  }
0x9: {  	[smem:$0x3FAF] =	sst s1  }
0xa: {  	[smem:$0x3FB0] =	sst s2  }
0xb: {  	[smem:$0x3FB1] =	sst s3  }
0xc: {  	[smem:$0x3FB2] =	sst s4  }
0xd: {  	[smem:$0x3FB3] =	sst s5  }
0xe: {  	[smem:$0x3FB4] =	sst s6  }
0xf: {  	[smem:$0x3FB5] =	sst s7  }
0x10: {  	[smem:$0x3FB6] =	sst s8  }
0x11: {  	[smem:$0x3FB7] =	sst s9;
	s0 =	simm.s32 @!p0 $0x0  }
0x12: {  	s1 =	sld [smem:$0x3F9D];
	s0 =	simm.s32 @p0 $0x1  }
0x13: {  	[smem:$0x3FB8] =	sst s0;
	s0 =	simm.s32 @!p1 $0x0  }
0x14: {  	s2 =	sld [smem:$0x3F9C];
	s0 =	simm.s32 @p1 $0x1  }
0x15: {  	[smem:$0x3FB9] =	sst s0;
	s0 =	simm.s32 @!p2 $0x0  }
0x16: {  	s3 =	sld [smem:$0x3FDB];
	s0 =	simm.s32 @p2 $0x1  }
0x17: {  	s4 =	simm.s32 $0x1BF5;
	[smem:$0x3FBB] =	sst s0  }
0x18: {  	s0 =	sld [smem:$0x3F9E];
	_ =	swait.ge [sflag:s4], $0x0  }
0x19: {  	s7 =	sld [smem:$0x3F9F]  }
0x1a: {  	s8 =	sadd.s32 $0xFFFFE003, lr  }
0x1b: {  	s9 =	sadd.s32 $0xFFFFFEF7, lr;
	s5 =	simm.s32 $0xFFFFFFFF;
	p2 =	slt.u32 s8, $0xFFFFF086  }
0x1c: {  	p1 =	slt.u32 s9, $0xF7A;
	s5 =	simm.s32 @!p2 $0x0  }
0x1d: {  	s5 =	simm.s32 @p1 $0x1;
	p0 =	seq.s32 s7, s2  }
0x1e: {  	s7 =	smul.u32 @!p0 $0xF7A, s2;
	p2 =	seq.s32 @!p0 s5, $0x0  }
0x1f: {  	s9 =	smul.u32 $0xF7A, s1;
	s8 =	simm.s32 @!p0 $0x1BF5;
	p2 =	por !p2, p0  }
0x20: {  	[sflag:s8] =	ssyncset.s32 @!p0 $0xFFFFF086;
	s6 =	sadd.s32 @!p0 s3, s7;
	s7 =	simm.s32 @!p0 $0x108  }
0x21: {  	s3 =	sadd.s32 s3, s9;
	s6 =	sadd.s32 @!p0 $0x88, s6;
	s7 =	simm.s32 @p2 $0x1082  }
0x22: {  	[simem:s7], [sflag:s8] =	dma.local @!p0 [hbm:s6], $0xF7A  }
0x23: {  	s9 =	sor.u32 $0xD0000000, s2;
	s6 =	simm.s32 $0x108;
	_ =	swait.ge @!p0 [sflag:s8], $0x0  }
0x24: {  	s3 =	sadd.s32 $0x88, s3;
	s6 =	simm.s32 @!p1 $0x1082;
	[sflag:s4] =	ssyncset.s32 $0xFFFFF086  }
0x25: {  	[simem:s6], [sflag:s4] =	dma.local [hbm:s3], $0xF7A  }
0x26: {  	[smem:$0x3F9F] =	sst s1;
	(tag) =	ssettag s2;
	_ =	strace s9  }
0x27: {  	s1 =	sld [smem:$0x3FAF]  }
0x28: {  	s2 =	sld [smem:$0x3FB0]  }
0x29: {  	s4 =	sld [smem:$0x3FB2]  }
0x2a: {  	p0 =	seq.s32 s5, $0x0;
	s5 =	sld [smem:$0x3FB3]  }
0x2b: {  	s6 =	sld [smem:$0x3FB4]  }
0x2c: {  	s7 =	sld [smem:$0x3FB5]  }
0x2d: {  	s3 =	simm.s32 $0x108;
	s8 =	sld [smem:$0x3FB6]  }
0x2e: {  	s3 =	simm.s32 @!p0 $0x1082;
	s9 =	sld [smem:$0x3FB7]  }
0x2f: {  	lr =	sadd.s32 s0, s3;
	s0 =	sld [smem:$0x3FAE]  }
0x30: {  	s3 =	sld [smem:$0x3FB1]  }
0x31: {  	[smem:$0x3FBA] =	sst s10  }
0x32: {  	s10 =	sld [smem:$0x3FB8];
	_ =	sdelay $0x3  }
0x33: {  	p0 =	seq.s32 s10, $0x1;
	s10 =	sld [smem:$0x3FBA];
	_ =	sdelay $0x3  }
0x34: {  	[smem:$0x3FBA] =	sst s10  }
0x35: {  	s10 =	sld [smem:$0x3FB9];
	_ =	sdelay $0x3  }
0x36: {  	p1 =	seq.s32 s10, $0x1;
	s10 =	sld [smem:$0x3FBA];
	_ =	sdelay $0x3  }
0x37: {  	[smem:$0x3FBA] =	sst s10  }
0x38: {  	s10 =	sld [smem:$0x3FBB]  }
0x39: {  	_ = 	snop;
	(pc) =	sbr.ind lr, $3  }
0x3a: {  	_ = 	snop  }
0x3b: {  	_ = 	snop  }
0x3c: {  	p2 =	seq.s32 s10, $0x1;
	s10 =	sld [smem:$0x3FBA]  }
0x3d: {  	_ =	shalt  }
0x3e: {  	_ =	shalt  }
0x3f: {  	_ =	shalt  }
0x40: {  	_ =	shalt  }
0x41: {  	_ =	shalt  }
0x42: {  	_ =	shalt  }
0x43: {  	_ =	shalt  }
0x44: {  	_ =	shalt  }
0x45: {  	_ =	shalt  }
0x46: {  	_ =	shalt  }
0x47: {  	_ =	shalt  }
0x48: {  	_ =	shalt  }
0x49: {  	_ =	shalt  }
0x4a: {  	_ =	shalt  }
0x4b: {  	_ =	shalt  }
0x4c: {  	_ =	shalt  }
0x4d: {  	_ =	shalt  }
0x4e: {  	_ =	shalt  }
0x4f: {  	_ =	shalt  }
0x50: {  	_ =	shalt  }
0x51: {  	_ =	shalt  }
0x52: {  	_ =	shalt  }
0x53: {  	_ =	shalt  }
0x54: {  	_ =	shalt  }
0x55: {  	_ =	shalt  }
0x56: {  	_ =	shalt  }
0x57: {  	_ =	shalt  }
0x58: {  	_ =	shalt  }
0x59: {  	_ =	shalt  }
0x5a: {  	_ =	shalt  }
0x5b: {  	_ =	shalt  }
0x5c: {  	_ =	shalt  }
0x5d: {  	_ =	shalt  }
0x5e: {  	_ =	shalt  }
0x5f: {  	_ =	shalt  }
0x60: {  	_ =	shalt  }
0x61: {  	_ =	shalt  }
0x62: {  	_ =	shalt  }
0x63: {  	_ =	shalt  }
0x64: {  	_ =	shalt  }
0x65: {  	_ =	shalt  }
0x66: {  	_ =	shalt  }
0x67: {  	_ =	shalt  }
0x68: {  	_ =	shalt  }
0x69: {  	_ =	shalt  }
0x6a: {  	_ =	shalt  }
0x6b: {  	_ =	shalt  }
0x6c: {  	_ =	shalt  }
0x6d: {  	_ =	shalt  }
0x6e: {  	_ =	shalt  }
0x6f: {  	_ =	shalt  }
0x70: {  	_ =	shalt  }
0x71: {  	_ =	shalt  }
0x72: {  	_ =	shalt  }
0x73: {  	_ =	shalt  }
0x74: {  	_ =	shalt  }
0x75: {  	_ =	shalt  }
0x76: {  	_ =	shalt  }
0x77: {  	_ =	shalt  }
0x78: {  	_ =	shalt  }
0x79: {  	_ =	shalt  }
0x7a: {  	_ =	shalt  }
0x7b: {  	_ =	shalt  }
0x7c: {  	_ =	shalt  }
0x7d: {  	_ =	shalt  }
0x7e: {  	_ =	shalt  }
0x7f: {  	_ =	shalt  }
0x80: {  	_ =	shalt  }
0x81: {  	_ =	shalt  }
0x82: {  	_ =	shalt  }
0x83: {  	_ =	shalt  }
0x84: {  	_ =	shalt  }
0x85: {  	_ =	shalt  }
0x86: {  	_ =	shalt  }
0x87: {  	_ =	shalt  }
.Lfunc_end0:
.L_simem_size_0:
called_computation.2_lowered:
.L_overlay_start_0:
0x88: {  	s2 =	sld [smem:$0x3FD9]  }
0x89: {  	s3 =	sld [smem:$0x3FFE];
	_ =	sdelay $0x1  }
0x8a: {  	s1 =	srdreg.scid  }
0x8b: {  	s0 =	sand.u32 $0x1, s1  }
0x8c: {  	s17 =	sshll.u32 s0, $0xA;
	s2 =	sadd.s32 s3, s2  }
0x8d: {  	s2 =	sadd.s32 s2, s17  }
0x8e: {  	[smem:$0x3FC6] =	sst s2  }
0x8f: {  	_ = 	snop  }
0x90: {  	s2 =	sld [smem:$0x3FD0];
	(tm) =	ssettm $0x1  }
0x91: {  	s18 =	sld [smem:$0x3FFB];
	_ =	sdelay $0x3  }
0x92: {  	_ =	strace s18  }
0x93: {  	s3 =	sld [smem:$0x3FFC];
	_ =	sdelay $0x3  }
0x94: {  	_ =	strace s3  }
0x95: {  	s3 =	sld [smem:$0x3FFD];
	_ =	sdelay $0x3  }
0x96: {  	_ =	strace s3  }
0x97: {  	_ =	strace $0x8FFFFFFF  }
0x98: {  	s19 =	sld [smem:$0x3FDB];
	_ =	sdelay $0x1  }
0x99: {  	s4 =	simm.s32 $_scs_section_size  }
0x9a: {  	s5 =	simm.s32 $_size__tile_overlayer_lowered;
	s6 =	simm.s32 $_tile_overlayer_lowered  }
0x9b: {  	s22 =	simm.s32 $0x1BFF;
	s21 =	sshll.u32 s6, $0x1;
	s3 =	sadd.s32 s4, s19  }
0x9c: {  	s7 =	simm.s32 $0x0;
	s20 =	sshll.u32 s5, $0x1;
	s5 =	sadd.s32 s21, s3  }
0x9d: {  	[timem:s7], [sflag:s22] =	dma.local [hbm:s5], s20  }
0x9e: {  	_ =	swait.ge [sflag:s22], s20  }
0x9f: {  	s4 =	ssub.s32 $0x0, s20;
	[sflag:s22] =	ssyncset.done $0x0  }
0xa0: {  	[sflag:s22] =	ssyncadd.s32 s4;
	_ =	sdelay $0x1  }
0xa1: {  	s23 =	simm.s32 $0x1B8B  }
0xa2: {  	_ =	swait.ge [sflag:s23], $0x1  }
0xa3: {  	[sflag:s23] =	ssyncset.done $0x0  }
0xa4: {  	s25 =	simm.s32 $0x1B8E;
	s24 =	sld [smem:$0x3FFE];
	[sflag:s23] =	ssyncadd.s32 $0xFFFFFFFF  }
0xa5: {  	s26 =	simm.s32 $execute0_lowered;
	[smem:$0x3FD2] =	sst s25  }
0xa6: {  	s5 =	sshll.u32 s26, $0x1;
	_ =	strace $0x8000004C;
	[dreg:$0x1] =	wrdreg $0xFFFFFFFF  }
0xa7: {  	s28 =	simm.s32 $_size_execute0_lowered;
	s3 =	sadd.s32 s3, s5;
	[dreg:$0x0] =	wrdreg $0x0  }
0xa8: {  	s5 =	sshll.u32 s28, $0x1;
	[dreg:$0x2] =	wrdreg s3  }
0xa9: {  	[dreg:$0x3] =	wrdreg s5  }
0xaa: {  	[dreg:$0x4] =	wrdreg $0xC0  }
0xab: {  	_ =	task [dreg:s7], $0x5FFFF  }
0xac: {  	[dreg:$0x1] =	wrdreg $0xFFFFFFFF  }
0xad: {  	[dreg:$0x0] =	wrdreg $0x60  }
0xae: {  	[dreg:$0x2] =	wrdreg s24  }
0xaf: {  	[dreg:$0x3] =	wrdreg s2  }
0xb0: {  	[dreg:$0x4] =	wrdreg $0x0  }
0xb1: {  	[dreg:$0x5] =	wrdreg $0x9  }
0xb2: {  	_ =	task.clear_ibuf [dreg:s7], $0x6FFFF;
	_ =	strace $0x9000004C  }
0xb3: {  	s29 =	simm.s32 $0x9;
	_ =	strace $0x8000004E  }
0xb4: {  	_ =	swait.ge [sflag:s29], $0x1  }
0xb5: {  	[sflag:s29] =	ssyncadd.s32 $0xFFFFFFFF  }
0xb6: {  	_ =	strace $0x9000004E  }
0xb7: {  	_ =	sfence  }
0xb8: {  	s30 =	sld [smem:$0x0];
	_ =	sdelay $0x2  }
0xb9: {  	s31 =	sshll.u32 s1, $0xD;
	s1 =	sshrl.u32 s1, $0x2  }
0xba: {  	s3 =	sand.u32 $0x4000, s31;
	s1 =	sadd.s32 s1, s30  }
0xbb: {  	s0 =	sor.u32 s3, s0;
	s1 =	sshll.u32 s1, $0x11  }
0xbc: {  	s0 =	sor.u32 s1, s0  }
0xbd: {  	s0 =	sadd.s32 $0x8F2B, s0  }
0xbe: {  	[sflag:s0] =	ssyncadd.remote.s32 $0x1  }
0xbf: {  	_ =	sfence.sel $0xFFFF  }
0xc0: {  	[dreg:$0x0] =	wrdreg $0xFFFFFFFF;
	(pc) =	sbr.abs _section_cstart, $3  }
0xc1: {  	[dreg:$0x1] =	wrdreg $0xFFFFFFFF  }
0xc2: {  	_ =	task.clear_ibuf [dreg:s7], $0x2FFFF;
	_ =	strace $0x9FFFFFFF  }
0xc3: {  	(tm) =	ssettm $0x7FFFFFFF  }
tec
execute0_lowered:
.L_overlay_start_1:
0x0: {  	(tag) =	ssettag $0x1  }
0x1: {  	s6 =	rddreg [dreg:$0x0]  }
0x2: {  	s1 =	rddreg [dreg:$0x1]  }
0x3: {  	s2 =	rddreg [dreg:$0x2]  }
0x4: {  	s3 =	srdreg.scid;
	s0 =	rddreg [dreg:$0x3]  }
0x5: {  	s4 =	simm.s32 $0x0;
	s13 =	simm.s32 $0x80;
	s14 =	simm.s32 $0x1E480  }
0x6: {  	s15 =	simm.s32 $0x16400;
	s16 =	simm.s32 $0x1E580;
	s17 =	simm.s32 $0x1A400  }
0x7: {  	s18 =	simm.s32 $0x1;
	s19 =	simm.s32 $0x1E400;
	s20 =	simm.s32 $0x2  }
0x8: {  	s21 =	simm.s32 $0x1E500;
	s7 =	sand.u32 $0x1, s3;
	s3 =	stileid.u32  }
0x9: {  	s22 =	simm.s32 $0x0;
	[smem:$0x7FF] =	sst s4;
	s8 =	smul.u32 $0x13C000, s7  }
0xa: {  	s5 =	sshll.u32 s7, $0x4;
	s9 =	smul.u32 $0x13C00, s3;
	_ =	strace $0x8000004D  }
0xb: {  	s7 =	ssub.s32 $0x2, s7;
	s28 =	smul.u32 $0x4F000, s3;
	s31 =	sshll.u32 s3, $0x6  }
0xc: {  	s10 =	sor.u32 s3, s5;
	s5 =	sadd.s32 $0x5C000, s6;
	s29 =	sshrl.u32 s7, $0x1  }
0xd: {  	s10 =	smul.u32 $0x500, s10;
	s8 =	sadd.s32 s9, s8;
	s30 =	sshrl.u32 s28, $0x2  }
0xe: {  	s11 =	ssub.s32 s7, s29;
	s8 =	sshrl.u32 s8, $0x3;
	s12 =	sadd.s32 s30, s2  }
0xf: {  	s9 =	smax.u32 s11, $0x1;
	s11 =	simm.s32 $0x3;
	s10 =	sadd.s32 s10, s6  }
0x10: {  	s8 =	sadd.s32 s8, s6;
	s6 =	sor.u32 $0x1C03, s31;
	s7 =	sadd.s32 $0x3000, s10  }
0x11: {  	s8 =	sadd.s32 $0x83800, s8;
	s10 =	sshrl.u32 s12, $0x3;
	s12 =	simm.s32 $0x13C00  }
.LBB2_1:
0x12: {  	[spmem:s10], [sflag:s6] =	dma.local [hbm:s1], $0x2780  }
0x13: {  	_ =	swait.ge [sflag:s11], $0x2780  }
0x14: {  	[sflag:s11] =	ssyncset.done $0x0  }
0x15: {  	[sflag:s11] =	ssyncadd.s32 $0xFFFFD880  }
0x16: {  	[tilespmem:s12], [sflag:$0x3] =	stream.linear.gather [hbm4b:s7+s4], $0x2800, $0x38;
	[tilespmem:$0x1E600] =	vst v63  }
0x17: {  	_ =	swait.ge [sflag:s11], $0x2800  }
0x18: {  	[sflag:s11] =	ssyncset.done $0x0  }
0x19: {  	[sflag:s11] =	ssyncadd.s32 $0xFFFFD800  }
0x1a: {  	[bflag:$0x0] =	sbarrier.arrive $0xFFFF  }
0x1b: {  	v0 =	vld [tilespmem:$0x13C00];
	_ =	sdelay $0x1  }
0x1c: {  	v1 =	vld [tilespmem:$0x13C10];
	_ =	sdelay $0x1  }
0x1d: {  	v2 =	vld [tilespmem:$0x13C20]  }
0x1e: {  	v3 =	vand.u32 $0xFFFF, v0  }
0x1f: {  	v0 =	vshra.s32 v0, $0x10;
	[tilespmem:$0x1E400] =	vst v3;
	v3 =	vld [tilespmem:$0x13C30]  }
0x20: {  	[tilespmem:$0x1E480] =	vst v0;
	v0 =	vand.u32 $0xFFFF, v1  }
0x21: {  	[tilespmem:$0x1E410] =	vst v0;
	v0 =	vshra.s32 v1, $0x10;
	v1 =	vld [tilespmem:$0x13C40]  }
0x22: {  	[tilespmem:$0x1E490] =	vst v0;
	v0 =	vand.u32 $0xFFFF, v2  }
0x23: {  	[tilespmem:$0x1E420] =	vst v0;
	v0 =	vshra.s32 v2, $0x10;
	v2 =	vld [tilespmem:$0x13C50]  }
0x24: {  	[tilespmem:$0x1E4A0] =	vst v0;
	v0 =	vand.u32 $0xFFFF, v3  }
0x25: {  	[tilespmem:$0x1E430] =	vst v0;
	v0 =	vshra.s32 v3, $0x10;
	v3 =	vld [tilespmem:$0x13C60]  }
0x26: {  	[tilespmem:$0x1E4B0] =	vst v0;
	v0 =	vand.u32 $0xFFFF, v1  }
0x27: {  	[tilespmem:$0x1E440] =	vst v0;
	v0 =	vshra.s32 v1, $0x10;
	v1 =	vld [tilespmem:$0x13C70]  }
0x28: {  	[tilespmem:$0x1E4C0] =	vst v0;
	v0 =	vand.u32 $0xFFFF, v2  }
0x29: {  	[tilespmem:$0x1E450] =	vst v0;
	v0 =	vshra.s32 v2, $0x10  }
0x2a: {  	[tilespmem:$0x1E4D0] =	vst v0;
	v0 =	vand.u32 $0xFFFF, v3  }
0x2b: {  	[tilespmem:$0x1E460] =	vst v0;
	v0 =	vshra.s32 v3, $0x10  }
0x2c: {  	[tilespmem:$0x1E4E0] =	vst v0;
	v0 =	vand.u32 $0xFFFF, v1  }
0x2d: {  	[tilespmem:$0x1E470] =	vst v0;
	v0 =	vshra.s32 v1, $0x10  }
0x2e: {  	s23 =	simm.s32 $0x0;
	[tilespmem:$0x1E4F0] =	vst v0  }
0x2f: {  	[tilespmem:s15], [sflag:$0x1] =	stream.indirect.gather [hbm4b:s5+s13], $0x80, s14, s13, $0xb8;
	[tilespmem:$0x1E600] =	vst v63  }
0x30: {  	v0 =	vld [tilespmem:s23+$0x13C80];
	_ =	sdelay $0x4  }
0x31: {  	v1 =	vand.u32 $0xFFFF, v0  }
0x32: {  	v0 =	vshra.s32 v0, $0x10;
	[tilespmem:$0x1E500] =	vst v1  }
0x33: {  	[tilespmem:$0x1E580] =	vst v0  }
0x34: {  	v0 =	vld [tilespmem:s23+$0x13C90];
	_ =	sdelay $0x4  }
0x35: {  	v1 =	vand.u32 $0xFFFF, v0  }
0x36: {  	v0 =	vshra.s32 v0, $0x10;
	[tilespmem:$0x1E510] =	vst v1  }
0x37: {  	[tilespmem:$0x1E590] =	vst v0  }
0x38: {  	v0 =	vld [tilespmem:s23+$0x13CA0];
	_ =	sdelay $0x4  }
0x39: {  	v1 =	vand.u32 $0xFFFF, v0  }
0x3a: {  	v0 =	vshra.s32 v0, $0x10;
	[tilespmem:$0x1E520] =	vst v1  }
0x3b: {  	[tilespmem:$0x1E5A0] =	vst v0  }
0x3c: {  	v0 =	vld [tilespmem:s23+$0x13CB0];
	_ =	sdelay $0x4  }
0x3d: {  	v1 =	vand.u32 $0xFFFF, v0  }
0x3e: {  	v0 =	vshra.s32 v0, $0x10;
	[tilespmem:$0x1E530] =	vst v1  }
0x3f: {  	[tilespmem:$0x1E5B0] =	vst v0  }
0x40: {  	v0 =	vld [tilespmem:s23+$0x13CC0];
	_ =	sdelay $0x4  }
0x41: {  	v1 =	vand.u32 $0xFFFF, v0  }
0x42: {  	v0 =	vshra.s32 v0, $0x10;
	[tilespmem:$0x1E540] =	vst v1  }
0x43: {  	[tilespmem:$0x1E5C0] =	vst v0  }
0x44: {  	v0 =	vld [tilespmem:s23+$0x13CD0];
	_ =	sdelay $0x4  }
0x45: {  	v1 =	vand.u32 $0xFFFF, v0  }
0x46: {  	v0 =	vshra.s32 v0, $0x10;
	[tilespmem:$0x1E550] =	vst v1  }
0x47: {  	[tilespmem:$0x1E5D0] =	vst v0  }
0x48: {  	v0 =	vld [tilespmem:s23+$0x13CE0];
	_ =	sdelay $0x4  }
0x49: {  	v1 =	vand.u32 $0xFFFF, v0  }
0x4a: {  	v0 =	vshra.s32 v0, $0x10;
	[tilespmem:$0x1E560] =	vst v1  }
0x4b: {  	[tilespmem:$0x1E5E0] =	vst v0  }
0x4c: {  	v0 =	vld [tilespmem:s23+$0x13CF0];
	_ =	sdelay $0x4  }
0x4d: {  	v1 =	vand.u32 $0xFFFF, v0  }
0x4e: {  	v0 =	vshra.s32 v0, $0x10;
	[tilespmem:$0x1E570] =	vst v1  }
0x4f: {  	[tilespmem:$0x1E5F0] =	vst v0  }
0x50: {  	[tilespmem:s17], [sflag:$0x2] =	stream.indirect.gather [hbm4b:s5+s13], $0x80, s16, s13, $0xb8;
	[tilespmem:$0x1E600] =	vst v63  }
0x51: {  	_ =	swait.ge [sflag:s18], $0x4000  }
0x52: {  	[sflag:s18] =	ssyncset.done $0x0  }
0x53: {  	[sflag:s18] =	ssyncadd.s32 $0xFFFFC000  }
0x54: {  	[spmem:s2] =	stream.indirect.scatter.add.f32 [tilespmem:s15], [sflag:$0x3], $0x80, s19, s13, $0xb8;
	[tilespmem:$0x1E600] =	vst v63  }
0x55: {  	_ =	swait.ge [sflag:s11], $0x4000  }
0x56: {  	p1 =	por $0x0, $0x0;
	[sflag:s11] =	ssyncset.done $0x0  }
0x57: {  	s24 =	simm.s32 @!p1 $0x0;
	[sflag:s11] =	ssyncadd.s32 $0xFFFFC000  }
0x58: {  	v0 =	vld @!p1 [tilespmem:s24+$0x13D00];
	_ =	sdelay $0x4  }
0x59: {  	v1 =	vand.u32 @!p1 $0xFFFF, v0  }
0x5a: {  	v0 =	vshra.s32 @!p1 v0, $0x10;
	[tilespmem:$0x1E400] =	vst @!p1 v1  }
0x5b: {  	[tilespmem:$0x1E480] =	vst @!p1 v0  }
0x5c: {  	v0 =	vld @!p1 [tilespmem:s24+$0x13D10];
	_ =	sdelay $0x4  }
0x5d: {  	v1 =	vand.u32 @!p1 $0xFFFF, v0  }
0x5e: {  	v0 =	vshra.s32 @!p1 v0, $0x10;
	[tilespmem:$0x1E410] =	vst @!p1 v1  }
0x5f: {  	[tilespmem:$0x1E490] =	vst @!p1 v0  }
0x60: {  	v0 =	vld @!p1 [tilespmem:s24+$0x13D20];
	_ =	sdelay $0x4  }
0x61: {  	v1 =	vand.u32 @!p1 $0xFFFF, v0  }
0x62: {  	v0 =	vshra.s32 @!p1 v0, $0x10;
	[tilespmem:$0x1E420] =	vst @!p1 v1  }
0x63: {  	[tilespmem:$0x1E4A0] =	vst @!p1 v0  }
0x64: {  	v0 =	vld @!p1 [tilespmem:s24+$0x13D30];
	_ =	sdelay $0x4  }
0x65: {  	v1 =	vand.u32 @!p1 $0xFFFF, v0  }
0x66: {  	v0 =	vshra.s32 @!p1 v0, $0x10;
	[tilespmem:$0x1E430] =	vst @!p1 v1  }
0x67: {  	[tilespmem:$0x1E4B0] =	vst @!p1 v0  }
0x68: {  	v0 =	vld @!p1 [tilespmem:s24+$0x13D40];
	_ =	sdelay $0x4  }
0x69: {  	v1 =	vand.u32 @!p1 $0xFFFF, v0  }
0x6a: {  	v0 =	vshra.s32 @!p1 v0, $0x10;
	[tilespmem:$0x1E440] =	vst @!p1 v1  }
0x6b: {  	[tilespmem:$0x1E4C0] =	vst @!p1 v0  }
0x6c: {  	v0 =	vld @!p1 [tilespmem:s24+$0x13D50];
	_ =	sdelay $0x4  }
0x6d: {  	v1 =	vand.u32 @!p1 $0xFFFF, v0  }
0x6e: {  	v0 =	vshra.s32 @!p1 v0, $0x10;
	[tilespmem:$0x1E450] =	vst @!p1 v1  }
0x6f: {  	[tilespmem:$0x1E4D0] =	vst @!p1 v0  }
0x70: {  	v0 =	vld @!p1 [tilespmem:s24+$0x13D60];
	_ =	sdelay $0x4  }
0x71: {  	s26 =	simm.s32 @!p1 $0x80;
	v1 =	vand.u32 @!p1 $0xFFFF, v0  }
0x72: {  	s28 =	simm.s32 @!p1 $0x1E480;
	s29 =	simm.s32 @!p1 $0x16400;
	s23 =	simm.s32 $0x400;
	v0 =	vshra.s32 @!p1 v0, $0x10;
	[tilespmem:$0x1E460] =	vst @!p1 v1  }
.LBB2_2:
0x73: {  	[tilespmem:$0x1E4E0] =	vst @!p1 v0;
	s25 =	smov.u32 s23;
	s23 =	sadd.s32 $0x400, s23  }
0x74: {  	p0 =	sne.s32 s23, $0xA000;
	v0 =	vld @!p1 [tilespmem:s24+$0x13D70];
	_ =	sdelay $0x4  }
0x75: {  	v1 =	vand.u32 @!p1 $0xFFFF, v0;
	v0 =	vshra.s32 @!p1 v0, $0x10  }
0x76: {  	[tilespmem:$0x1E470] =	vst @!p1 v1  }
0x77: {  	[tilespmem:$0x1E4F0] =	vst @!p1 v0  }
0x78: {  	[tilespmem:s29], [sflag:$0x1] =	stream.indirect.gather @!p1 [hbm4b:s5+s26], $0x80, s28, s26, $0xb8;
	[tilespmem:$0x1E600] =	vst v63  }
0x79: {  	_ =	swait.ge [sflag:s20], $0x4000  }
0x7a: {  	[sflag:s20] =	ssyncset.done $0x0  }
0x7b: {  	[sflag:s20] =	ssyncadd.s32 $0xFFFFC000  }
0x7c: {  	[spmem:s2] =	stream.indirect.scatter.add.f32 [tilespmem:s17], [sflag:$0x3], $0x80, s21, s13, $0xb8;
	[tilespmem:$0x1E600] =	vst v63  }
0x7d: {  	_ =	swait.ge [sflag:s11], $0x4000  }
0x7e: {  	[sflag:s11] =	ssyncset.done $0x0  }
0x7f: {  	s24 =	sshra.s32 s25, $0x2;
	[sflag:s11] =	ssyncadd.s32 $0xFFFFC000  }
0x80: {  	v0 =	vld [tilespmem:s24+$0x13C80];
	_ =	sdelay $0x4  }
0x81: {  	v1 =	vand.u32 $0xFFFF, v0;
	v0 =	vshra.s32 v0, $0x10  }
0x82: {  	[tilespmem:$0x1E500] =	vst v1  }
0x83: {  	[tilespmem:$0x1E580] =	vst v0  }
0x84: {  	v0 =	vld [tilespmem:s24+$0x13C90];
	_ =	sdelay $0x4  }
0x85: {  	v1 =	vand.u32 $0xFFFF, v0;
	v0 =	vshra.s32 v0, $0x10  }
0x86: {  	[tilespmem:$0x1E510] =	vst v1  }
0x87: {  	[tilespmem:$0x1E590] =	vst v0  }
0x88: {  	v0 =	vld [tilespmem:s24+$0x13CA0];
	_ =	sdelay $0x4  }
0x89: {  	v1 =	vand.u32 $0xFFFF, v0;
	v0 =	vshra.s32 v0, $0x10  }
0x8a: {  	[tilespmem:$0x1E520] =	vst v1  }
0x8b: {  	[tilespmem:$0x1E5A0] =	vst v0  }
0x8c: {  	v0 =	vld [tilespmem:s24+$0x13CB0];
	_ =	sdelay $0x4  }
0x8d: {  	v1 =	vand.u32 $0xFFFF, v0;
	v0 =	vshra.s32 v0, $0x10  }
0x8e: {  	[tilespmem:$0x1E530] =	vst v1  }
0x8f: {  	[tilespmem:$0x1E5B0] =	vst v0  }
0x90: {  	v0 =	vld [tilespmem:s24+$0x13CC0];
	_ =	sdelay $0x4  }
0x91: {  	v1 =	vand.u32 $0xFFFF, v0;
	v0 =	vshra.s32 v0, $0x10  }
0x92: {  	[tilespmem:$0x1E540] =	vst v1  }
0x93: {  	[tilespmem:$0x1E5C0] =	vst v0  }
0x94: {  	v0 =	vld [tilespmem:s24+$0x13CD0];
	_ =	sdelay $0x4  }
0x95: {  	v1 =	vand.u32 $0xFFFF, v0;
	v0 =	vshra.s32 v0, $0x10  }
0x96: {  	[tilespmem:$0x1E550] =	vst v1  }
0x97: {  	[tilespmem:$0x1E5D0] =	vst v0  }
0x98: {  	v0 =	vld [tilespmem:s24+$0x13CE0];
	_ =	sdelay $0x4  }
0x99: {  	v1 =	vand.u32 $0xFFFF, v0;
	v0 =	vshra.s32 v0, $0x10  }
0x9a: {  	[tilespmem:$0x1E560] =	vst v1  }
0x9b: {  	[tilespmem:$0x1E5E0] =	vst v0  }
0x9c: {  	v0 =	vld [tilespmem:s24+$0x13CF0];
	_ =	sdelay $0x4  }
0x9d: {  	v1 =	vand.u32 $0xFFFF, v0;
	v0 =	vshra.s32 v0, $0x10  }
0x9e: {  	p1 =	seq.s32 s25, $0x9C00;
	[tilespmem:$0x1E570] =	vst v1  }
0x9f: {  	s24 =	sshra.s32 @!p1 s25, $0x2;
	[tilespmem:$0x1E5F0] =	vst v0  }
0xa0: {  	[tilespmem:s17], [sflag:$0x2] =	stream.indirect.gather [hbm4b:s5+s13], $0x80, s16, s13, $0xb8;
	[tilespmem:$0x1E600] =	vst v63  }
0xa1: {  	_ =	swait.ge [sflag:s18], $0x4000  }
0xa2: {  	[sflag:s18] =	ssyncset.done $0x0  }
0xa3: {  	[sflag:s18] =	ssyncadd.s32 $0xFFFFC000  }
0xa4: {  	[spmem:s2] =	stream.indirect.scatter.add.f32 [tilespmem:s15], [sflag:$0x3], $0x80, s19, s13, $0xb8;
	[tilespmem:$0x1E600] =	vst v63  }
0xa5: {  	_ =	swait.ge [sflag:s11], $0x4000  }
0xa6: {  	[sflag:s11] =	ssyncset.done $0x0  }
0xa7: {  	[sflag:s11] =	ssyncadd.s32 $0xFFFFC000  }
0xa8: {  	v0 =	vld @!p1 [tilespmem:s24+$0x13D00];
	_ =	sdelay $0x4  }
0xa9: {  	v1 =	vand.u32 @!p1 $0xFFFF, v0;
	v0 =	vshra.s32 @!p1 v0, $0x10  }
0xaa: {  	[tilespmem:$0x1E400] =	vst @!p1 v1  }
0xab: {  	[tilespmem:$0x1E480] =	vst @!p1 v0  }
0xac: {  	v0 =	vld @!p1 [tilespmem:s24+$0x13D10];
	_ =	sdelay $0x4  }
0xad: {  	v1 =	vand.u32 @!p1 $0xFFFF, v0;
	v0 =	vshra.s32 @!p1 v0, $0x10  }
0xae: {  	[tilespmem:$0x1E410] =	vst @!p1 v1  }
0xaf: {  	[tilespmem:$0x1E490] =	vst @!p1 v0  }
0xb0: {  	v0 =	vld @!p1 [tilespmem:s24+$0x13D20];
	_ =	sdelay $0x4  }
0xb1: {  	v1 =	vand.u32 @!p1 $0xFFFF, v0;
	v0 =	vshra.s32 @!p1 v0, $0x10  }
0xb2: {  	[tilespmem:$0x1E420] =	vst @!p1 v1  }
0xb3: {  	[tilespmem:$0x1E4A0] =	vst @!p1 v0  }
0xb4: {  	v0 =	vld @!p1 [tilespmem:s24+$0x13D30];
	_ =	sdelay $0x4  }
0xb5: {  	v1 =	vand.u32 @!p1 $0xFFFF, v0;
	v0 =	vshra.s32 @!p1 v0, $0x10  }
0xb6: {  	[tilespmem:$0x1E430] =	vst @!p1 v1  }
0xb7: {  	[tilespmem:$0x1E4B0] =	vst @!p1 v0  }
0xb8: {  	v0 =	vld @!p1 [tilespmem:s24+$0x13D40];
	_ =	sdelay $0x4  }
0xb9: {  	v1 =	vand.u32 @!p1 $0xFFFF, v0;
	v0 =	vshra.s32 @!p1 v0, $0x10  }
0xba: {  	[tilespmem:$0x1E440] =	vst @!p1 v1  }
0xbb: {  	[tilespmem:$0x1E4C0] =	vst @!p1 v0  }
0xbc: {  	v0 =	vld @!p1 [tilespmem:s24+$0x13D50];
	_ =	sdelay $0x4  }
0xbd: {  	v1 =	vand.u32 @!p1 $0xFFFF, v0;
	v0 =	vshra.s32 @!p1 v0, $0x10  }
0xbe: {  	[tilespmem:$0x1E450] =	vst @!p1 v1  }
0xbf: {  	s26 =	simm.s32 @!p1 $0x80;
	s28 =	simm.s32 @!p1 $0x1E480;
	s29 =	simm.s32 @!p1 $0x16400;
	[tilespmem:$0x1E4D0] =	vst @!p1 v0  }
0xc0: {  	v0 =	vld @!p1 [tilespmem:s24+$0x13D60];
	_ =	sdelay $0x1  }
.Ltmp0:
0xc1: {  	(pc) =	sbr.rel @p0 .LBB2_2-.Ltmp0, $3  }
0xc2: {  	_ =	sdelay $0x1  }
0xc3: {  	v1 =	vand.u32 @!p1 $0xFFFF, v0;
	v0 =	vshra.s32 @!p1 v0, $0x10  }
0xc4: {  	[tilespmem:$0x1E460] =	vst @!p1 v1  }
0xc5: {  	[tilespmem:$0x1E4E0] =	vst @!p1 v0  }
0xc6: {  	v0 =	vld @!p1 [tilespmem:s24+$0x13D70];
	_ =	sdelay $0x4  }
0xc7: {  	v1 =	vand.u32 @!p1 $0xFFFF, v0  }
0xc8: {  	v0 =	vshra.s32 @!p1 v0, $0x10;
	[tilespmem:$0x1E470] =	vst @!p1 v1  }
0xc9: {  	[tilespmem:$0x1E4F0] =	vst @!p1 v0  }
0xca: {  	[tilespmem:s29], [sflag:$0x1] =	stream.indirect.gather @!p1 [hbm4b:s5+s26], $0x80, s28, s26, $0xb8;
	[tilespmem:$0x1E600] =	vst v63  }
0xcb: {  	_ =	swait.ge [sflag:s20], $0x4000  }
0xcc: {  	[sflag:s20] =	ssyncset.done $0x0  }
0xcd: {  	[sflag:s20] =	ssyncadd.s32 $0xFFFFC000  }
0xce: {  	[spmem:s2] =	stream.indirect.scatter.add.f32 [tilespmem:s17], [sflag:$0x3], $0x80, s21, s13, $0xb8;
	[tilespmem:$0x1E600] =	vst v63  }
0xcf: {  	_ =	swait.ge [sflag:s11], $0x4000  }
0xd0: {  	s22 =	sadd.s32 $0x1, s22;
	[sflag:s11] =	ssyncset.done $0x0  }
0xd1: {  	p0 =	sne.s32 s22, s9;
	[sflag:s11] =	ssyncadd.s32 $0xFFFFC000  }
.Ltmp1:
0xd2: {  	[bflag:$0x0] =	sbarrier.arrive $0xFFFF;
	(pc) =	sbr.rel @p0 .LBB2_1-.Ltmp1, $4  }
0xd3: {  	[hbm:s8], [sflag:s6] =	dma.local [spmem:s10], $0x2780  }
0xd4: {  	_ =	swait.ge [sflag:s11], $0x2780  }
0xd5: {  	[sflag:s11] =	ssyncset.done $0x0  }
0xd6: {  	[sflag:s11] =	ssyncadd.s32 $0xFFFFD880  }
0xd7: {  	_ =	sfence.sel $0x180000  }
0xd8: {  	[bflag:$0x0] =	sbarrier.arrive $0xFFFF  }
0xd9: {  	p0 =	sne.s32 s3, $0x0;
	_ =	strace $0x9000004D  }
0xda: {  	s0 =	sadd.s32 @!p0 $0x100000, s0;
	[bflag:$0x2] =	sbarrier.arrive $0xFFFF  }
0xdb: {  	[sflag:s0] =	ssyncadd.tile.s32 @!p0 $0x1;
	_ =	shalt  }
.Lfunc_end2:
_tile_overlayer_lowered:
.L_overlay_start_2:
0xdc: {  	(tag) =	ssettag $0x2  }
0xdd: {  	s0 =	rddreg [dreg:$0x0];
	s2 =	stileid.u32  }
0xde: {  	s1 =	rddreg [dreg:$0x1];
	p0 =	sne.s32 s2, $0x0  }
0xdf: {  	s3 =	rddreg [dreg:$0x2];
	[bflag:$0x3] =	sbarrier.arrive $0xFFFF;
	s2 =	simm.s32 @!p0 $0x1C03  }
0xe0: {  	[timem:s3], [sflag:s2] =	dma.local @!p0 [hbm:s0], s1  }
0xe1: {  	s0 =	simm.s32 @!p0 $0x3  }
0xe2: {  	_ =	swait.ge @!p0 [sflag:s0], s1  }
0xe3: {  	s1 =	ssub.s32 @!p0 $0x0, s1;
	[sflag:s0] =	ssyncset.done @!p0 $0x0  }
0xe4: {  	[sflag:s0] =	ssyncadd.s32 @!p0 s1  }
0xe5: {  	[bflag:$0x3] =	sbarrier.arrive $0xFFFF  }
0xe6: {  	_ =	shalt  }

// kernel: kernel.19.cloned.1.call-start
scs
__scs_entry_jumppad:
0x0: {  	(pc) =	sbr.rel $0x88, $3  }
0x1: {  	(tag) =	ssettag $0x0;
	lr =	simm.s32 $0x1  }
0x2: {  	[smem:$0x3F9F] =	sst lr;
	_ =	strace $0xD0000000  }
0x3: {  	_ = 	snop  }
0x4: {  	_ = 	snop  }
0x5: {  	_ = 	snop  }
0x6: {  	_ = 	snop  }
0x7: {  	_ = 	snop  }
__scs_overlays_trampoline_lowered:
0x8: {  	[smem:$0x3FAE] =	sst s0  }
0x9: {  	[smem:$0x3FAF] =	sst s1  }
0xa: {  	[smem:$0x3FB0] =	sst s2  }
0xb: {  	[smem:$0x3FB1] =	sst s3  }
0xc: {  	[smem:$0x3FB2] =	sst s4  }
0xd: {  	[smem:$0x3FB3] =	sst s5  }
0xe: {  	[smem:$0x3FB4] =	sst s6  }
0xf: {  	[smem:$0x3FB5] =	sst s7  }
0x10: {  	[smem:$0x3FB6] =	sst s8  }
0x11: {  	[smem:$0x3FB7] =	sst s9;
	s0 =	simm.s32 @!p0 $0x0  }
0x12: {  	s1 =	sld [smem:$0x3F9D];
	s0 =	simm.s32 @p0 $0x1  }
0x13: {  	[smem:$0x3FB8] =	sst s0;
	s0 =	simm.s32 @!p1 $0x0  }
0x14: {  	s2 =	sld [smem:$0x3F9C];
	s0 =	simm.s32 @p1 $0x1  }
0x15: {  	[smem:$0x3FB9] =	sst s0;
	s0 =	simm.s32 @!p2 $0x0  }
0x16: {  	s3 =	sld [smem:$0x3FDB];
	s0 =	simm.s32 @p2 $0x1  }
0x17: {  	s4 =	simm.s32 $0x1BF5;
	[smem:$0x3FBB] =	sst s0  }
0x18: {  	s0 =	sld [smem:$0x3F9E];
	_ =	swait.ge [sflag:s4], $0x0  }
0x19: {  	s7 =	sld [smem:$0x3F9F]  }
0x1a: {  	s8 =	sadd.s32 $0xFFFFE003, lr  }
0x1b: {  	s9 =	sadd.s32 $0xFFFFFEF7, lr;
	s5 =	simm.s32 $0xFFFFFFFF;
	p2 =	slt.u32 s8, $0xFFFFF086  }
0x1c: {  	p1 =	slt.u32 s9, $0xF7A;
	s5 =	simm.s32 @!p2 $0x0  }
0x1d: {  	s5 =	simm.s32 @p1 $0x1;
	p0 =	seq.s32 s7, s2  }
0x1e: {  	s7 =	smul.u32 @!p0 $0xF7A, s2;
	p2 =	seq.s32 @!p0 s5, $0x0  }
0x1f: {  	s9 =	smul.u32 $0xF7A, s1;
	s8 =	simm.s32 @!p0 $0x1BF5;
	p2 =	por !p2, p0  }
0x20: {  	[sflag:s8] =	ssyncset.s32 @!p0 $0xFFFFF086;
	s6 =	sadd.s32 @!p0 s3, s7;
	s7 =	simm.s32 @!p0 $0x108  }
0x21: {  	s3 =	sadd.s32 s3, s9;
	s6 =	sadd.s32 @!p0 $0x88, s6;
	s7 =	simm.s32 @p2 $0x1082  }
0x22: {  	[simem:s7], [sflag:s8] =	dma.local @!p0 [hbm:s6], $0xF7A  }
0x23: {  	s9 =	sor.u32 $0xD0000000, s2;
	s6 =	simm.s32 $0x108;
	_ =	swait.ge @!p0 [sflag:s8], $0x0  }
0x24: {  	s3 =	sadd.s32 $0x88, s3;
	s6 =	simm.s32 @!p1 $0x1082;
	[sflag:s4] =	ssyncset.s32 $0xFFFFF086  }
0x25: {  	[simem:s6], [sflag:s4] =	dma.local [hbm:s3], $0xF7A  }
0x26: {  	[smem:$0x3F9F] =	sst s1;
	(tag) =	ssettag s2;
	_ =	strace s9  }
0x27: {  	s1 =	sld [smem:$0x3FAF]  }
0x28: {  	s2 =	sld [smem:$0x3FB0]  }
0x29: {  	s4 =	sld [smem:$0x3FB2]  }
0x2a: {  	p0 =	seq.s32 s5, $0x0;
	s5 =	sld [smem:$0x3FB3]  }
0x2b: {  	s6 =	sld [smem:$0x3FB4]  }
0x2c: {  	s7 =	sld [smem:$0x3FB5]  }
0x2d: {  	s3 =	simm.s32 $0x108;
	s8 =	sld [smem:$0x3FB6]  }
0x2e: {  	s3 =	simm.s32 @!p0 $0x1082;
	s9 =	sld [smem:$0x3FB7]  }
0x2f: {  	lr =	sadd.s32 s0, s3;
	s0 =	sld [smem:$0x3FAE]  }
0x30: {  	s3 =	sld [smem:$0x3FB1]  }
0x31: {  	[smem:$0x3FBA] =	sst s10  }
0x32: {  	s10 =	sld [smem:$0x3FB8];
	_ =	sdelay $0x3  }
0x33: {  	p0 =	seq.s32 s10, $0x1;
	s10 =	sld [smem:$0x3FBA];
	_ =	sdelay $0x3  }
0x34: {  	[smem:$0x3FBA] =	sst s10  }
0x35: {  	s10 =	sld [smem:$0x3FB9];
	_ =	sdelay $0x3  }
0x36: {  	p1 =	seq.s32 s10, $0x1;
	s10 =	sld [smem:$0x3FBA];
	_ =	sdelay $0x3  }
0x37: {  	[smem:$0x3FBA] =	sst s10  }
0x38: {  	s10 =	sld [smem:$0x3FBB]  }
0x39: {  	_ = 	snop;
	(pc) =	sbr.ind lr, $3  }
0x3a: {  	_ = 	snop  }
0x3b: {  	_ = 	snop  }
0x3c: {  	p2 =	seq.s32 s10, $0x1;
	s10 =	sld [smem:$0x3FBA]  }
0x3d: {  	_ =	shalt  }
0x3e: {  	_ =	shalt  }
0x3f: {  	_ =	shalt  }
0x40: {  	_ =	shalt  }
0x41: {  	_ =	shalt  }
0x42: {  	_ =	shalt  }
0x43: {  	_ =	shalt  }
0x44: {  	_ =	shalt  }
0x45: {  	_ =	shalt  }
0x46: {  	_ =	shalt  }
0x47: {  	_ =	shalt  }
0x48: {  	_ =	shalt  }
0x49: {  	_ =	shalt  }
0x4a: {  	_ =	shalt  }
0x4b: {  	_ =	shalt  }
0x4c: {  	_ =	shalt  }
0x4d: {  	_ =	shalt  }
0x4e: {  	_ =	shalt  }
0x4f: {  	_ =	shalt  }
0x50: {  	_ =	shalt  }
0x51: {  	_ =	shalt  }
0x52: {  	_ =	shalt  }
0x53: {  	_ =	shalt  }
0x54: {  	_ =	shalt  }
0x55: {  	_ =	shalt  }
0x56: {  	_ =	shalt  }
0x57: {  	_ =	shalt  }
0x58: {  	_ =	shalt  }
0x59: {  	_ =	shalt  }
0x5a: {  	_ =	shalt  }
0x5b: {  	_ =	shalt  }
0x5c: {  	_ =	shalt  }
0x5d: {  	_ =	shalt  }
0x5e: {  	_ =	shalt  }
0x5f: {  	_ =	shalt  }
0x60: {  	_ =	shalt  }
0x61: {  	_ =	shalt  }
0x62: {  	_ =	shalt  }
0x63: {  	_ =	shalt  }
0x64: {  	_ =	shalt  }
0x65: {  	_ =	shalt  }
0x66: {  	_ =	shalt  }
0x67: {  	_ =	shalt  }
0x68: {  	_ =	shalt  }
0x69: {  	_ =	shalt  }
0x6a: {  	_ =	shalt  }
0x6b: {  	_ =	shalt  }
0x6c: {  	_ =	shalt  }
0x6d: {  	_ =	shalt  }
0x6e: {  	_ =	shalt  }
0x6f: {  	_ =	shalt  }
0x70: {  	_ =	shalt  }
0x71: {  	_ =	shalt  }
0x72: {  	_ =	shalt  }
0x73: {  	_ =	shalt  }
0x74: {  	_ =	shalt  }
0x75: {  	_ =	shalt  }
0x76: {  	_ =	shalt  }
0x77: {  	_ =	shalt  }
0x78: {  	_ =	shalt  }
0x79: {  	_ =	shalt  }
0x7a: {  	_ =	shalt  }
0x7b: {  	_ =	shalt  }
0x7c: {  	_ =	shalt  }
0x7d: {  	_ =	shalt  }
0x7e: {  	_ =	shalt  }
0x7f: {  	_ =	shalt  }
0x80: {  	_ =	shalt  }
0x81: {  	_ =	shalt  }
0x82: {  	_ =	shalt  }
0x83: {  	_ =	shalt  }
0x84: {  	_ =	shalt  }
0x85: {  	_ =	shalt  }
0x86: {  	_ =	shalt  }
0x87: {  	_ =	shalt  }
.Lfunc_end0:
.L_simem_size_0:
called_computation.3_lowered:
.L_overlay_start_0:
0x88: {  	s2 =	sld [smem:$0x3FD9]  }
0x89: {  	s3 =	sld [smem:$0x3FFE];
	_ =	sdelay $0x1  }
0x8a: {  	s1 =	srdreg.scid  }
0x8b: {  	s0 =	sand.u32 $0x1, s1  }
0x8c: {  	s17 =	sshll.u32 s0, $0xA;
	s2 =	sadd.s32 s3, s2  }
0x8d: {  	s2 =	sadd.s32 s2, s17  }
0x8e: {  	[smem:$0x3FC6] =	sst s2  }
0x8f: {  	_ = 	snop  }
0x90: {  	s2 =	sld [smem:$0x3FD0];
	(tm) =	ssettm $0x1  }
0x91: {  	s18 =	sld [smem:$0x3FFB];
	_ =	sdelay $0x3  }
0x92: {  	_ =	strace s18  }
0x93: {  	s3 =	sld [smem:$0x3FFC];
	_ =	sdelay $0x3  }
0x94: {  	_ =	strace s3  }
0x95: {  	s3 =	sld [smem:$0x3FFD];
	_ =	sdelay $0x3  }
0x96: {  	_ =	strace s3  }
0x97: {  	_ =	strace $0x8FFFFFFF  }
0x98: {  	s19 =	sld [smem:$0x3FDB];
	_ =	sdelay $0x1  }
0x99: {  	s4 =	simm.s32 $_scs_section_size  }
0x9a: {  	s5 =	simm.s32 $_size__tile_overlayer_lowered;
	s6 =	simm.s32 $_tile_overlayer_lowered  }
0x9b: {  	s22 =	simm.s32 $0x1BFF;
	s21 =	sshll.u32 s6, $0x1;
	s3 =	sadd.s32 s4, s19  }
0x9c: {  	s7 =	simm.s32 $0x0;
	s20 =	sshll.u32 s5, $0x1;
	s5 =	sadd.s32 s21, s3  }
0x9d: {  	[timem:s7], [sflag:s22] =	dma.local [hbm:s5], s20  }
0x9e: {  	_ =	swait.ge [sflag:s22], s20  }
0x9f: {  	s4 =	ssub.s32 $0x0, s20;
	[sflag:s22] =	ssyncset.done $0x0  }
0xa0: {  	[sflag:s22] =	ssyncadd.s32 s4;
	_ =	sdelay $0x1  }
0xa1: {  	s23 =	simm.s32 $0x1B8B  }
0xa2: {  	_ =	swait.ge [sflag:s23], $0x1  }
0xa3: {  	[sflag:s23] =	ssyncset.done $0x0  }
0xa4: {  	s25 =	simm.s32 $0x1B8E;
	s24 =	sld [smem:$0x3FFE];
	[sflag:s23] =	ssyncadd.s32 $0xFFFFFFFF  }
0xa5: {  	s26 =	simm.s32 $execute0_lowered;
	[smem:$0x3FD2] =	sst s25  }
0xa6: {  	s5 =	sshll.u32 s26, $0x1;
	_ =	strace $0x8000004F;
	[dreg:$0x1] =	wrdreg $0xFFFFFFFF  }
0xa7: {  	s28 =	simm.s32 $_size_execute0_lowered;
	s3 =	sadd.s32 s3, s5;
	[dreg:$0x0] =	wrdreg $0x0  }
0xa8: {  	s5 =	sshll.u32 s28, $0x1;
	[dreg:$0x2] =	wrdreg s3  }
0xa9: {  	[dreg:$0x3] =	wrdreg s5  }
0xaa: {  	[dreg:$0x4] =	wrdreg $0xC0  }
0xab: {  	_ =	task [dreg:s7], $0x5FFFF  }
0xac: {  	[dreg:$0x1] =	wrdreg $0xFFFFFFFF  }
0xad: {  	[dreg:$0x0] =	wrdreg $0x60  }
0xae: {  	[dreg:$0x2] =	wrdreg s24  }
0xaf: {  	[dreg:$0x3] =	wrdreg s2  }
0xb0: {  	[dreg:$0x4] =	wrdreg $0x0  }
0xb1: {  	[dreg:$0x5] =	wrdreg $0x9  }
0xb2: {  	_ =	task.clear_ibuf [dreg:s7], $0x6FFFF;
	_ =	strace $0x9000004F  }
0xb3: {  	s29 =	simm.s32 $0x9;
	_ =	strace $0x80000051  }
0xb4: {  	_ =	swait.ge [sflag:s29], $0x1  }
0xb5: {  	[sflag:s29] =	ssyncadd.s32 $0xFFFFFFFF  }
0xb6: {  	_ =	strace $0x90000051  }
0xb7: {  	_ =	sfence  }
0xb8: {  	s30 =	sld [smem:$0x0];
	_ =	sdelay $0x2  }
0xb9: {  	s31 =	sshll.u32 s1, $0xD;
	s1 =	sshrl.u32 s1, $0x2  }
0xba: {  	s3 =	sand.u32 $0x4000, s31;
	s1 =	sadd.s32 s1, s30  }
0xbb: {  	s0 =	sor.u32 s3, s0;
	s1 =	sshll.u32 s1, $0x11  }
0xbc: {  	s0 =	sor.u32 s1, s0  }
0xbd: {  	s0 =	sadd.s32 $0x8F2B, s0  }
0xbe: {  	[sflag:s0] =	ssyncadd.remote.s32 $0x1  }
0xbf: {  	_ =	sfence.sel $0xFFFF  }
0xc0: {  	[dreg:$0x0] =	wrdreg $0xFFFFFFFF;
	(pc) =	sbr.abs _section_cstart, $3  }
0xc1: {  	[dreg:$0x1] =	wrdreg $0xFFFFFFFF  }
0xc2: {  	_ =	task.clear_ibuf [dreg:s7], $0x2FFFF;
	_ =	strace $0x9FFFFFFF  }
0xc3: {  	(tm) =	ssettm $0x7FFFFFFF  }
tec
execute0_lowered:
.L_overlay_start_1:
0x0: {  	(tag) =	ssettag $0x1  }
0x1: {  	s6 =	rddreg [dreg:$0x0]  }
0x2: {  	s1 =	rddreg [dreg:$0x1]  }
0x3: {  	s2 =	rddreg [dreg:$0x2]  }
0x4: {  	s3 =	srdreg.scid;
	s0 =	rddreg [dreg:$0x3]  }
0x5: {  	s4 =	simm.s32 $0x0;
	s13 =	simm.s32 $0x80;
	s14 =	simm.s32 $0x1E480  }
0x6: {  	s15 =	simm.s32 $0x16400;
	s16 =	simm.s32 $0x1E580;
	s17 =	simm.s32 $0x1A400  }
0x7: {  	s18 =	simm.s32 $0x1;
	s19 =	simm.s32 $0x1E400;
	s20 =	simm.s32 $0x2  }
0x8: {  	s21 =	simm.s32 $0x1E500;
	s7 =	sand.u32 $0x1, s3;
	s3 =	stileid.u32  }
0x9: {  	s22 =	simm.s32 $0x0;
	[smem:$0x7FF] =	sst s4;
	s8 =	smul.u32 $0x13C000, s7  }
0xa: {  	s5 =	sshll.u32 s7, $0x4;
	s9 =	smul.u32 $0x13C00, s3;
	_ =	strace $0x80000050  }
0xb: {  	s7 =	ssub.s32 $0x2, s7;
	s28 =	smul.u32 $0x4F000, s3;
	s31 =	sshll.u32 s3, $0x6  }
0xc: {  	s10 =	sor.u32 s3, s5;
	s5 =	sadd.s32 $0x5C000, s6;
	s29 =	sshrl.u32 s7, $0x1  }
0xd: {  	s10 =	smul.u32 $0x500, s10;
	s8 =	sadd.s32 s9, s8;
	s30 =	sshrl.u32 s28, $0x2  }
0xe: {  	s11 =	ssub.s32 s7, s29;
	s8 =	sshrl.u32 s8, $0x3;
	s12 =	sadd.s32 s30, s2  }
0xf: {  	s9 =	smax.u32 s11, $0x1;
	s11 =	simm.s32 $0x3;
	s10 =	sadd.s32 s10, s6  }
0x10: {  	s8 =	sadd.s32 s8, s6;
	s6 =	sor.u32 $0x1C03, s31;
	s7 =	sadd.s32 $0x3000, s10  }
0x11: {  	s8 =	sadd.s32 $0x83800, s8;
	s10 =	sshrl.u32 s12, $0x3;
	s12 =	simm.s32 $0x13C00  }
.LBB2_1:
0x12: {  	[spmem:s10], [sflag:s6] =	dma.local [hbm:s1], $0x2780  }
0x13: {  	_ =	swait.ge [sflag:s11], $0x2780  }
0x14: {  	[sflag:s11] =	ssyncset.done $0x0  }
0x15: {  	[sflag:s11] =	ssyncadd.s32 $0xFFFFD880  }
0x16: {  	[tilespmem:s12], [sflag:$0x3] =	stream.linear.gather [hbm4b:s7+s4], $0x2800, $0x38;
	[tilespmem:$0x1E600] =	vst v63  }
0x17: {  	_ =	swait.ge [sflag:s11], $0x2800  }
0x18: {  	[sflag:s11] =	ssyncset.done $0x0  }
0x19: {  	[sflag:s11] =	ssyncadd.s32 $0xFFFFD800  }
0x1a: {  	[bflag:$0x0] =	sbarrier.arrive $0xFFFF  }
0x1b: {  	v0 =	vld [tilespmem:$0x13C00];
	_ =	sdelay $0x1  }
0x1c: {  	v1 =	vld [tilespmem:$0x13C10];
	_ =	sdelay $0x1  }
0x1d: {  	v2 =	vld [tilespmem:$0x13C20]  }
0x1e: {  	v3 =	vand.u32 $0xFFFF, v0  }
0x1f: {  	v0 =	vshra.s32 v0, $0x10;
	[tilespmem:$0x1E400] =	vst v3;
	v3 =	vld [tilespmem:$0x13C30]  }
0x20: {  	[tilespmem:$0x1E480] =	vst v0;
	v0 =	vand.u32 $0xFFFF, v1  }
0x21: {  	[tilespmem:$0x1E410] =	vst v0;
	v0 =	vshra.s32 v1, $0x10;
	v1 =	vld [tilespmem:$0x13C40]  }
0x22: {  	[tilespmem:$0x1E490] =	vst v0;
	v0 =	vand.u32 $0xFFFF, v2  }
0x23: {  	[tilespmem:$0x1E420] =	vst v0;
	v0 =	vshra.s32 v2, $0x10;
	v2 =	vld [tilespmem:$0x13C50]  }
0x24: {  	[tilespmem:$0x1E4A0] =	vst v0;
	v0 =	vand.u32 $0xFFFF, v3  }
0x25: {  	[tilespmem:$0x1E430] =	vst v0;
	v0 =	vshra.s32 v3, $0x10;
	v3 =	vld [tilespmem:$0x13C60]  }
0x26: {  	[tilespmem:$0x1E4B0] =	vst v0;
	v0 =	vand.u32 $0xFFFF, v1  }
0x27: {  	[tilespmem:$0x1E440] =	vst v0;
	v0 =	vshra.s32 v1, $0x10;
	v1 =	vld [tilespmem:$0x13C70]  }
0x28: {  	[tilespmem:$0x1E4C0] =	vst v0;
	v0 =	vand.u32 $0xFFFF, v2  }
0x29: {  	[tilespmem:$0x1E450] =	vst v0;
	v0 =	vshra.s32 v2, $0x10  }
0x2a: {  	[tilespmem:$0x1E4D0] =	vst v0;
	v0 =	vand.u32 $0xFFFF, v3  }
0x2b: {  	[tilespmem:$0x1E460] =	vst v0;
	v0 =	vshra.s32 v3, $0x10  }
0x2c: {  	[tilespmem:$0x1E4E0] =	vst v0;
	v0 =	vand.u32 $0xFFFF, v1  }
0x2d: {  	[tilespmem:$0x1E470] =	vst v0;
	v0 =	vshra.s32 v1, $0x10  }
0x2e: {  	s23 =	simm.s32 $0x0;
	[tilespmem:$0x1E4F0] =	vst v0  }
0x2f: {  	[tilespmem:s15], [sflag:$0x1] =	stream.indirect.gather [hbm4b:s5+s13], $0x80, s14, s13, $0xb8;
	[tilespmem:$0x1E600] =	vst v63  }
0x30: {  	v0 =	vld [tilespmem:s23+$0x13C80];
	_ =	sdelay $0x4  }
0x31: {  	v1 =	vand.u32 $0xFFFF, v0  }
0x32: {  	v0 =	vshra.s32 v0, $0x10;
	[tilespmem:$0x1E500] =	vst v1  }
0x33: {  	[tilespmem:$0x1E580] =	vst v0  }
0x34: {  	v0 =	vld [tilespmem:s23+$0x13C90];
	_ =	sdelay $0x4  }
0x35: {  	v1 =	vand.u32 $0xFFFF, v0  }
0x36: {  	v0 =	vshra.s32 v0, $0x10;
	[tilespmem:$0x1E510] =	vst v1  }
0x37: {  	[tilespmem:$0x1E590] =	vst v0  }
0x38: {  	v0 =	vld [tilespmem:s23+$0x13CA0];
	_ =	sdelay $0x4  }
0x39: {  	v1 =	vand.u32 $0xFFFF, v0  }
0x3a: {  	v0 =	vshra.s32 v0, $0x10;
	[tilespmem:$0x1E520] =	vst v1  }
0x3b: {  	[tilespmem:$0x1E5A0] =	vst v0  }
0x3c: {  	v0 =	vld [tilespmem:s23+$0x13CB0];
	_ =	sdelay $0x4  }
0x3d: {  	v1 =	vand.u32 $0xFFFF, v0  }
0x3e: {  	v0 =	vshra.s32 v0, $0x10;
	[tilespmem:$0x1E530] =	vst v1  }
0x3f: {  	[tilespmem:$0x1E5B0] =	vst v0  }
0x40: {  	v0 =	vld [tilespmem:s23+$0x13CC0];
	_ =	sdelay $0x4  }
0x41: {  	v1 =	vand.u32 $0xFFFF, v0  }
0x42: {  	v0 =	vshra.s32 v0, $0x10;
	[tilespmem:$0x1E540] =	vst v1  }
0x43: {  	[tilespmem:$0x1E5C0] =	vst v0  }
0x44: {  	v0 =	vld [tilespmem:s23+$0x13CD0];
	_ =	sdelay $0x4  }
0x45: {  	v1 =	vand.u32 $0xFFFF, v0  }
0x46: {  	v0 =	vshra.s32 v0, $0x10;
	[tilespmem:$0x1E550] =	vst v1  }
0x47: {  	[tilespmem:$0x1E5D0] =	vst v0  }
0x48: {  	v0 =	vld [tilespmem:s23+$0x13CE0];
	_ =	sdelay $0x4  }
0x49: {  	v1 =	vand.u32 $0xFFFF, v0  }
0x4a: {  	v0 =	vshra.s32 v0, $0x10;
	[tilespmem:$0x1E560] =	vst v1  }
0x4b: {  	[tilespmem:$0x1E5E0] =	vst v0  }
0x4c: {  	v0 =	vld [tilespmem:s23+$0x13CF0];
	_ =	sdelay $0x4  }
0x4d: {  	v1 =	vand.u32 $0xFFFF, v0  }
0x4e: {  	v0 =	vshra.s32 v0, $0x10;
	[tilespmem:$0x1E570] =	vst v1  }
0x4f: {  	[tilespmem:$0x1E5F0] =	vst v0  }
0x50: {  	[tilespmem:s17], [sflag:$0x2] =	stream.indirect.gather [hbm4b:s5+s13], $0x80, s16, s13, $0xb8;
	[tilespmem:$0x1E600] =	vst v63  }
0x51: {  	_ =	swait.ge [sflag:s18], $0x4000  }
0x52: {  	[sflag:s18] =	ssyncset.done $0x0  }
0x53: {  	[sflag:s18] =	ssyncadd.s32 $0xFFFFC000  }
0x54: {  	[spmem:s2] =	stream.indirect.scatter.add.f32 [tilespmem:s15], [sflag:$0x3], $0x80, s19, s13, $0xb8;
	[tilespmem:$0x1E600] =	vst v63  }
0x55: {  	_ =	swait.ge [sflag:s11], $0x4000  }
0x56: {  	p1 =	por $0x0, $0x0;
	[sflag:s11] =	ssyncset.done $0x0  }
0x57: {  	s24 =	simm.s32 @!p1 $0x0;
	[sflag:s11] =	ssyncadd.s32 $0xFFFFC000  }
0x58: {  	v0 =	vld @!p1 [tilespmem:s24+$0x13D00];
	_ =	sdelay $0x4  }
0x59: {  	v1 =	vand.u32 @!p1 $0xFFFF, v0  }
0x5a: {  	v0 =	vshra.s32 @!p1 v0, $0x10;
	[tilespmem:$0x1E400] =	vst @!p1 v1  }
0x5b: {  	[tilespmem:$0x1E480] =	vst @!p1 v0  }
0x5c: {  	v0 =	vld @!p1 [tilespmem:s24+$0x13D10];
	_ =	sdelay $0x4  }
0x5d: {  	v1 =	vand.u32 @!p1 $0xFFFF, v0  }
0x5e: {  	v0 =	vshra.s32 @!p1 v0, $0x10;
	[tilespmem:$0x1E410] =	vst @!p1 v1  }
0x5f: {  	[tilespmem:$0x1E490] =	vst @!p1 v0  }
0x60: {  	v0 =	vld @!p1 [tilespmem:s24+$0x13D20];
	_ =	sdelay $0x4  }
0x61: {  	v1 =	vand.u32 @!p1 $0xFFFF, v0  }
0x62: {  	v0 =	vshra.s32 @!p1 v0, $0x10;
	[tilespmem:$0x1E420] =	vst @!p1 v1  }
0x63: {  	[tilespmem:$0x1E4A0] =	vst @!p1 v0  }
0x64: {  	v0 =	vld @!p1 [tilespmem:s24+$0x13D30];
	_ =	sdelay $0x4  }
0x65: {  	v1 =	vand.u32 @!p1 $0xFFFF, v0  }
0x66: {  	v0 =	vshra.s32 @!p1 v0, $0x10;
	[tilespmem:$0x1E430] =	vst @!p1 v1  }
0x67: {  	[tilespmem:$0x1E4B0] =	vst @!p1 v0  }
0x68: {  	v0 =	vld @!p1 [tilespmem:s24+$0x13D40];
	_ =	sdelay $0x4  }
0x69: {  	v1 =	vand.u32 @!p1 $0xFFFF, v0  }
0x6a: {  	v0 =	vshra.s32 @!p1 v0, $0x10;
	[tilespmem:$0x1E440] =	vst @!p1 v1  }
0x6b: {  	[tilespmem:$0x1E4C0] =	vst @!p1 v0  }
0x6c: {  	v0 =	vld @!p1 [tilespmem:s24+$0x13D50];
	_ =	sdelay $0x4  }
0x6d: {  	v1 =	vand.u32 @!p1 $0xFFFF, v0  }
0x6e: {  	v0 =	vshra.s32 @!p1 v0, $0x10;
	[tilespmem:$0x1E450] =	vst @!p1 v1  }
0x6f: {  	[tilespmem:$0x1E4D0] =	vst @!p1 v0  }
0x70: {  	v0 =	vld @!p1 [tilespmem:s24+$0x13D60];
	_ =	sdelay $0x4  }
0x71: {  	s26 =	simm.s32 @!p1 $0x80;
	v1 =	vand.u32 @!p1 $0xFFFF, v0  }
0x72: {  	s28 =	simm.s32 @!p1 $0x1E480;
	s29 =	simm.s32 @!p1 $0x16400;
	s23 =	simm.s32 $0x400;
	v0 =	vshra.s32 @!p1 v0, $0x10;
	[tilespmem:$0x1E460] =	vst @!p1 v1  }
.LBB2_2:
0x73: {  	[tilespmem:$0x1E4E0] =	vst @!p1 v0;
	s25 =	smov.u32 s23;
	s23 =	sadd.s32 $0x400, s23  }
0x74: {  	p0 =	sne.s32 s23, $0xA000;
	v0 =	vld @!p1 [tilespmem:s24+$0x13D70];
	_ =	sdelay $0x4  }
0x75: {  	v1 =	vand.u32 @!p1 $0xFFFF, v0;
	v0 =	vshra.s32 @!p1 v0, $0x10  }
0x76: {  	[tilespmem:$0x1E470] =	vst @!p1 v1  }
0x77: {  	[tilespmem:$0x1E4F0] =	vst @!p1 v0  }
0x78: {  	[tilespmem:s29], [sflag:$0x1] =	stream.indirect.gather @!p1 [hbm4b:s5+s26], $0x80, s28, s26, $0xb8;
	[tilespmem:$0x1E600] =	vst v63  }
0x79: {  	_ =	swait.ge [sflag:s20], $0x4000  }
0x7a: {  	[sflag:s20] =	ssyncset.done $0x0  }
0x7b: {  	[sflag:s20] =	ssyncadd.s32 $0xFFFFC000  }
0x7c: {  	[spmem:s2] =	stream.indirect.scatter.add.f32 [tilespmem:s17], [sflag:$0x3], $0x80, s21, s13, $0xb8;
	[tilespmem:$0x1E600] =	vst v63  }
0x7d: {  	_ =	swait.ge [sflag:s11], $0x4000  }
0x7e: {  	[sflag:s11] =	ssyncset.done $0x0  }
0x7f: {  	s24 =	sshra.s32 s25, $0x2;
	[sflag:s11] =	ssyncadd.s32 $0xFFFFC000  }
0x80: {  	v0 =	vld [tilespmem:s24+$0x13C80];
	_ =	sdelay $0x4  }
0x81: {  	v1 =	vand.u32 $0xFFFF, v0;
	v0 =	vshra.s32 v0, $0x10  }
0x82: {  	[tilespmem:$0x1E500] =	vst v1  }
0x83: {  	[tilespmem:$0x1E580] =	vst v0  }
0x84: {  	v0 =	vld [tilespmem:s24+$0x13C90];
	_ =	sdelay $0x4  }
0x85: {  	v1 =	vand.u32 $0xFFFF, v0;
	v0 =	vshra.s32 v0, $0x10  }
0x86: {  	[tilespmem:$0x1E510] =	vst v1  }
0x87: {  	[tilespmem:$0x1E590] =	vst v0  }
0x88: {  	v0 =	vld [tilespmem:s24+$0x13CA0];
	_ =	sdelay $0x4  }
0x89: {  	v1 =	vand.u32 $0xFFFF, v0;
	v0 =	vshra.s32 v0, $0x10  }
0x8a: {  	[tilespmem:$0x1E520] =	vst v1  }
0x8b: {  	[tilespmem:$0x1E5A0] =	vst v0  }
0x8c: {  	v0 =	vld [tilespmem:s24+$0x13CB0];
	_ =	sdelay $0x4  }
0x8d: {  	v1 =	vand.u32 $0xFFFF, v0;
	v0 =	vshra.s32 v0, $0x10  }
0x8e: {  	[tilespmem:$0x1E530] =	vst v1  }
0x8f: {  	[tilespmem:$0x1E5B0] =	vst v0  }
0x90: {  	v0 =	vld [tilespmem:s24+$0x13CC0];
	_ =	sdelay $0x4  }
0x91: {  	v1 =	vand.u32 $0xFFFF, v0;
	v0 =	vshra.s32 v0, $0x10  }
0x92: {  	[tilespmem:$0x1E540] =	vst v1  }
0x93: {  	[tilespmem:$0x1E5C0] =	vst v0  }
0x94: {  	v0 =	vld [tilespmem:s24+$0x13CD0];
	_ =	sdelay $0x4  }
0x95: {  	v1 =	vand.u32 $0xFFFF, v0;
	v0 =	vshra.s32 v0, $0x10  }
0x96: {  	[tilespmem:$0x1E550] =	vst v1  }
0x97: {  	[tilespmem:$0x1E5D0] =	vst v0  }
0x98: {  	v0 =	vld [tilespmem:s24+$0x13CE0];
	_ =	sdelay $0x4  }
0x99: {  	v1 =	vand.u32 $0xFFFF, v0;
	v0 =	vshra.s32 v0, $0x10  }
0x9a: {  	[tilespmem:$0x1E560] =	vst v1  }
0x9b: {  	[tilespmem:$0x1E5E0] =	vst v0  }
0x9c: {  	v0 =	vld [tilespmem:s24+$0x13CF0];
	_ =	sdelay $0x4  }
0x9d: {  	v1 =	vand.u32 $0xFFFF, v0;
	v0 =	vshra.s32 v0, $0x10  }
0x9e: {  	p1 =	seq.s32 s25, $0x9C00;
	[tilespmem:$0x1E570] =	vst v1  }
0x9f: {  	s24 =	sshra.s32 @!p1 s25, $0x2;
	[tilespmem:$0x1E5F0] =	vst v0  }
0xa0: {  	[tilespmem:s17], [sflag:$0x2] =	stream.indirect.gather [hbm4b:s5+s13], $0x80, s16, s13, $0xb8;
	[tilespmem:$0x1E600] =	vst v63  }
0xa1: {  	_ =	swait.ge [sflag:s18], $0x4000  }
0xa2: {  	[sflag:s18] =	ssyncset.done $0x0  }
0xa3: {  	[sflag:s18] =	ssyncadd.s32 $0xFFFFC000  }
0xa4: {  	[spmem:s2] =	stream.indirect.scatter.add.f32 [tilespmem:s15], [sflag:$0x3], $0x80, s19, s13, $0xb8;
	[tilespmem:$0x1E600] =	vst v63  }
0xa5: {  	_ =	swait.ge [sflag:s11], $0x4000  }
0xa6: {  	[sflag:s11] =	ssyncset.done $0x0  }
0xa7: {  	[sflag:s11] =	ssyncadd.s32 $0xFFFFC000  }
0xa8: {  	v0 =	vld @!p1 [tilespmem:s24+$0x13D00];
	_ =	sdelay $0x4  }
0xa9: {  	v1 =	vand.u32 @!p1 $0xFFFF, v0;
	v0 =	vshra.s32 @!p1 v0, $0x10  }
0xaa: {  	[tilespmem:$0x1E400] =	vst @!p1 v1  }
0xab: {  	[tilespmem:$0x1E480] =	vst @!p1 v0  }
0xac: {  	v0 =	vld @!p1 [tilespmem:s24+$0x13D10];
	_ =	sdelay $0x4  }
0xad: {  	v1 =	vand.u32 @!p1 $0xFFFF, v0;
	v0 =	vshra.s32 @!p1 v0, $0x10  }
0xae: {  	[tilespmem:$0x1E410] =	vst @!p1 v1  }
0xaf: {  	[tilespmem:$0x1E490] =	vst @!p1 v0  }
0xb0: {  	v0 =	vld @!p1 [tilespmem:s24+$0x13D20];
	_ =	sdelay $0x4  }
0xb1: {  	v1 =	vand.u32 @!p1 $0xFFFF, v0;
	v0 =	vshra.s32 @!p1 v0, $0x10  }
0xb2: {  	[tilespmem:$0x1E420] =	vst @!p1 v1  }
0xb3: {  	[tilespmem:$0x1E4A0] =	vst @!p1 v0  }
0xb4: {  	v0 =	vld @!p1 [tilespmem:s24+$0x13D30];
	_ =	sdelay $0x4  }
0xb5: {  	v1 =	vand.u32 @!p1 $0xFFFF, v0;
	v0 =	vshra.s32 @!p1 v0, $0x10  }
0xb6: {  	[tilespmem:$0x1E430] =	vst @!p1 v1  }
0xb7: {  	[tilespmem:$0x1E4B0] =	vst @!p1 v0  }
0xb8: {  	v0 =	vld @!p1 [tilespmem:s24+$0x13D40];
	_ =	sdelay $0x4  }
0xb9: {  	v1 =	vand.u32 @!p1 $0xFFFF, v0;
	v0 =	vshra.s32 @!p1 v0, $0x10  }
0xba: {  	[tilespmem:$0x1E440] =	vst @!p1 v1  }
0xbb: {  	[tilespmem:$0x1E4C0] =	vst @!p1 v0  }
0xbc: {  	v0 =	vld @!p1 [tilespmem:s24+$0x13D50];
	_ =	sdelay $0x4  }
0xbd: {  	v1 =	vand.u32 @!p1 $0xFFFF, v0;
	v0 =	vshra.s32 @!p1 v0, $0x10  }
0xbe: {  	[tilespmem:$0x1E450] =	vst @!p1 v1  }
0xbf: {  	s26 =	simm.s32 @!p1 $0x80;
	s28 =	simm.s32 @!p1 $0x1E480;
	s29 =	simm.s32 @!p1 $0x16400;
	[tilespmem:$0x1E4D0] =	vst @!p1 v0  }
0xc0: {  	v0 =	vld @!p1 [tilespmem:s24+$0x13D60];
	_ =	sdelay $0x1  }
.Ltmp0:
0xc1: {  	(pc) =	sbr.rel @p0 .LBB2_2-.Ltmp0, $3  }
0xc2: {  	_ =	sdelay $0x1  }
0xc3: {  	v1 =	vand.u32 @!p1 $0xFFFF, v0;
	v0 =	vshra.s32 @!p1 v0, $0x10  }
0xc4: {  	[tilespmem:$0x1E460] =	vst @!p1 v1  }
0xc5: {  	[tilespmem:$0x1E4E0] =	vst @!p1 v0  }
0xc6: {  	v0 =	vld @!p1 [tilespmem:s24+$0x13D70];
	_ =	sdelay $0x4  }
0xc7: {  	v1 =	vand.u32 @!p1 $0xFFFF, v0  }
0xc8: {  	v0 =	vshra.s32 @!p1 v0, $0x10;
	[tilespmem:$0x1E470] =	vst @!p1 v1  }
0xc9: {  	[tilespmem:$0x1E4F0] =	vst @!p1 v0  }
0xca: {  	[tilespmem:s29], [sflag:$0x1] =	stream.indirect.gather @!p1 [hbm4b:s5+s26], $0x80, s28, s26, $0xb8;
	[tilespmem:$0x1E600] =	vst v63  }
0xcb: {  	_ =	swait.ge [sflag:s20], $0x4000  }
0xcc: {  	[sflag:s20] =	ssyncset.done $0x0  }
0xcd: {  	[sflag:s20] =	ssyncadd.s32 $0xFFFFC000  }
0xce: {  	[spmem:s2] =	stream.indirect.scatter.add.f32 [tilespmem:s17], [sflag:$0x3], $0x80, s21, s13, $0xb8;
	[tilespmem:$0x1E600] =	vst v63  }
0xcf: {  	_ =	swait.ge [sflag:s11], $0x4000  }
0xd0: {  	s22 =	sadd.s32 $0x1, s22;
	[sflag:s11] =	ssyncset.done $0x0  }
0xd1: {  	p0 =	sne.s32 s22, s9;
	[sflag:s11] =	ssyncadd.s32 $0xFFFFC000  }
.Ltmp1:
0xd2: {  	[bflag:$0x0] =	sbarrier.arrive $0xFFFF;
	(pc) =	sbr.rel @p0 .LBB2_1-.Ltmp1, $4  }
0xd3: {  	[hbm:s8], [sflag:s6] =	dma.local [spmem:s10], $0x2780  }
0xd4: {  	_ =	swait.ge [sflag:s11], $0x2780  }
0xd5: {  	[sflag:s11] =	ssyncset.done $0x0  }
0xd6: {  	[sflag:s11] =	ssyncadd.s32 $0xFFFFD880  }
0xd7: {  	_ =	sfence.sel $0x180000  }
0xd8: {  	[bflag:$0x0] =	sbarrier.arrive $0xFFFF  }
0xd9: {  	p0 =	sne.s32 s3, $0x0;
	_ =	strace $0x90000050  }
0xda: {  	s0 =	sadd.s32 @!p0 $0x100000, s0;
	[bflag:$0x2] =	sbarrier.arrive $0xFFFF  }
0xdb: {  	[sflag:s0] =	ssyncadd.tile.s32 @!p0 $0x1;
	_ =	shalt  }
.Lfunc_end2:
_tile_overlayer_lowered:
.L_overlay_start_2:
0xdc: {  	(tag) =	ssettag $0x2  }
0xdd: {  	s0 =	rddreg [dreg:$0x0];
	s2 =	stileid.u32  }
0xde: {  	s1 =	rddreg [dreg:$0x1];
	p0 =	sne.s32 s2, $0x0  }
0xdf: {  	s3 =	rddreg [dreg:$0x2];
	[bflag:$0x3] =	sbarrier.arrive $0xFFFF;
	s2 =	simm.s32 @!p0 $0x1C03  }
0xe0: {  	[timem:s3], [sflag:s2] =	dma.local @!p0 [hbm:s0], s1  }
0xe1: {  	s0 =	simm.s32 @!p0 $0x3  }
0xe2: {  	_ =	swait.ge @!p0 [sflag:s0], s1  }
0xe3: {  	s1 =	ssub.s32 @!p0 $0x0, s1;
	[sflag:s0] =	ssyncset.done @!p0 $0x0  }
0xe4: {  	[sflag:s0] =	ssyncadd.s32 @!p0 s1  }
0xe5: {  	[bflag:$0x3] =	sbarrier.arrive $0xFFFF  }
0xe6: {  	_ =	shalt  }

</sc_bundles>
